<compile_context>
chip_gen: v7x
topology: tpu7x:2x2x1
jax: 0.10.2.dev20260603
libtpu: 0.0.44.dev20260713+nightly
codegen_flags: <defaults>
</compile_context>

<pallas_src>
import functools

import jax
import jax.numpy as jnp
from jax import lax
from jax.experimental import pallas as pl
from jax.experimental.pallas import tpu as pltpu
from jax.experimental.pallas import tpu_sc as plsc

_NC = 2
_NS = 16
_NW = _NC * _NS


def _sc_isnew_body(nk, chunk, v_hbm, o_hbm, v_vmem, isnew_vmem):
    wid = lax.axis_index("s") * _NC + lax.axis_index("c")
    base = wid * chunk
    pltpu.sync_copy(v_hbm.at[:, pl.ds(base, chunk)], v_vmem)

    @pl.loop(0, chunk // 16)
    def _(g):
        off = g * 16
        vs = [v_vmem[j, pl.ds(off, 16)] for j in range(nk)]
        for j in range(nk):
            f = 0 - vs[j]
            for l in range(j):
                f = f & (0 - (vs[j] ^ vs[l]))
            isnew_vmem[j, pl.ds(off, 16)] = jnp.where(f < 0, 1.0, 0.0)

    pltpu.sync_copy(isnew_vmem, o_hbm.at[:, pl.ds(base, chunk)])


def _tc_mlp_body(d_ref, n_ref, w1a_ref, w1bl_ref, w2_ref, b1_ref, b2_ref,
                 o_ref):
    a = jnp.dot(w1a_ref[...], d_ref[...], preferred_element_type=jnp.float32)
    b = jnp.dot(w1bl_ref[...], n_ref[...], preferred_element_type=jnp.float32)
    h = jnp.tanh(a + b + b1_ref[...])
    logits = jnp.dot(w2_ref[...], h,
                     preferred_element_type=jnp.float32) + b2_ref[...]
    m = jnp.max(logits, axis=0, keepdims=True)
    e = jnp.exp(logits - m)
    o_ref[...] = e / jnp.sum(e, axis=0, keepdims=True)


def kernel(distances, values, W1, b1, W2, b2):
    B, S, K = distances.shape
    T = B * S
    HID = W1.shape[1]
    OUT = W2.shape[1]
    OUTP = 8
    chunk = T // _NW

    dT = distances.reshape(T, K).T
    vT = values.astype(jnp.int32).reshape(T, K).T

    mesh = plsc.VectorSubcoreMesh(core_axis_name="c", subcore_axis_name="s")
    sc_isnew = pl.kernel(
        functools.partial(_sc_isnew_body, K, chunk),
        out_type=jax.ShapeDtypeStruct((K, T), jnp.float32),
        mesh=mesh,
        scratch_types=[
            pltpu.VMEM((K, chunk), jnp.int32),
            pltpu.VMEM((K, chunk), jnp.float32),
        ],
    )
    is_new = sc_isnew(vT)

    w1aT = W1[:K].T
    L = jnp.tril(jnp.ones((K, K), jnp.float32))
    w1blT = W1[K:].T @ L
    w2T = jnp.zeros((OUTP, HID), jnp.float32).at[:OUT].set(W2.T)
    b1c = b1.reshape(HID, 1)
    b2c = jnp.full((OUTP, 1), -1e9, jnp.float32).at[:OUT, 0].set(b2)

    out = pl.pallas_call(
        _tc_mlp_body,
        out_shape=jax.ShapeDtypeStruct((OUTP, T), jnp.float32),
    )(dT, is_new, w1aT, w1blT, w2T, b1c, b2c)

    return out[:OUT].T.reshape(B, S, OUT)

# --- scband reference (transcript-rebuilt; emitter-appended) ---
"""Pipeline reference for scband-meta-knetwork-72825465471277 (READ-ONLY COPY).

The authoritative reference and input builder live on the scoring server;
editing this copy changes nothing except your own understanding.
"""

import jax, jax.numpy as jnp
import numpy as np

MAX_K = 32
HID = 32
OUT = 2 + int(np.log2(MAX_K))  # 7


def _get_label_count_segment(values):
    B, S, K = values.shape
    mask = jnp.triu(jnp.ones((K, K), dtype=bool), k=1)
    ev = jnp.broadcast_to(values[:, :, None, :], (B, S, K, K))
    ev = jnp.where(mask, jnp.array(-1, dtype=values.dtype), ev)
    ls = jnp.sort(ev, axis=-1)
    tail = ls[..., 1:] * (ls[..., 1:] != ls[..., :-1]).astype(ls.dtype)
    ls = jnp.concatenate([ls[..., :1], tail], axis=-1)
    counts = (ls != 0).sum(-1)
    counts = jnp.concatenate([counts[..., :-1] - 1, counts[..., -1:]], axis=-1)
    return counts


def setup_inputs(seed: int = 0) -> dict:
    key = jax.random.key(seed)
    k1, k2, k3, k4, k5, k6 = jax.random.split(key, 6)
    B, S, K = 4, 2048, MAX_K
    distances = jax.random.uniform(k1, (B, S, K), dtype=jnp.float32)
    values = jax.random.randint(k2, (B, S, K), 0, 32000, dtype=jnp.int64)
    # meta network params: Linear(2K -> HID), Linear(HID -> OUT)
    W1 = jax.random.normal(k3, (2 * K, HID), dtype=jnp.float32) * 0.01
    b1 = jnp.zeros((HID,), dtype=jnp.float32)
    W2 = jax.random.normal(k4, (HID, OUT), dtype=jnp.float32) * (1.0 / np.sqrt(HID))
    b2 = jnp.zeros((OUT,), dtype=jnp.float32)
    return {"distances": distances, "values": values, "W1": W1, "b1": b1, "W2": W2, "b2": b2}


def reference(distances, values, W1, b1, W2, b2):
    label_counts = _get_label_count_segment(values)
    # distances.detach() / label_counts.detach() -> stop_gradient
    net_in = jnp.concatenate(
        [jax.lax.stop_gradient(distances), label_counts.astype(jnp.float32)], axis=-1
    )
    h = jnp.tanh(net_in @ W1 + b1)
    # dropout p=0.0 -> identity
    logits = h @ W2 + b2
    return jax.nn.softmax(logits, axis=-1)

if __name__ == "__main__":
    import jax
    _d = setup_inputs()
    print(jax.jit(kernel)(*tuple(_d.values())))

</pallas_src>

<mosaic_0001>
#map = affine_map<(d0, d1) -> (0, 0)>
module attributes {stable_mosaic.version = 14 : i64} {
  func.func @_sc_isnew_body(%arg0: i32, %arg1: i32, %arg2: memref<32x8192xi32, #tpu.memory_space<hbm>>, %arg3: memref<32x8192xf32, #tpu.memory_space<hbm>>, %arg4: memref<32x256xi32, #tpu.memory_space<vmem>>, %arg5: memref<32x256xf32, #tpu.memory_space<vmem>>) attributes {dimension_semantics = [#tpu.dimension_semantics<core_parallel>, #tpu.dimension_semantics<subcore_parallel>], iteration_bounds = array<i64: 2, 16>, scalar_prefetch = 0 : i64, scratch_operands = 2 : i64, tpu.core_type = #tpu.core_type<sc_vector_subcore>, window_params = [{transform_indices = #map}, {transform_indices = #map}]} {
    %mul3A = arith.constant 2 : i32
    %mul3A_0 = arith.muli %arg1, %mul3A : i32
    %add3A = arith.addi %mul3A_0, %arg0 : i32
    %mul3A_1 = arith.constant 256 : i32
    %mul3A_2 = arith.muli %add3A, %mul3A_1 : i32
    "tpu.region"() ({
      %run_scoped3A = tpu.sem_alloc : memref<!tpu.dma_semaphore, #tpu.memory_space<semaphore_mem>>
      %dma_start3A = arith.constant 0 : i32
      %dma_start3A_7 = tpu.memref_slice %arg2[%dma_start3A, %mul3A_2] : memref<32x8192xi32, #tpu.memory_space<hbm>> -> memref<32x256xi32, #tpu.memory_space<hbm>>
      %dma_start3A_8 = arith.constant 0 : i32
      %dma_start3A_9 = tpu.memref_slice %arg2[%dma_start3A_8, %mul3A_2] : memref<32x8192xi32, #tpu.memory_space<hbm>> -> memref<32x256xi32, #tpu.memory_space<hbm>>
      tpu.enqueue_dma source(%dma_start3A_9 : memref<32x256xi32, #tpu.memory_space<hbm>>) target(%arg4 : memref<32x256xi32, #tpu.memory_space<vmem>>) target_semaphore(%run_scoped3A : memref<!tpu.dma_semaphore, #tpu.memory_space<semaphore_mem>>)
      %dma_wait3A = arith.constant 0 : i32
      %dma_wait3A_10 = tpu.memref_slice %arg2[%dma_wait3A, %mul3A_2] : memref<32x8192xi32, #tpu.memory_space<hbm>> -> memref<32x256xi32, #tpu.memory_space<hbm>>
      %dma_wait3A_11 = arith.constant 0 : i32
      %dma_wait3A_12 = tpu.memref_slice %arg2[%dma_wait3A_11, %mul3A_2] : memref<32x8192xi32, #tpu.memory_space<hbm>> -> memref<32x256xi32, #tpu.memory_space<hbm>>
      tpu.wait_dma2 semaphore(%run_scoped3A : memref<!tpu.dma_semaphore, #tpu.memory_space<semaphore_mem>>) src(%dma_wait3A_12 : memref<32x256xi32, #tpu.memory_space<hbm>>) dst(%arg4 : memref<32x256xi32, #tpu.memory_space<vmem>>)
      tpu.yield
    }) : () -> ()
    %scan3A = arith.constant 0 : i32
    %scan3A_3 = arith.constant 16 : i32
    %scan3A_4 = arith.addi %scan3A, %scan3A_3 : i32
    %scan3A_5 = arith.constant 1 : i32
    scf.for %scan3A_7 = %scan3A to %scan3A_4 step %scan3A_5  : i32 {
      %mul3A_8 = arith.constant 1 : i32
      %mul3A_9 = arith.muli %scan3A_7, %mul3A_8 : i32
      %add3A_10 = arith.constant 0 : i32
      %add3A_11 = arith.addi %add3A_10, %mul3A_9 : i32
      %mul3A_12 = arith.constant 16 : i32
      %mul3A_13 = arith.muli %add3A_11, %mul3A_12 : i32
      %get3A = arith.constant 0 : i32
      %get3A_14 = arith.index_cast %get3A : i32 to index
      %get3A_15 = arith.index_cast %mul3A_13 : i32 to index
      %get3A_16 = tpu.vector_load %arg4[%get3A_14, %get3A_15] {strides = array<i32>} : memref<32x256xi32, #tpu.memory_space<vmem>>, vector<1x16xi32>,
      %get3A_17 = vector.shape_cast %get3A_16 : vector<1x16xi32> to vector<16xi32>
      %get3A_18 = arith.constant 1 : i32
      %get3A_19 = arith.index_cast %get3A_18 : i32 to index
      %get3A_20 = arith.index_cast %mul3A_13 : i32 to index
      %get3A_21 = tpu.vector_load %arg4[%get3A_19, %get3A_20] {strides = array<i32>} : memref<32x256xi32, #tpu.memory_space<vmem>>, vector<1x16xi32>,
      %get3A_22 = vector.shape_cast %get3A_21 : vector<1x16xi32> to vector<16xi32>
      %get3A_23 = arith.constant 2 : i32
      %get3A_24 = arith.index_cast %get3A_23 : i32 to index
      %get3A_25 = arith.index_cast %mul3A_13 : i32 to index
      %get3A_26 = tpu.vector_load %arg4[%get3A_24, %get3A_25] {strides = array<i32>} : memref<32x256xi32, #tpu.memory_space<vmem>>, vector<1x16xi32>,
      %get3A_27 = vector.shape_cast %get3A_26 : vector<1x16xi32> to vector<16xi32>
      %get3A_28 = arith.constant 3 : i32
      %get3A_29 = arith.index_cast %get3A_28 : i32 to index
      %get3A_30 = arith.index_cast %mul3A_13 : i32 to index
      %get3A_31 = tpu.vector_load %arg4[%get3A_29, %get3A_30] {strides = array<i32>} : memref<32x256xi32, #tpu.memory_space<vmem>>, vector<1x16xi32>,
      %get3A_32 = vector.shape_cast %get3A_31 : vector<1x16xi32> to vector<16xi32>
      %get3A_33 = arith.constant 4 : i32
      %get3A_34 = arith.index_cast %get3A_33 : i32 to index
      %get3A_35 = arith.index_cast %mul3A_13 : i32 to index
      %get3A_36 = tpu.vector_load %arg4[%get3A_34, %get3A_35] {strides = array<i32>} : memref<32x256xi32, #tpu.memory_space<vmem>>, vector<1x16xi32>,
      %get3A_37 = vector.shape_cast %get3A_36 : vector<1x16xi32> to vector<16xi32>
      %get3A_38 = arith.constant 5 : i32
      %get3A_39 = arith.index_cast %get3A_38 : i32 to index
      %get3A_40 = arith.index_cast %mul3A_13 : i32 to index
      %get3A_41 = tpu.vector_load %arg4[%get3A_39, %get3A_40] {strides = array<i32>} : memref<32x256xi32, #tpu.memory_space<vmem>>, vector<1x16xi32>,
      %get3A_42 = vector.shape_cast %get3A_41 : vector<1x16xi32> to vector<16xi32>
      %get3A_43 = arith.constant 6 : i32
      %get3A_44 = arith.index_cast %get3A_43 : i32 to index
      %get3A_45 = arith.index_cast %mul3A_13 : i32 to index
      %get3A_46 = tpu.vector_load %arg4[%get3A_44, %get3A_45] {strides = array<i32>} : memref<32x256xi32, #tpu.memory_space<vmem>>, vector<1x16xi32>,
      %get3A_47 = vector.shape_cast %get3A_46 : vector<1x16xi32> to vector<16xi32>
      %get3A_48 = arith.constant 7 : i32
      %get3A_49 = arith.index_cast %get3A_48 : i32 to index
      %get3A_50 = arith.index_cast %mul3A_13 : i32 to index
      %get3A_51 = tpu.vector_load %arg4[%get3A_49, %get3A_50] {strides = array<i32>} : memref<32x256xi32, #tpu.memory_space<vmem>>, vector<1x16xi32>,
      %get3A_52 = vector.shape_cast %get3A_51 : vector<1x16xi32> to vector<16xi32>
      %get3A_53 = arith.constant 8 : i32
      %get3A_54 = arith.index_cast %get3A_53 : i32 to index
      %get3A_55 = arith.index_cast %mul3A_13 : i32 to index
      %get3A_56 = tpu.vector_load %arg4[%get3A_54, %get3A_55] {strides = array<i32>} : memref<32x256xi32, #tpu.memory_space<vmem>>, vector<1x16xi32>,
      %get3A_57 = vector.shape_cast %get3A_56 : vector<1x16xi32> to vector<16xi32>
      %get3A_58 = arith.constant 9 : i32
      %get3A_59 = arith.index_cast %get3A_58 : i32 to index
      %get3A_60 = arith.index_cast %mul3A_13 : i32 to index
      %get3A_61 = tpu.vector_load %arg4[%get3A_59, %get3A_60] {strides = array<i32>} : memref<32x256xi32, #tpu.memory_space<vmem>>, vector<1x16xi32>,
      %get3A_62 = vector.shape_cast %get3A_61 : vector<1x16xi32> to vector<16xi32>
      %get3A_63 = arith.constant 10 : i32
      %get3A_64 = arith.index_cast %get3A_63 : i32 to index
      %get3A_65 = arith.index_cast %mul3A_13 : i32 to index
      %get3A_66 = tpu.vector_load %arg4[%get3A_64, %get3A_65] {strides = array<i32>} : memref<32x256xi32, #tpu.memory_space<vmem>>, vector<1x16xi32>,
      %get3A_67 = vector.shape_cast %get3A_66 : vector<1x16xi32> to vector<16xi32>
      %get3A_68 = arith.constant 11 : i32
      %get3A_69 = arith.index_cast %get3A_68 : i32 to index
      %get3A_70 = arith.index_cast %mul3A_13 : i32 to index
      %get3A_71 = tpu.vector_load %arg4[%get3A_69, %get3A_70] {strides = array<i32>} : memref<32x256xi32, #tpu.memory_space<vmem>>, vector<1x16xi32>,
      %get3A_72 = vector.shape_cast %get3A_71 : vector<1x16xi32> to vector<16xi32>
      %get3A_73 = arith.constant 12 : i32
      %get3A_74 = arith.index_cast %get3A_73 : i32 to index
      %get3A_75 = arith.index_cast %mul3A_13 : i32 to index
      %get3A_76 = tpu.vector_load %arg4[%get3A_74, %get3A_75] {strides = array<i32>} : memref<32x256xi32, #tpu.memory_space<vmem>>, vector<1x16xi32>,
      %get3A_77 = vector.shape_cast %get3A_76 : vector<1x16xi32> to vector<16xi32>
      %get3A_78 = arith.constant 13 : i32
      %get3A_79 = arith.index_cast %get3A_78 : i32 to index
      %get3A_80 = arith.index_cast %mul3A_13 : i32 to index
      %get3A_81 = tpu.vector_load %arg4[%get3A_79, %get3A_80] {strides = array<i32>} : memref<32x256xi32, #tpu.memory_space<vmem>>, vector<1x16xi32>,
      %get3A_82 = vector.shape_cast %get3A_81 : vector<1x16xi32> to vector<16xi32>
      %get3A_83 = arith.constant 14 : i32
      %get3A_84 = arith.index_cast %get3A_83 : i32 to index
      %get3A_85 = arith.index_cast %mul3A_13 : i32 to index
      %get3A_86 = tpu.vector_load %arg4[%get3A_84, %get3A_85] {strides = array<i32>} : memref<32x256xi32, #tpu.memory_space<vmem>>, vector<1x16xi32>,
      %get3A_87 = vector.shape_cast %get3A_86 : vector<1x16xi32> to vector<16xi32>
      %get3A_88 = arith.constant 15 : i32
      %get3A_89 = arith.index_cast %get3A_88 : i32 to index
      %get3A_90 = arith.index_cast %mul3A_13 : i32 to index
      %get3A_91 = tpu.vector_load %arg4[%get3A_89, %get3A_90] {strides = array<i32>} : memref<32x256xi32, #tpu.memory_space<vmem>>, vector<1x16xi32>,
      %get3A_92 = vector.shape_cast %get3A_91 : vector<1x16xi32> to vector<16xi32>
      %get3A_93 = arith.constant 16 : i32
      %get3A_94 = arith.index_cast %get3A_93 : i32 to index
      %get3A_95 = arith.index_cast %mul3A_13 : i32 to index
      %get3A_96 = tpu.vector_load %arg4[%get3A_94, %get3A_95] {strides = array<i32>} : memref<32x256xi32, #tpu.memory_space<vmem>>, vector<1x16xi32>,
      %get3A_97 = vector.shape_cast %get3A_96 : vector<1x16xi32> to vector<16xi32>
      %get3A_98 = arith.constant 17 : i32
      %get3A_99 = arith.index_cast %get3A_98 : i32 to index
      %get3A_100 = arith.index_cast %mul3A_13 : i32 to index
      %get3A_101 = tpu.vector_load %arg4[%get3A_99, %get3A_100] {strides = array<i32>} : memref<32x256xi32, #tpu.memory_space<vmem>>, vector<1x16xi32>,
      %get3A_102 = vector.shape_cast %get3A_101 : vector<1x16xi32> to vector<16xi32>
      %get3A_103 = arith.constant 18 : i32
      %get3A_104 = arith.index_cast %get3A_103 : i32 to index
      %get3A_105 = arith.index_cast %mul3A_13 : i32 to index
      %get3A_106 = tpu.vector_load %arg4[%get3A_104, %get3A_105] {strides = array<i32>} : memref<32x256xi32, #tpu.memory_space<vmem>>, vector<1x16xi32>,
      %get3A_107 = vector.shape_cast %get3A_106 : vector<1x16xi32> to vector<16xi32>
      %get3A_108 = arith.constant 19 : i32
      %get3A_109 = arith.index_cast %get3A_108 : i32 to index
      %get3A_110 = arith.index_cast %mul3A_13 : i32 to index
      %get3A_111 = tpu.vector_load %arg4[%get3A_109, %get3A_110] {strides = array<i32>} : memref<32x256xi32, #tpu.memory_space<vmem>>, vector<1x16xi32>,
      %get3A_112 = vector.shape_cast %get3A_111 : vector<1x16xi32> to vector<16xi32>
      %get3A_113 = arith.constant 20 : i32
      %get3A_114 = arith.index_cast %get3A_113 : i32 to index
      %get3A_115 = arith.index_cast %mul3A_13 : i32 to index
      %get3A_116 = tpu.vector_load %arg4[%get3A_114, %get3A_115] {strides = array<i32>} : memref<32x256xi32, #tpu.memory_space<vmem>>, vector<1x16xi32>,
      %get3A_117 = vector.shape_cast %get3A_116 : vector<1x16xi32> to vector<16xi32>
      %get3A_118 = arith.constant 21 : i32
      %get3A_119 = arith.index_cast %get3A_118 : i32 to index
      %get3A_120 = arith.index_cast %mul3A_13 : i32 to index
      %get3A_121 = tpu.vector_load %arg4[%get3A_119, %get3A_120] {strides = array<i32>} : memref<32x256xi32, #tpu.memory_space<vmem>>, vector<1x16xi32>,
      %get3A_122 = vector.shape_cast %get3A_121 : vector<1x16xi32> to vector<16xi32>
      %get3A_123 = arith.constant 22 : i32
      %get3A_124 = arith.index_cast %get3A_123 : i32 to index
      %get3A_125 = arith.index_cast %mul3A_13 : i32 to index
      %get3A_126 = tpu.vector_load %arg4[%get3A_124, %get3A_125] {strides = array<i32>} : memref<32x256xi32, #tpu.memory_space<vmem>>, vector<1x16xi32>,
      %get3A_127 = vector.shape_cast %get3A_126 : vector<1x16xi32> to vector<16xi32>
      %get3A_128 = arith.constant 23 : i32
      %get3A_129 = arith.index_cast %get3A_128 : i32 to index
      %get3A_130 = arith.index_cast %mul3A_13 : i32 to index
      %get3A_131 = tpu.vector_load %arg4[%get3A_129, %get3A_130] {strides = array<i32>} : memref<32x256xi32, #tpu.memory_space<vmem>>, vector<1x16xi32>,
      %get3A_132 = vector.shape_cast %get3A_131 : vector<1x16xi32> to vector<16xi32>
      %get3A_133 = arith.constant 24 : i32
      %get3A_134 = arith.index_cast %get3A_133 : i32 to index
      %get3A_135 = arith.index_cast %mul3A_13 : i32 to index
      %get3A_136 = tpu.vector_load %arg4[%get3A_134, %get3A_135] {strides = array<i32>} : memref<32x256xi32, #tpu.memory_space<vmem>>, vector<1x16xi32>,
      %get3A_137 = vector.shape_cast %get3A_136 : vector<1x16xi32> to vector<16xi32>
      %get3A_138 = arith.constant 25 : i32
      %get3A_139 = arith.index_cast %get3A_138 : i32 to index
      %get3A_140 = arith.index_cast %mul3A_13 : i32 to index
      %get3A_141 = tpu.vector_load %arg4[%get3A_139, %get3A_140] {strides = array<i32>} : memref<32x256xi32, #tpu.memory_space<vmem>>, vector<1x16xi32>,
      %get3A_142 = vector.shape_cast %get3A_141 : vector<1x16xi32> to vector<16xi32>
      %get3A_143 = arith.constant 26 : i32
      %get3A_144 = arith.index_cast %get3A_143 : i32 to index
      %get3A_145 = arith.index_cast %mul3A_13 : i32 to index
      %get3A_146 = tpu.vector_load %arg4[%get3A_144, %get3A_145] {strides = array<i32>} : memref<32x256xi32, #tpu.memory_space<vmem>>, vector<1x16xi32>,
      %get3A_147 = vector.shape_cast %get3A_146 : vector<1x16xi32> to vector<16xi32>
      %get3A_148 = arith.constant 27 : i32
      %get3A_149 = arith.index_cast %get3A_148 : i32 to index
      %get3A_150 = arith.index_cast %mul3A_13 : i32 to index
      %get3A_151 = tpu.vector_load %arg4[%get3A_149, %get3A_150] {strides = array<i32>} : memref<32x256xi32, #tpu.memory_space<vmem>>, vector<1x16xi32>,
      %get3A_152 = vector.shape_cast %get3A_151 : vector<1x16xi32> to vector<16xi32>
      %get3A_153 = arith.constant 28 : i32
      %get3A_154 = arith.index_cast %get3A_153 : i32 to index
      %get3A_155 = arith.index_cast %mul3A_13 : i32 to index
      %get3A_156 = tpu.vector_load %arg4[%get3A_154, %get3A_155] {strides = array<i32>} : memref<32x256xi32, #tpu.memory_space<vmem>>, vector<1x16xi32>,
      %get3A_157 = vector.shape_cast %get3A_156 : vector<1x16xi32> to vector<16xi32>
      %get3A_158 = arith.constant 29 : i32
      %get3A_159 = arith.index_cast %get3A_158 : i32 to index
      %get3A_160 = arith.index_cast %mul3A_13 : i32 to index
      %get3A_161 = tpu.vector_load %arg4[%get3A_159, %get3A_160] {strides = array<i32>} : memref<32x256xi32, #tpu.memory_space<vmem>>, vector<1x16xi32>,
      %get3A_162 = vector.shape_cast %get3A_161 : vector<1x16xi32> to vector<16xi32>
      %get3A_163 = arith.constant 30 : i32
      %get3A_164 = arith.index_cast %get3A_163 : i32 to index
      %get3A_165 = arith.index_cast %mul3A_13 : i32 to index
      %get3A_166 = tpu.vector_load %arg4[%get3A_164, %get3A_165] {strides = array<i32>} : memref<32x256xi32, #tpu.memory_space<vmem>>, vector<1x16xi32>,
      %get3A_167 = vector.shape_cast %get3A_166 : vector<1x16xi32> to vector<16xi32>
      %get3A_168 = arith.constant 31 : i32
      %get3A_169 = arith.index_cast %get3A_168 : i32 to index
      %get3A_170 = arith.index_cast %mul3A_13 : i32 to index
      %get3A_171 = tpu.vector_load %arg4[%get3A_169, %get3A_170] {strides = array<i32>} : memref<32x256xi32, #tpu.memory_space<vmem>>, vector<1x16xi32>,
      %get3A_172 = vector.shape_cast %get3A_171 : vector<1x16xi32> to vector<16xi32>
      %sub3A = arith.constant 0 : i32
      %sub3A_173 = vector.broadcast %sub3A : i32 to vector<16xi32>
      %sub3A_174 = arith.subi %sub3A_173, %get3A_17 : vector<16xi32>
      %lt3A = arith.constant 0 : i32
      %lt3A_175 = vector.broadcast %lt3A : i32 to vector<16xi32>
      %lt3A_176 = arith.cmpi slt, %sub3A_174, %lt3A_175 : vector<16xi32>
      %jit3A = arith.constant 1.000000e+00 : f32
      %jit3A_177 = arith.constant 0.000000e+00 : f32
      %broadcast_in_dim3A = vector.broadcast %jit3A : f32 to vector<16xf32>
      %broadcast_in_dim3A_178 = vector.broadcast %jit3A_177 : f32 to vector<16xf32>
      %select_n3A = arith.select %lt3A_176, %broadcast_in_dim3A, %broadcast_in_dim3A_178 : vector<16xi1>, vector<16xf32>
      %swap3A = arith.constant 0 : i32
      %swap3A_179 = arith.index_cast %swap3A : i32 to index
      %swap3A_180 = arith.index_cast %mul3A_13 : i32 to index
      %swap3A_181 = tpu.vector_load %arg5[%swap3A_179, %swap3A_180] {strides = array<i32>} : memref<32x256xf32, #tpu.memory_space<vmem>>, vector<1x16xf32>,
      %swap3A_182 = vector.shape_cast %swap3A_181 : vector<1x16xf32> to vector<16xf32>
      %swap3A_183 = vector.shape_cast %select_n3A : vector<16xf32> to vector<1x16xf32>
      tpu.vector_store %arg5[%swap3A_179, %swap3A_180], %swap3A_183 {strides = array<i32>} : memref<32x256xf32, #tpu.memory_space<vmem>>, vector<1x16xf32>,
      %sub3A_184 = arith.constant 0 : i32
      %sub3A_185 = vector.broadcast %sub3A_184 : i32 to vector<16xi32>
      %sub3A_186 = arith.subi %sub3A_185, %get3A_22 : vector<16xi32>
      %xor3A = arith.xori %get3A_22, %get3A_17 : vector<16xi32>
      %sub3A_187 = arith.constant 0 : i32
      %sub3A_188 = vector.broadcast %sub3A_187 : i32 to vector<16xi32>
      %sub3A_189 = arith.subi %sub3A_188, %xor3A : vector<16xi32>
      %and3A = arith.andi %sub3A_186, %sub3A_189 : vector<16xi32>
      %lt3A_190 = arith.constant 0 : i32
      %lt3A_191 = vector.broadcast %lt3A_190 : i32 to vector<16xi32>
      %lt3A_192 = arith.cmpi slt, %and3A, %lt3A_191 : vector<16xi32>
      %jit3A_193 = arith.constant 1.000000e+00 : f32
      %jit3A_194 = arith.constant 0.000000e+00 : f32
      %broadcast_in_dim3A_195 = vector.broadcast %jit3A_193 : f32 to vector<16xf32>
      %broadcast_in_dim3A_196 = vector.broadcast %jit3A_194 : f32 to vector<16xf32>
      %select_n3A_197 = arith.select %lt3A_192, %broadcast_in_dim3A_195, %broadcast_in_dim3A_196 : vector<16xi1>, vector<16xf32>
      %swap3A_198 = arith.constant 1 : i32
      %swap3A_199 = arith.index_cast %swap3A_198 : i32 to index
      %swap3A_200 = arith.index_cast %mul3A_13 : i32 to index
      %swap3A_201 = tpu.vector_load %arg5[%swap3A_199, %swap3A_200] {strides = array<i32>} : memref<32x256xf32, #tpu.memory_space<vmem>>, vector<1x16xf32>,
      %swap3A_202 = vector.shape_cast %swap3A_201 : vector<1x16xf32> to vector<16xf32>
      %swap3A_203 = vector.shape_cast %select_n3A_197 : vector<16xf32> to vector<1x16xf32>
      tpu.vector_store %arg5[%swap3A_199, %swap3A_200], %swap3A_203 {strides = array<i32>} : memref<32x256xf32, #tpu.memory_space<vmem>>, vector<1x16xf32>,
      %sub3A_204 = arith.constant 0 : i32
      %sub3A_205 = vector.broadcast %sub3A_204 : i32 to vector<16xi32>
      %sub3A_206 = arith.subi %sub3A_205, %get3A_27 : vector<16xi32>
      %xor3A_207 = arith.xori %get3A_27, %get3A_17 : vector<16xi32>
      %sub3A_208 = arith.constant 0 : i32
      %sub3A_209 = vector.broadcast %sub3A_208 : i32 to vector<16xi32>
      %sub3A_210 = arith.subi %sub3A_209, %xor3A_207 : vector<16xi32>
      %and3A_211 = arith.andi %sub3A_206, %sub3A_210 : vector<16xi32>
      %xor3A_212 = arith.xori %get3A_27, %get3A_22 : vector<16xi32>
      %sub3A_213 = arith.constant 0 : i32
      %sub3A_214 = vector.broadcast %sub3A_213 : i32 to vector<16xi32>
      %sub3A_215 = arith.subi %sub3A_214, %xor3A_212 : vector<16xi32>
      %and3A_216 = arith.andi %and3A_211, %sub3A_215 : vector<16xi32>
      %lt3A_217 = arith.constant 0 : i32
      %lt3A_218 = vector.broadcast %lt3A_217 : i32 to vector<16xi32>
      %lt3A_219 = arith.cmpi slt, %and3A_216, %lt3A_218 : vector<16xi32>
      %jit3A_220 = arith.constant 1.000000e+00 : f32
      %jit3A_221 = arith.constant 0.000000e+00 : f32
      %broadcast_in_dim3A_222 = vector.broadcast %jit3A_220 : f32 to vector<16xf32>
      %broadcast_in_dim3A_223 = vector.broadcast %jit3A_221 : f32 to vector<16xf32>
      %select_n3A_224 = arith.select %lt3A_219, %broadcast_in_dim3A_222, %broadcast_in_dim3A_223 : vector<16xi1>, vector<16xf32>
      %swap3A_225 = arith.constant 2 : i32
      %swap3A_226 = arith.index_cast %swap3A_225 : i32 to index
      %swap3A_227 = arith.index_cast %mul3A_13 : i32 to index
      %swap3A_228 = tpu.vector_load %arg5[%swap3A_226, %swap3A_227] {strides = array<i32>} : memref<32x256xf32, #tpu.memory_space<vmem>>, vector<1x16xf32>,
      %swap3A_229 = vector.shape_cast %swap3A_228 : vector<1x16xf32> to vector<16xf32>
      %swap3A_230 = vector.shape_cast %select_n3A_224 : vector<16xf32> to vector<1x16xf32>
      tpu.vector_store %arg5[%swap3A_226, %swap3A_227], %swap3A_230 {strides = array<i32>} : memref<32x256xf32, #tpu.memory_space<vmem>>, vector<1x16xf32>,
      %sub3A_231 = arith.constant 0 : i32
      %sub3A_232 = vector.broadcast %sub3A_231 : i32 to vector<16xi32>
      %sub3A_233 = arith.subi %sub3A_232, %get3A_32 : vector<16xi32>
      %xor3A_234 = arith.xori %get3A_32, %get3A_17 : vector<16xi32>
      %sub3A_235 = arith.constant 0 : i32
      %sub3A_236 = vector.broadcast %sub3A_235 : i32 to vector<16xi32>
      %sub3A_237 = arith.subi %sub3A_236, %xor3A_234 : vector<16xi32>
      %and3A_238 = arith.andi %sub3A_233, %sub3A_237 : vector<16xi32>
      %xor3A_239 = arith.xori %get3A_32, %get3A_22 : vector<16xi32>
      %sub3A_240 = arith.constant 0 : i32
      %sub3A_241 = vector.broadcast %sub3A_240 : i32 to vector<16xi32>
      %sub3A_242 = arith.subi %sub3A_241, %xor3A_239 : vector<16xi32>
      %and3A_243 = arith.andi %and3A_238, %sub3A_242 : vector<16xi32>
      %xor3A_244 = arith.xori %get3A_32, %get3A_27 : vector<16xi32>
      %sub3A_245 = arith.constant 0 : i32
      %sub3A_246 = vector.broadcast %sub3A_245 : i32 to vector<16xi32>
      %sub3A_247 = arith.subi %sub3A_246, %xor3A_244 : vector<16xi32>
      %and3A_248 = arith.andi %and3A_243, %sub3A_247 : vector<16xi32>
      %lt3A_249 = arith.constant 0 : i32
      %lt3A_250 = vector.broadcast %lt3A_249 : i32 to vector<16xi32>
      %lt3A_251 = arith.cmpi slt, %and3A_248, %lt3A_250 : vector<16xi32>
      %jit3A_252 = arith.constant 1.000000e+00 : f32
      %jit3A_253 = arith.constant 0.000000e+00 : f32
      %broadcast_in_dim3A_254 = vector.broadcast %jit3A_252 : f32 to vector<16xf32>
      %broadcast_in_dim3A_255 = vector.broadcast %jit3A_253 : f32 to vector<16xf32>
      %select_n3A_256 = arith.select %lt3A_251, %broadcast_in_dim3A_254, %broadcast_in_dim3A_255 : vector<16xi1>, vector<16xf32>
      %swap3A_257 = arith.constant 3 : i32
      %swap3A_258 = arith.index_cast %swap3A_257 : i32 to index
      %swap3A_259 = arith.index_cast %mul3A_13 : i32 to index
      %swap3A_260 = tpu.vector_load %arg5[%swap3A_258, %swap3A_259] {strides = array<i32>} : memref<32x256xf32, #tpu.memory_space<vmem>>, vector<1x16xf32>,
      %swap3A_261 = vector.shape_cast %swap3A_260 : vector<1x16xf32> to vector<16xf32>
      %swap3A_262 = vector.shape_cast %select_n3A_256 : vector<16xf32> to vector<1x16xf32>
      tpu.vector_store %arg5[%swap3A_258, %swap3A_259], %swap3A_262 {strides = array<i32>} : memref<32x256xf32, #tpu.memory_space<vmem>>, vector<1x16xf32>,
      %sub3A_263 = arith.constant 0 : i32
      %sub3A_264 = vector.broadcast %sub3A_263 : i32 to vector<16xi32>
      %sub3A_265 = arith.subi %sub3A_264, %get3A_37 : vector<16xi32>
      %xor3A_266 = arith.xori %get3A_37, %get3A_17 : vector<16xi32>
      %sub3A_267 = arith.constant 0 : i32
      %sub3A_268 = vector.broadcast %sub3A_267 : i32 to vector<16xi32>
      %sub3A_269 = arith.subi %sub3A_268, %xor3A_266 : vector<16xi32>
      %and3A_270 = arith.andi %sub3A_265, %sub3A_269 : vector<16xi32>
      %xor3A_271 = arith.xori %get3A_37, %get3A_22 : vector<16xi32>
      %sub3A_272 = arith.constant 0 : i32
      %sub3A_273 = vector.broadcast %sub3A_272 : i32 to vector<16xi32>
      %sub3A_274 = arith.subi %sub3A_273, %xor3A_271 : vector<16xi32>
      %and3A_275 = arith.andi %and3A_270, %sub3A_274 : vector<16xi32>
      %xor3A_276 = arith.xori %get3A_37, %get3A_27 : vector<16xi32>
      %sub3A_277 = arith.constant 0 : i32
      %sub3A_278 = vector.broadcast %sub3A_277 : i32 to vector<16xi32>
      %sub3A_279 = arith.subi %sub3A_278, %xor3A_276 : vector<16xi32>
      %and3A_280 = arith.andi %and3A_275, %sub3A_279 : vector<16xi32>
      %xor3A_281 = arith.xori %get3A_37, %get3A_32 : vector<16xi32>
      %sub3A_282 = arith.constant 0 : i32
      %sub3A_283 = vector.broadcast %sub3A_282 : i32 to vector<16xi32>
      %sub3A_284 = arith.subi %sub3A_283, %xor3A_281 : vector<16xi32>
      %and3A_285 = arith.andi %and3A_280, %sub3A_284 : vector<16xi32>
      %lt3A_286 = arith.constant 0 : i32
      %lt3A_287 = vector.broadcast %lt3A_286 : i32 to vector<16xi32>
      %lt3A_288 = arith.cmpi slt, %and3A_285, %lt3A_287 : vector<16xi32>
      %jit3A_289 = arith.constant 1.000000e+00 : f32
      %jit3A_290 = arith.constant 0.000000e+00 : f32
      %broadcast_in_dim3A_291 = vector.broadcast %jit3A_289 : f32 to vector<16xf32>
      %broadcast_in_dim3A_292 = vector.broadcast %jit3A_290 : f32 to vector<16xf32>
      %select_n3A_293 = arith.select %lt3A_288, %broadcast_in_dim3A_291, %broadcast_in_dim3A_292 : vector<16xi1>, vector<16xf32>
      %swap3A_294 = arith.constant 4 : i32
      %swap3A_295 = arith.index_cast %swap3A_294 : i32 to index
      %swap3A_296 = arith.index_cast %mul3A_13 : i32 to index
      %swap3A_297 = tpu.vector_load %arg5[%swap3A_295, %swap3A_296] {strides = array<i32>} : memref<32x256xf32, #tpu.memory_space<vmem>>, vector<1x16xf32>,
      %swap3A_298 = vector.shape_cast %swap3A_297 : vector<1x16xf32> to vector<16xf32>
      %swap3A_299 = vector.shape_cast %select_n3A_293 : vector<16xf32> to vector<1x16xf32>
      tpu.vector_store %arg5[%swap3A_295, %swap3A_296], %swap3A_299 {strides = array<i32>} : memref<32x256xf32, #tpu.memory_space<vmem>>, vector<1x16xf32>,
      %sub3A_300 = arith.constant 0 : i32
      %sub3A_301 = vector.broadcast %sub3A_300 : i32 to vector<16xi32>
      %sub3A_302 = arith.subi %sub3A_301, %get3A_42 : vector<16xi32>
      %xor3A_303 = arith.xori %get3A_42, %get3A_17 : vector<16xi32>
      %sub3A_304 = arith.constant 0 : i32
      %sub3A_305 = vector.broadcast %sub3A_304 : i32 to vector<16xi32>
      %sub3A_306 = arith.subi %sub3A_305, %xor3A_303 : vector<16xi32>
      %and3A_307 = arith.andi %sub3A_302, %sub3A_306 : vector<16xi32>
      %xor3A_308 = arith.xori %get3A_42, %get3A_22 : vector<16xi32>
      %sub3A_309 = arith.constant 0 : i32
      %sub3A_310 = vector.broadcast %sub3A_309 : i32 to vector<16xi32>
      %sub3A_311 = arith.subi %sub3A_310, %xor3A_308 : vector<16xi32>
      %and3A_312 = arith.andi %and3A_307, %sub3A_311 : vector<16xi32>
      %xor3A_313 = arith.xori %get3A_42, %get3A_27 : vector<16xi32>
      %sub3A_314 = arith.constant 0 : i32
      %sub3A_315 = vector.broadcast %sub3A_314 : i32 to vector<16xi32>
      %sub3A_316 = arith.subi %sub3A_315, %xor3A_313 : vector<16xi32>
      %and3A_317 = arith.andi %and3A_312, %sub3A_316 : vector<16xi32>
      %xor3A_318 = arith.xori %get3A_42, %get3A_32 : vector<16xi32>
      %sub3A_319 = arith.constant 0 : i32
      %sub3A_320 = vector.broadcast %sub3A_319 : i32 to vector<16xi32>
      %sub3A_321 = arith.subi %sub3A_320, %xor3A_318 : vector<16xi32>
      %and3A_322 = arith.andi %and3A_317, %sub3A_321 : vector<16xi32>
      %xor3A_323 = arith.xori %get3A_42, %get3A_37 : vector<16xi32>
      %sub3A_324 = arith.constant 0 : i32
      %sub3A_325 = vector.broadcast %sub3A_324 : i32 to vector<16xi32>
      %sub3A_326 = arith.subi %sub3A_325, %xor3A_323 : vector<16xi32>
      %and3A_327 = arith.andi %and3A_322, %sub3A_326 : vector<16xi32>
      %lt3A_328 = arith.constant 0 : i32
      %lt3A_329 = vector.broadcast %lt3A_328 : i32 to vector<16xi32>
      %lt3A_330 = arith.cmpi slt, %and3A_327, %lt3A_329 : vector<16xi32>
      %jit3A_331 = arith.constant 1.000000e+00 : f32
      %jit3A_332 = arith.constant 0.000000e+00 : f32
      %broadcast_in_dim3A_333 = vector.broadcast %jit3A_331 : f32 to vector<16xf32>
      %broadcast_in_dim3A_334 = vector.broadcast %jit3A_332 : f32 to vector<16xf32>
      %select_n3A_335 = arith.select %lt3A_330, %broadcast_in_dim3A_333, %broadcast_in_dim3A_334 : vector<16xi1>, vector<16xf32>
      %swap3A_336 = arith.constant 5 : i32
      %swap3A_337 = arith.index_cast %swap3A_336 : i32 to index
      %swap3A_338 = arith.index_cast %mul3A_13 : i32 to index
      %swap3A_339 = tpu.vector_load %arg5[%swap3A_337, %swap3A_338] {strides = array<i32>} : memref<32x256xf32, #tpu.memory_space<vmem>>, vector<1x16xf32>,
      %swap3A_340 = vector.shape_cast %swap3A_339 : vector<1x16xf32> to vector<16xf32>
      %swap3A_341 = vector.shape_cast %select_n3A_335 : vector<16xf32> to vector<1x16xf32>
      tpu.vector_store %arg5[%swap3A_337, %swap3A_338], %swap3A_341 {strides = array<i32>} : memref<32x256xf32, #tpu.memory_space<vmem>>, vector<1x16xf32>,
      %sub3A_342 = arith.constant 0 : i32
      %sub3A_343 = vector.broadcast %sub3A_342 : i32 to vector<16xi32>
      %sub3A_344 = arith.subi %sub3A_343, %get3A_47 : vector<16xi32>
      %xor3A_345 = arith.xori %get3A_47, %get3A_17 : vector<16xi32>
      %sub3A_346 = arith.constant 0 : i32
      %sub3A_347 = vector.broadcast %sub3A_346 : i32 to vector<16xi32>
      %sub3A_348 = arith.subi %sub3A_347, %xor3A_345 : vector<16xi32>
      %and3A_349 = arith.andi %sub3A_344, %sub3A_348 : vector<16xi32>
      %xor3A_350 = arith.xori %get3A_47, %get3A_22 : vector<16xi32>
      %sub3A_351 = arith.constant 0 : i32
      %sub3A_352 = vector.broadcast %sub3A_351 : i32 to vector<16xi32>
      %sub3A_353 = arith.subi %sub3A_352, %xor3A_350 : vector<16xi32>
      %and3A_354 = arith.andi %and3A_349, %sub3A_353 : vector<16xi32>
      %xor3A_355 = arith.xori %get3A_47, %get3A_27 : vector<16xi32>
      %sub3A_356 = arith.constant 0 : i32
      %sub3A_357 = vector.broadcast %sub3A_356 : i32 to vector<16xi32>
      %sub3A_358 = arith.subi %sub3A_357, %xor3A_355 : vector<16xi32>
      %and3A_359 = arith.andi %and3A_354, %sub3A_358 : vector<16xi32>
      %xor3A_360 = arith.xori %get3A_47, %get3A_32 : vector<16xi32>
      %sub3A_361 = arith.constant 0 : i32
      %sub3A_362 = vector.broadcast %sub3A_361 : i32 to vector<16xi32>
      %sub3A_363 = arith.subi %sub3A_362, %xor3A_360 : vector<16xi32>
      %and3A_364 = arith.andi %and3A_359, %sub3A_363 : vector<16xi32>
      %xor3A_365 = arith.xori %get3A_47, %get3A_37 : vector<16xi32>
      %sub3A_366 = arith.constant 0 : i32
      %sub3A_367 = vector.broadcast %sub3A_366 : i32 to vector<16xi32>
      %sub3A_368 = arith.subi %sub3A_367, %xor3A_365 : vector<16xi32>
      %and3A_369 = arith.andi %and3A_364, %sub3A_368 : vector<16xi32>
      %xor3A_370 = arith.xori %get3A_47, %get3A_42 : vector<16xi32>
      %sub3A_371 = arith.constant 0 : i32
      %sub3A_372 = vector.broadcast %sub3A_371 : i32 to vector<16xi32>
      %sub3A_373 = arith.subi %sub3A_372, %xor3A_370 : vector<16xi32>
      %and3A_374 = arith.andi %and3A_369, %sub3A_373 : vector<16xi32>
      %lt3A_375 = arith.constant 0 : i32
      %lt3A_376 = vector.broadcast %lt3A_375 : i32 to vector<16xi32>
      %lt3A_377 = arith.cmpi slt, %and3A_374, %lt3A_376 : vector<16xi32>
      %jit3A_378 = arith.constant 1.000000e+00 : f32
      %jit3A_379 = arith.constant 0.000000e+00 : f32
      %broadcast_in_dim3A_380 = vector.broadcast %jit3A_378 : f32 to vector<16xf32>
      %broadcast_in_dim3A_381 = vector.broadcast %jit3A_379 : f32 to vector<16xf32>
      %select_n3A_382 = arith.select %lt3A_377, %broadcast_in_dim3A_380, %broadcast_in_dim3A_381 : vector<16xi1>, vector<16xf32>
      %swap3A_383 = arith.constant 6 : i32
      %swap3A_384 = arith.index_cast %swap3A_383 : i32 to index
      %swap3A_385 = arith.index_cast %mul3A_13 : i32 to index
      %swap3A_386 = tpu.vector_load %arg5[%swap3A_384, %swap3A_385] {strides = array<i32>} : memref<32x256xf32, #tpu.memory_space<vmem>>, vector<1x16xf32>,
      %swap3A_387 = vector.shape_cast %swap3A_386 : vector<1x16xf32> to vector<16xf32>
      %swap3A_388 = vector.shape_cast %select_n3A_382 : vector<16xf32> to vector<1x16xf32>
      tpu.vector_store %arg5[%swap3A_384, %swap3A_385], %swap3A_388 {strides = array<i32>} : memref<32x256xf32, #tpu.memory_space<vmem>>, vector<1x16xf32>,
      %sub3A_389 = arith.constant 0 : i32
      %sub3A_390 = vector.broadcast %sub3A_389 : i32 to vector<16xi32>
      %sub3A_391 = arith.subi %sub3A_390, %get3A_52 : vector<16xi32>
      %xor3A_392 = arith.xori %get3A_52, %get3A_17 : vector<16xi32>
      %sub3A_393 = arith.constant 0 : i32
      %sub3A_394 = vector.broadcast %sub3A_393 : i32 to vector<16xi32>
      %sub3A_395 = arith.subi %sub3A_394, %xor3A_392 : vector<16xi32>
      %and3A_396 = arith.andi %sub3A_391, %sub3A_395 : vector<16xi32>
      %xor3A_397 = arith.xori %get3A_52, %get3A_22 : vector<16xi32>
      %sub3A_398 = arith.constant 0 : i32
      %sub3A_399 = vector.broadcast %sub3A_398 : i32 to vector<16xi32>
      %sub3A_400 = arith.subi %sub3A_399, %xor3A_397 : vector<16xi32>
      %and3A_401 = arith.andi %and3A_396, %sub3A_400 : vector<16xi32>
      %xor3A_402 = arith.xori %get3A_52, %get3A_27 : vector<16xi32>
      %sub3A_403 = arith.constant 0 : i32
      %sub3A_404 = vector.broadcast %sub3A_403 : i32 to vector<16xi32>
      %sub3A_405 = arith.subi %sub3A_404, %xor3A_402 : vector<16xi32>
      %and3A_406 = arith.andi %and3A_401, %sub3A_405 : vector<16xi32>
      %xor3A_407 = arith.xori %get3A_52, %get3A_32 : vector<16xi32>
      %sub3A_408 = arith.constant 0 : i32
      %sub3A_409 = vector.broadcast %sub3A_408 : i32 to vector<16xi32>
      %sub3A_410 = arith.subi %sub3A_409, %xor3A_407 : vector<16xi32>
      %and3A_411 = arith.andi %and3A_406, %sub3A_410 : vector<16xi32>
      %xor3A_412 = arith.xori %get3A_52, %get3A_37 : vector<16xi32>
      %sub3A_413 = arith.constant 0 : i32
      %sub3A_414 = vector.broadcast %sub3A_413 : i32 to vector<16xi32>
      %sub3A_415 = arith.subi %sub3A_414, %xor3A_412 : vector<16xi32>
      %and3A_416 = arith.andi %and3A_411, %sub3A_415 : vector<16xi32>
      %xor3A_417 = arith.xori %get3A_52, %get3A_42 : vector<16xi32>
      %sub3A_418 = arith.constant 0 : i32
      %sub3A_419 = vector.broadcast %sub3A_418 : i32 to vector<16xi32>
      %sub3A_420 = arith.subi %sub3A_419, %xor3A_417 : vector<16xi32>
      %and3A_421 = arith.andi %and3A_416, %sub3A_420 : vector<16xi32>
      %xor3A_422 = arith.xori %get3A_52, %get3A_47 : vector<16xi32>
      %sub3A_423 = arith.constant 0 : i32
      %sub3A_424 = vector.broadcast %sub3A_423 : i32 to vector<16xi32>
      %sub3A_425 = arith.subi %sub3A_424, %xor3A_422 : vector<16xi32>
      %and3A_426 = arith.andi %and3A_421, %sub3A_425 : vector<16xi32>
      %lt3A_427 = arith.constant 0 : i32
      %lt3A_428 = vector.broadcast %lt3A_427 : i32 to vector<16xi32>
      %lt3A_429 = arith.cmpi slt, %and3A_426, %lt3A_428 : vector<16xi32>
      %jit3A_430 = arith.constant 1.000000e+00 : f32
      %jit3A_431 = arith.constant 0.000000e+00 : f32
      %broadcast_in_dim3A_432 = vector.broadcast %jit3A_430 : f32 to vector<16xf32>
      %broadcast_in_dim3A_433 = vector.broadcast %jit3A_431 : f32 to vector<16xf32>
      %select_n3A_434 = arith.select %lt3A_429, %broadcast_in_dim3A_432, %broadcast_in_dim3A_433 : vector<16xi1>, vector<16xf32>
      %swap3A_435 = arith.constant 7 : i32
      %swap3A_436 = arith.index_cast %swap3A_435 : i32 to index
      %swap3A_437 = arith.index_cast %mul3A_13 : i32 to index
      %swap3A_438 = tpu.vector_load %arg5[%swap3A_436, %swap3A_437] {strides = array<i32>} : memref<32x256xf32, #tpu.memory_space<vmem>>, vector<1x16xf32>,
      %swap3A_439 = vector.shape_cast %swap3A_438 : vector<1x16xf32> to vector<16xf32>
      %swap3A_440 = vector.shape_cast %select_n3A_434 : vector<16xf32> to vector<1x16xf32>
      tpu.vector_store %arg5[%swap3A_436, %swap3A_437], %swap3A_440 {strides = array<i32>} : memref<32x256xf32, #tpu.memory_space<vmem>>, vector<1x16xf32>,
      %sub3A_441 = arith.constant 0 : i32
      %sub3A_442 = vector.broadcast %sub3A_441 : i32 to vector<16xi32>
      %sub3A_443 = arith.subi %sub3A_442, %get3A_57 : vector<16xi32>
      %xor3A_444 = arith.xori %get3A_57, %get3A_17 : vector<16xi32>
      %sub3A_445 = arith.constant 0 : i32
      %sub3A_446 = vector.broadcast %sub3A_445 : i32 to vector<16xi32>
      %sub3A_447 = arith.subi %sub3A_446, %xor3A_444 : vector<16xi32>
      %and3A_448 = arith.andi %sub3A_443, %sub3A_447 : vector<16xi32>
      %xor3A_449 = arith.xori %get3A_57, %get3A_22 : vector<16xi32>
      %sub3A_450 = arith.constant 0 : i32
      %sub3A_451 = vector.broadcast %sub3A_450 : i32 to vector<16xi32>
      %sub3A_452 = arith.subi %sub3A_451, %xor3A_449 : vector<16xi32>
      %and3A_453 = arith.andi %and3A_448, %sub3A_452 : vector<16xi32>
      %xor3A_454 = arith.xori %get3A_57, %get3A_27 : vector<16xi32>
      %sub3A_455 = arith.constant 0 : i32
      %sub3A_456 = vector.broadcast %sub3A_455 : i32 to vector<16xi32>
      %sub3A_457 = arith.subi %sub3A_456, %xor3A_454 : vector<16xi32>
      %and3A_458 = arith.andi %and3A_453, %sub3A_457 : vector<16xi32>
      %xor3A_459 = arith.xori %get3A_57, %get3A_32 : vector<16xi32>
      %sub3A_460 = arith.constant 0 : i32
      %sub3A_461 = vector.broadcast %sub3A_460 : i32 to vector<16xi32>
      %sub3A_462 = arith.subi %sub3A_461, %xor3A_459 : vector<16xi32>
      %and3A_463 = arith.andi %and3A_458, %sub3A_462 : vector<16xi32>
      %xor3A_464 = arith.xori %get3A_57, %get3A_37 : vector<16xi32>
      %sub3A_465 = arith.constant 0 : i32
      %sub3A_466 = vector.broadcast %sub3A_465 : i32 to vector<16xi32>
      %sub3A_467 = arith.subi %sub3A_466, %xor3A_464 : vector<16xi32>
      %and3A_468 = arith.andi %and3A_463, %sub3A_467 : vector<16xi32>
      %xor3A_469 = arith.xori %get3A_57, %get3A_42 : vector<16xi32>
      %sub3A_470 = arith.constant 0 : i32
      %sub3A_471 = vector.broadcast %sub3A_470 : i32 to vector<16xi32>
      %sub3A_472 = arith.subi %sub3A_471, %xor3A_469 : vector<16xi32>
      %and3A_473 = arith.andi %and3A_468, %sub3A_472 : vector<16xi32>
      %xor3A_474 = arith.xori %get3A_57, %get3A_47 : vector<16xi32>
      %sub3A_475 = arith.constant 0 : i32
      %sub3A_476 = vector.broadcast %sub3A_475 : i32 to vector<16xi32>
      %sub3A_477 = arith.subi %sub3A_476, %xor3A_474 : vector<16xi32>
      %and3A_478 = arith.andi %and3A_473, %sub3A_477 : vector<16xi32>
      %xor3A_479 = arith.xori %get3A_57, %get3A_52 : vector<16xi32>
      %sub3A_480 = arith.constant 0 : i32
      %sub3A_481 = vector.broadcast %sub3A_480 : i32 to vector<16xi32>
      %sub3A_482 = arith.subi %sub3A_481, %xor3A_479 : vector<16xi32>
      %and3A_483 = arith.andi %and3A_478, %sub3A_482 : vector<16xi32>
      %lt3A_484 = arith.constant 0 : i32
      %lt3A_485 = vector.broadcast %lt3A_484 : i32 to vector<16xi32>
      %lt3A_486 = arith.cmpi slt, %and3A_483, %lt3A_485 : vector<16xi32>
      %jit3A_487 = arith.constant 1.000000e+00 : f32
      %jit3A_488 = arith.constant 0.000000e+00 : f32
      %broadcast_in_dim3A_489 = vector.broadcast %jit3A_487 : f32 to vector<16xf32>
      %broadcast_in_dim3A_490 = vector.broadcast %jit3A_488 : f32 to vector<16xf32>
      %select_n3A_491 = arith.select %lt3A_486, %broadcast_in_dim3A_489, %broadcast_in_dim3A_490 : vector<16xi1>, vector<16xf32>
      %swap3A_492 = arith.constant 8 : i32
      %swap3A_493 = arith.index_cast %swap3A_492 : i32 to index
      %swap3A_494 = arith.index_cast %mul3A_13 : i32 to index
      %swap3A_495 = tpu.vector_load %arg5[%swap3A_493, %swap3A_494] {strides = array<i32>} : memref<32x256xf32, #tpu.memory_space<vmem>>, vector<1x16xf32>,
      %swap3A_496 = vector.shape_cast %swap3A_495 : vector<1x16xf32> to vector<16xf32>
      %swap3A_497 = vector.shape_cast %select_n3A_491 : vector<16xf32> to vector<1x16xf32>
      tpu.vector_store %arg5[%swap3A_493, %swap3A_494], %swap3A_497 {strides = array<i32>} : memref<32x256xf32, #tpu.memory_space<vmem>>, vector<1x16xf32>,
      %sub3A_498 = arith.constant 0 : i32
      %sub3A_499 = vector.broadcast %sub3A_498 : i32 to vector<16xi32>
      %sub3A_500 = arith.subi %sub3A_499, %get3A_62 : vector<16xi32>
      %xor3A_501 = arith.xori %get3A_62, %get3A_17 : vector<16xi32>
      %sub3A_502 = arith.constant 0 : i32
      %sub3A_503 = vector.broadcast %sub3A_502 : i32 to vector<16xi32>
      %sub3A_504 = arith.subi %sub3A_503, %xor3A_501 : vector<16xi32>
      %and3A_505 = arith.andi %sub3A_500, %sub3A_504 : vector<16xi32>
      %xor3A_506 = arith.xori %get3A_62, %get3A_22 : vector<16xi32>
      %sub3A_507 = arith.constant 0 : i32
      %sub3A_508 = vector.broadcast %sub3A_507 : i32 to vector<16xi32>
      %sub3A_509 = arith.subi %sub3A_508, %xor3A_506 : vector<16xi32>
      %and3A_510 = arith.andi %and3A_505, %sub3A_509 : vector<16xi32>
      %xor3A_511 = arith.xori %get3A_62, %get3A_27 : vector<16xi32>
      %sub3A_512 = arith.constant 0 : i32
      %sub3A_513 = vector.broadcast %sub3A_512 : i32 to vector<16xi32>
      %sub3A_514 = arith.subi %sub3A_513, %xor3A_511 : vector<16xi32>
      %and3A_515 = arith.andi %and3A_510, %sub3A_514 : vector<16xi32>
      %xor3A_516 = arith.xori %get3A_62, %get3A_32 : vector<16xi32>
      %sub3A_517 = arith.constant 0 : i32
      %sub3A_518 = vector.broadcast %sub3A_517 : i32 to vector<16xi32>
      %sub3A_519 = arith.subi %sub3A_518, %xor3A_516 : vector<16xi32>
      %and3A_520 = arith.andi %and3A_515, %sub3A_519 : vector<16xi32>
      %xor3A_521 = arith.xori %get3A_62, %get3A_37 : vector<16xi32>
      %sub3A_522 = arith.constant 0 : i32
      %sub3A_523 = vector.broadcast %sub3A_522 : i32 to vector<16xi32>
      %sub3A_524 = arith.subi %sub3A_523, %xor3A_521 : vector<16xi32>
      %and3A_525 = arith.andi %and3A_520, %sub3A_524 : vector<16xi32>
      %xor3A_526 = arith.xori %get3A_62, %get3A_42 : vector<16xi32>
      %sub3A_527 = arith.constant 0 : i32
      %sub3A_528 = vector.broadcast %sub3A_527 : i32 to vector<16xi32>
      %sub3A_529 = arith.subi %sub3A_528, %xor3A_526 : vector<16xi32>
      %and3A_530 = arith.andi %and3A_525, %sub3A_529 : vector<16xi32>
      %xor3A_531 = arith.xori %get3A_62, %get3A_47 : vector<16xi32>
      %sub3A_532 = arith.constant 0 : i32
      %sub3A_533 = vector.broadcast %sub3A_532 : i32 to vector<16xi32>
      %sub3A_534 = arith.subi %sub3A_533, %xor3A_531 : vector<16xi32>
      %and3A_535 = arith.andi %and3A_530, %sub3A_534 : vector<16xi32>
      %xor3A_536 = arith.xori %get3A_62, %get3A_52 : vector<16xi32>
      %sub3A_537 = arith.constant 0 : i32
      %sub3A_538 = vector.broadcast %sub3A_537 : i32 to vector<16xi32>
      %sub3A_539 = arith.subi %sub3A_538, %xor3A_536 : vector<16xi32>
      %and3A_540 = arith.andi %and3A_535, %sub3A_539 : vector<16xi32>
      %xor3A_541 = arith.xori %get3A_62, %get3A_57 : vector<16xi32>
      %sub3A_542 = arith.constant 0 : i32
      %sub3A_543 = vector.broadcast %sub3A_542 : i32 to vector<16xi32>
      %sub3A_544 = arith.subi %sub3A_543, %xor3A_541 : vector<16xi32>
      %and3A_545 = arith.andi %and3A_540, %sub3A_544 : vector<16xi32>
      %lt3A_546 = arith.constant 0 : i32
      %lt3A_547 = vector.broadcast %lt3A_546 : i32 to vector<16xi32>
      %lt3A_548 = arith.cmpi slt, %and3A_545, %lt3A_547 : vector<16xi32>
      %jit3A_549 = arith.constant 1.000000e+00 : f32
      %jit3A_550 = arith.constant 0.000000e+00 : f32
      %broadcast_in_dim3A_551 = vector.broadcast %jit3A_549 : f32 to vector<16xf32>
      %broadcast_in_dim3A_552 = vector.broadcast %jit3A_550 : f32 to vector<16xf32>
      %select_n3A_553 = arith.select %lt3A_548, %broadcast_in_dim3A_551, %broadcast_in_dim3A_552 : vector<16xi1>, vector<16xf32>
      %swap3A_554 = arith.constant 9 : i32
      %swap3A_555 = arith.index_cast %swap3A_554 : i32 to index
      %swap3A_556 = arith.index_cast %mul3A_13 : i32 to index
      %swap3A_557 = tpu.vector_load %arg5[%swap3A_555, %swap3A_556] {strides = array<i32>} : memref<32x256xf32, #tpu.memory_space<vmem>>, vector<1x16xf32>,
      %swap3A_558 = vector.shape_cast %swap3A_557 : vector<1x16xf32> to vector<16xf32>
      %swap3A_559 = vector.shape_cast %select_n3A_553 : vector<16xf32> to vector<1x16xf32>
      tpu.vector_store %arg5[%swap3A_555, %swap3A_556], %swap3A_559 {strides = array<i32>} : memref<32x256xf32, #tpu.memory_space<vmem>>, vector<1x16xf32>,
      %sub3A_560 = arith.constant 0 : i32
      %sub3A_561 = vector.broadcast %sub3A_560 : i32 to vector<16xi32>
      %sub3A_562 = arith.subi %sub3A_561, %get3A_67 : vector<16xi32>
      %xor3A_563 = arith.xori %get3A_67, %get3A_17 : vector<16xi32>
      %sub3A_564 = arith.constant 0 : i32
      %sub3A_565 = vector.broadcast %sub3A_564 : i32 to vector<16xi32>
      %sub3A_566 = arith.subi %sub3A_565, %xor3A_563 : vector<16xi32>
      %and3A_567 = arith.andi %sub3A_562, %sub3A_566 : vector<16xi32>
      %xor3A_568 = arith.xori %get3A_67, %get3A_22 : vector<16xi32>
      %sub3A_569 = arith.constant 0 : i32
      %sub3A_570 = vector.broadcast %sub3A_569 : i32 to vector<16xi32>
      %sub3A_571 = arith.subi %sub3A_570, %xor3A_568 : vector<16xi32>
      %and3A_572 = arith.andi %and3A_567, %sub3A_571 : vector<16xi32>
      %xor3A_573 = arith.xori %get3A_67, %get3A_27 : vector<16xi32>
      %sub3A_574 = arith.constant 0 : i32
      %sub3A_575 = vector.broadcast %sub3A_574 : i32 to vector<16xi32>
      %sub3A_576 = arith.subi %sub3A_575, %xor3A_573 : vector<16xi32>
      %and3A_577 = arith.andi %and3A_572, %sub3A_576 : vector<16xi32>
      %xor3A_578 = arith.xori %get3A_67, %get3A_32 : vector<16xi32>
      %sub3A_579 = arith.constant 0 : i32
      %sub3A_580 = vector.broadcast %sub3A_579 : i32 to vector<16xi32>
      %sub3A_581 = arith.subi %sub3A_580, %xor3A_578 : vector<16xi32>
      %and3A_582 = arith.andi %and3A_577, %sub3A_581 : vector<16xi32>
      %xor3A_583 = arith.xori %get3A_67, %get3A_37 : vector<16xi32>
      %sub3A_584 = arith.constant 0 : i32
      %sub3A_585 = vector.broadcast %sub3A_584 : i32 to vector<16xi32>
      %sub3A_586 = arith.subi %sub3A_585, %xor3A_583 : vector<16xi32>
      %and3A_587 = arith.andi %and3A_582, %sub3A_586 : vector<16xi32>
      %xor3A_588 = arith.xori %get3A_67, %get3A_42 : vector<16xi32>
      %sub3A_589 = arith.constant 0 : i32
      %sub3A_590 = vector.broadcast %sub3A_589 : i32 to vector<16xi32>
      %sub3A_591 = arith.subi %sub3A_590, %xor3A_588 : vector<16xi32>
      %and3A_592 = arith.andi %and3A_587, %sub3A_591 : vector<16xi32>
      %xor3A_593 = arith.xori %get3A_67, %get3A_47 : vector<16xi32>
      %sub3A_594 = arith.constant 0 : i32
      %sub3A_595 = vector.broadcast %sub3A_594 : i32 to vector<16xi32>
      %sub3A_596 = arith.subi %sub3A_595, %xor3A_593 : vector<16xi32>
      %and3A_597 = arith.andi %and3A_592, %sub3A_596 : vector<16xi32>
      %xor3A_598 = arith.xori %get3A_67, %get3A_52 : vector<16xi32>
      %sub3A_599 = arith.constant 0 : i32
      %sub3A_600 = vector.broadcast %sub3A_599 : i32 to vector<16xi32>
      %sub3A_601 = arith.subi %sub3A_600, %xor3A_598 : vector<16xi32>
      %and3A_602 = arith.andi %and3A_597, %sub3A_601 : vector<16xi32>
      %xor3A_603 = arith.xori %get3A_67, %get3A_57 : vector<16xi32>
      %sub3A_604 = arith.constant 0 : i32
      %sub3A_605 = vector.broadcast %sub3A_604 : i32 to vector<16xi32>
      %sub3A_606 = arith.subi %sub3A_605, %xor3A_603 : vector<16xi32>
      %and3A_607 = arith.andi %and3A_602, %sub3A_606 : vector<16xi32>
      %xor3A_608 = arith.xori %get3A_67, %get3A_62 : vector<16xi32>
      %sub3A_609 = arith.constant 0 : i32
      %sub3A_610 = vector.broadcast %sub3A_609 : i32 to vector<16xi32>
      %sub3A_611 = arith.subi %sub3A_610, %xor3A_608 : vector<16xi32>
      %and3A_612 = arith.andi %and3A_607, %sub3A_611 : vector<16xi32>
      %lt3A_613 = arith.constant 0 : i32
      %lt3A_614 = vector.broadcast %lt3A_613 : i32 to vector<16xi32>
      %lt3A_615 = arith.cmpi slt, %and3A_612, %lt3A_614 : vector<16xi32>
      %jit3A_616 = arith.constant 1.000000e+00 : f32
      %jit3A_617 = arith.constant 0.000000e+00 : f32
      %broadcast_in_dim3A_618 = vector.broadcast %jit3A_616 : f32 to vector<16xf32>
      %broadcast_in_dim3A_619 = vector.broadcast %jit3A_617 : f32 to vector<16xf32>
      %select_n3A_620 = arith.select %lt3A_615, %broadcast_in_dim3A_618, %broadcast_in_dim3A_619 : vector<16xi1>, vector<16xf32>
      %swap3A_621 = arith.constant 10 : i32
      %swap3A_622 = arith.index_cast %swap3A_621 : i32 to index
      %swap3A_623 = arith.index_cast %mul3A_13 : i32 to index
      %swap3A_624 = tpu.vector_load %arg5[%swap3A_622, %swap3A_623] {strides = array<i32>} : memref<32x256xf32, #tpu.memory_space<vmem>>, vector<1x16xf32>,
      %swap3A_625 = vector.shape_cast %swap3A_624 : vector<1x16xf32> to vector<16xf32>
      %swap3A_626 = vector.shape_cast %select_n3A_620 : vector<16xf32> to vector<1x16xf32>
      tpu.vector_store %arg5[%swap3A_622, %swap3A_623], %swap3A_626 {strides = array<i32>} : memref<32x256xf32, #tpu.memory_space<vmem>>, vector<1x16xf32>,
      %sub3A_627 = arith.constant 0 : i32
      %sub3A_628 = vector.broadcast %sub3A_627 : i32 to vector<16xi32>
      %sub3A_629 = arith.subi %sub3A_628, %get3A_72 : vector<16xi32>
      %xor3A_630 = arith.xori %get3A_72, %get3A_17 : vector<16xi32>
      %sub3A_631 = arith.constant 0 : i32
      %sub3A_632 = vector.broadcast %sub3A_631 : i32 to vector<16xi32>
      %sub3A_633 = arith.subi %sub3A_632, %xor3A_630 : vector<16xi32>
      %and3A_634 = arith.andi %sub3A_629, %sub3A_633 : vector<16xi32>
      %xor3A_635 = arith.xori %get3A_72, %get3A_22 : vector<16xi32>
      %sub3A_636 = arith.constant 0 : i32
      %sub3A_637 = vector.broadcast %sub3A_636 : i32 to vector<16xi32>
      %sub3A_638 = arith.subi %sub3A_637, %xor3A_635 : vector<16xi32>
      %and3A_639 = arith.andi %and3A_634, %sub3A_638 : vector<16xi32>
      %xor3A_640 = arith.xori %get3A_72, %get3A_27 : vector<16xi32>
      %sub3A_641 = arith.constant 0 : i32
      %sub3A_642 = vector.broadcast %sub3A_641 : i32 to vector<16xi32>
      %sub3A_643 = arith.subi %sub3A_642, %xor3A_640 : vector<16xi32>
      %and3A_644 = arith.andi %and3A_639, %sub3A_643 : vector<16xi32>
      %xor3A_645 = arith.xori %get3A_72, %get3A_32 : vector<16xi32>
      %sub3A_646 = arith.constant 0 : i32
      %sub3A_647 = vector.broadcast %sub3A_646 : i32 to vector<16xi32>
      %sub3A_648 = arith.subi %sub3A_647, %xor3A_645 : vector<16xi32>
      %and3A_649 = arith.andi %and3A_644, %sub3A_648 : vector<16xi32>
      %xor3A_650 = arith.xori %get3A_72, %get3A_37 : vector<16xi32>
      %sub3A_651 = arith.constant 0 : i32
      %sub3A_652 = vector.broadcast %sub3A_651 : i32 to vector<16xi32>
      %sub3A_653 = arith.subi %sub3A_652, %xor3A_650 : vector<16xi32>
      %and3A_654 = arith.andi %and3A_649, %sub3A_653 : vector<16xi32>
      %xor3A_655 = arith.xori %get3A_72, %get3A_42 : vector<16xi32>
      %sub3A_656 = arith.constant 0 : i32
      %sub3A_657 = vector.broadcast %sub3A_656 : i32 to vector<16xi32>
      %sub3A_658 = arith.subi %sub3A_657, %xor3A_655 : vector<16xi32>
      %and3A_659 = arith.andi %and3A_654, %sub3A_658 : vector<16xi32>
      %xor3A_660 = arith.xori %get3A_72, %get3A_47 : vector<16xi32>
      %sub3A_661 = arith.constant 0 : i32
      %sub3A_662 = vector.broadcast %sub3A_661 : i32 to vector<16xi32>
      %sub3A_663 = arith.subi %sub3A_662, %xor3A_660 : vector<16xi32>
      %and3A_664 = arith.andi %and3A_659, %sub3A_663 : vector<16xi32>
      %xor3A_665 = arith.xori %get3A_72, %get3A_52 : vector<16xi32>
      %sub3A_666 = arith.constant 0 : i32
      %sub3A_667 = vector.broadcast %sub3A_666 : i32 to vector<16xi32>
      %sub3A_668 = arith.subi %sub3A_667, %xor3A_665 : vector<16xi32>
      %and3A_669 = arith.andi %and3A_664, %sub3A_668 : vector<16xi32>
      %xor3A_670 = arith.xori %get3A_72, %get3A_57 : vector<16xi32>
      %sub3A_671 = arith.constant 0 : i32
      %sub3A_672 = vector.broadcast %sub3A_671 : i32 to vector<16xi32>
      %sub3A_673 = arith.subi %sub3A_672, %xor3A_670 : vector<16xi32>
      %and3A_674 = arith.andi %and3A_669, %sub3A_673 : vector<16xi32>
      %xor3A_675 = arith.xori %get3A_72, %get3A_62 : vector<16xi32>
      %sub3A_676 = arith.constant 0 : i32
      %sub3A_677 = vector.broadcast %sub3A_676 : i32 to vector<16xi32>
      %sub3A_678 = arith.subi %sub3A_677, %xor3A_675 : vector<16xi32>
      %and3A_679 = arith.andi %and3A_674, %sub3A_678 : vector<16xi32>
      %xor3A_680 = arith.xori %get3A_72, %get3A_67 : vector<16xi32>
      %sub3A_681 = arith.constant 0 : i32
      %sub3A_682 = vector.broadcast %sub3A_681 : i32 to vector<16xi32>
      %sub3A_683 = arith.subi %sub3A_682, %xor3A_680 : vector<16xi32>
      %and3A_684 = arith.andi %and3A_679, %sub3A_683 : vector<16xi32>
      %lt3A_685 = arith.constant 0 : i32
      %lt3A_686 = vector.broadcast %lt3A_685 : i32 to vector<16xi32>
      %lt3A_687 = arith.cmpi slt, %and3A_684, %lt3A_686 : vector<16xi32>
      %jit3A_688 = arith.constant 1.000000e+00 : f32
      %jit3A_689 = arith.constant 0.000000e+00 : f32
      %broadcast_in_dim3A_690 = vector.broadcast %jit3A_688 : f32 to vector<16xf32>
      %broadcast_in_dim3A_691 = vector.broadcast %jit3A_689 : f32 to vector<16xf32>
      %select_n3A_692 = arith.select %lt3A_687, %broadcast_in_dim3A_690, %broadcast_in_dim3A_691 : vector<16xi1>, vector<16xf32>
      %swap3A_693 = arith.constant 11 : i32
      %swap3A_694 = arith.index_cast %swap3A_693 : i32 to index
      %swap3A_695 = arith.index_cast %mul3A_13 : i32 to index
      %swap3A_696 = tpu.vector_load %arg5[%swap3A_694, %swap3A_695] {strides = array<i32>} : memref<32x256xf32, #tpu.memory_space<vmem>>, vector<1x16xf32>,
      %swap3A_697 = vector.shape_cast %swap3A_696 : vector<1x16xf32> to vector<16xf32>
      %swap3A_698 = vector.shape_cast %select_n3A_692 : vector<16xf32> to vector<1x16xf32>
      tpu.vector_store %arg5[%swap3A_694, %swap3A_695], %swap3A_698 {strides = array<i32>} : memref<32x256xf32, #tpu.memory_space<vmem>>, vector<1x16xf32>,
      %sub3A_699 = arith.constant 0 : i32
      %sub3A_700 = vector.broadcast %sub3A_699 : i32 to vector<16xi32>
      %sub3A_701 = arith.subi %sub3A_700, %get3A_77 : vector<16xi32>
      %xor3A_702 = arith.xori %get3A_77, %get3A_17 : vector<16xi32>
      %sub3A_703 = arith.constant 0 : i32
      %sub3A_704 = vector.broadcast %sub3A_703 : i32 to vector<16xi32>
      %sub3A_705 = arith.subi %sub3A_704, %xor3A_702 : vector<16xi32>
      %and3A_706 = arith.andi %sub3A_701, %sub3A_705 : vector<16xi32>
      %xor3A_707 = arith.xori %get3A_77, %get3A_22 : vector<16xi32>
      %sub3A_708 = arith.constant 0 : i32
      %sub3A_709 = vector.broadcast %sub3A_708 : i32 to vector<16xi32>
      %sub3A_710 = arith.subi %sub3A_709, %xor3A_707 : vector<16xi32>
      %and3A_711 = arith.andi %and3A_706, %sub3A_710 : vector<16xi32>
      %xor3A_712 = arith.xori %get3A_77, %get3A_27 : vector<16xi32>
      %sub3A_713 = arith.constant 0 : i32
      %sub3A_714 = vector.broadcast %sub3A_713 : i32 to vector<16xi32>
      %sub3A_715 = arith.subi %sub3A_714, %xor3A_712 : vector<16xi32>
      %and3A_716 = arith.andi %and3A_711, %sub3A_715 : vector<16xi32>
      %xor3A_717 = arith.xori %get3A_77, %get3A_32 : vector<16xi32>
      %sub3A_718 = arith.constant 0 : i32
      %sub3A_719 = vector.broadcast %sub3A_718 : i32 to vector<16xi32>
      %sub3A_720 = arith.subi %sub3A_719, %xor3A_717 : vector<16xi32>
      %and3A_721 = arith.andi %and3A_716, %sub3A_720 : vector<16xi32>
      %xor3A_722 = arith.xori %get3A_77, %get3A_37 : vector<16xi32>
      %sub3A_723 = arith.constant 0 : i32
      %sub3A_724 = vector.broadcast %sub3A_723 : i32 to vector<16xi32>
      %sub3A_725 = arith.subi %sub3A_724, %xor3A_722 : vector<16xi32>
      %and3A_726 = arith.andi %and3A_721, %sub3A_725 : vector<16xi32>
      %xor3A_727 = arith.xori %get3A_77, %get3A_42 : vector<16xi32>
      %sub3A_728 = arith.constant 0 : i32
      %sub3A_729 = vector.broadcast %sub3A_728 : i32 to vector<16xi32>
      %sub3A_730 = arith.subi %sub3A_729, %xor3A_727 : vector<16xi32>
      %and3A_731 = arith.andi %and3A_726, %sub3A_730 : vector<16xi32>
      %xor3A_732 = arith.xori %get3A_77, %get3A_47 : vector<16xi32>
      %sub3A_733 = arith.constant 0 : i32
      %sub3A_734 = vector.broadcast %sub3A_733 : i32 to vector<16xi32>
      %sub3A_735 = arith.subi %sub3A_734, %xor3A_732 : vector<16xi32>
      %and3A_736 = arith.andi %and3A_731, %sub3A_735 : vector<16xi32>
      %xor3A_737 = arith.xori %get3A_77, %get3A_52 : vector<16xi32>
      %sub3A_738 = arith.constant 0 : i32
      %sub3A_739 = vector.broadcast %sub3A_738 : i32 to vector<16xi32>
      %sub3A_740 = arith.subi %sub3A_739, %xor3A_737 : vector<16xi32>
      %and3A_741 = arith.andi %and3A_736, %sub3A_740 : vector<16xi32>
      %xor3A_742 = arith.xori %get3A_77, %get3A_57 : vector<16xi32>
      %sub3A_743 = arith.constant 0 : i32
      %sub3A_744 = vector.broadcast %sub3A_743 : i32 to vector<16xi32>
      %sub3A_745 = arith.subi %sub3A_744, %xor3A_742 : vector<16xi32>
      %and3A_746 = arith.andi %and3A_741, %sub3A_745 : vector<16xi32>
      %xor3A_747 = arith.xori %get3A_77, %get3A_62 : vector<16xi32>
      %sub3A_748 = arith.constant 0 : i32
      %sub3A_749 = vector.broadcast %sub3A_748 : i32 to vector<16xi32>
      %sub3A_750 = arith.subi %sub3A_749, %xor3A_747 : vector<16xi32>
      %and3A_751 = arith.andi %and3A_746, %sub3A_750 : vector<16xi32>
      %xor3A_752 = arith.xori %get3A_77, %get3A_67 : vector<16xi32>
      %sub3A_753 = arith.constant 0 : i32
      %sub3A_754 = vector.broadcast %sub3A_753 : i32 to vector<16xi32>
      %sub3A_755 = arith.subi %sub3A_754, %xor3A_752 : vector<16xi32>
      %and3A_756 = arith.andi %and3A_751, %sub3A_755 : vector<16xi32>
      %xor3A_757 = arith.xori %get3A_77, %get3A_72 : vector<16xi32>
      %sub3A_758 = arith.constant 0 : i32
      %sub3A_759 = vector.broadcast %sub3A_758 : i32 to vector<16xi32>
      %sub3A_760 = arith.subi %sub3A_759, %xor3A_757 : vector<16xi32>
      %and3A_761 = arith.andi %and3A_756, %sub3A_760 : vector<16xi32>
      %lt3A_762 = arith.constant 0 : i32
      %lt3A_763 = vector.broadcast %lt3A_762 : i32 to vector<16xi32>
      %lt3A_764 = arith.cmpi slt, %and3A_761, %lt3A_763 : vector<16xi32>
      %jit3A_765 = arith.constant 1.000000e+00 : f32
      %jit3A_766 = arith.constant 0.000000e+00 : f32
      %broadcast_in_dim3A_767 = vector.broadcast %jit3A_765 : f32 to vector<16xf32>
      %broadcast_in_dim3A_768 = vector.broadcast %jit3A_766 : f32 to vector<16xf32>
      %select_n3A_769 = arith.select %lt3A_764, %broadcast_in_dim3A_767, %broadcast_in_dim3A_768 : vector<16xi1>, vector<16xf32>
      %swap3A_770 = arith.constant 12 : i32
      %swap3A_771 = arith.index_cast %swap3A_770 : i32 to index
      %swap3A_772 = arith.index_cast %mul3A_13 : i32 to index
      %swap3A_773 = tpu.vector_load %arg5[%swap3A_771, %swap3A_772] {strides = array<i32>} : memref<32x256xf32, #tpu.memory_space<vmem>>, vector<1x16xf32>,
      %swap3A_774 = vector.shape_cast %swap3A_773 : vector<1x16xf32> to vector<16xf32>
      %swap3A_775 = vector.shape_cast %select_n3A_769 : vector<16xf32> to vector<1x16xf32>
      tpu.vector_store %arg5[%swap3A_771, %swap3A_772], %swap3A_775 {strides = array<i32>} : memref<32x256xf32, #tpu.memory_space<vmem>>, vector<1x16xf32>,
      %sub3A_776 = arith.constant 0 : i32
      %sub3A_777 = vector.broadcast %sub3A_776 : i32 to vector<16xi32>
      %sub3A_778 = arith.subi %sub3A_777, %get3A_82 : vector<16xi32>
      %xor3A_779 = arith.xori %get3A_82, %get3A_17 : vector<16xi32>
      %sub3A_780 = arith.constant 0 : i32
      %sub3A_781 = vector.broadcast %sub3A_780 : i32 to vector<16xi32>
      %sub3A_782 = arith.subi %sub3A_781, %xor3A_779 : vector<16xi32>
      %and3A_783 = arith.andi %sub3A_778, %sub3A_782 : vector<16xi32>
      %xor3A_784 = arith.xori %get3A_82, %get3A_22 : vector<16xi32>
      %sub3A_785 = arith.constant 0 : i32
      %sub3A_786 = vector.broadcast %sub3A_785 : i32 to vector<16xi32>
      %sub3A_787 = arith.subi %sub3A_786, %xor3A_784 : vector<16xi32>
      %and3A_788 = arith.andi %and3A_783, %sub3A_787 : vector<16xi32>
      %xor3A_789 = arith.xori %get3A_82, %get3A_27 : vector<16xi32>
      %sub3A_790 = arith.constant 0 : i32
      %sub3A_791 = vector.broadcast %sub3A_790 : i32 to vector<16xi32>
      %sub3A_792 = arith.subi %sub3A_791, %xor3A_789 : vector<16xi32>
      %and3A_793 = arith.andi %and3A_788, %sub3A_792 : vector<16xi32>
      %xor3A_794 = arith.xori %get3A_82, %get3A_32 : vector<16xi32>
      %sub3A_795 = arith.constant 0 : i32
      %sub3A_796 = vector.broadcast %sub3A_795 : i32 to vector<16xi32>
      %sub3A_797 = arith.subi %sub3A_796, %xor3A_794 : vector<16xi32>
      %and3A_798 = arith.andi %and3A_793, %sub3A_797 : vector<16xi32>
      %xor3A_799 = arith.xori %get3A_82, %get3A_37 : vector<16xi32>
      %sub3A_800 = arith.constant 0 : i32
      %sub3A_801 = vector.broadcast %sub3A_800 : i32 to vector<16xi32>
      %sub3A_802 = arith.subi %sub3A_801, %xor3A_799 : vector<16xi32>
      %and3A_803 = arith.andi %and3A_798, %sub3A_802 : vector<16xi32>
      %xor3A_804 = arith.xori %get3A_82, %get3A_42 : vector<16xi32>
      %sub3A_805 = arith.constant 0 : i32
      %sub3A_806 = vector.broadcast %sub3A_805 : i32 to vector<16xi32>
      %sub3A_807 = arith.subi %sub3A_806, %xor3A_804 : vector<16xi32>
      %and3A_808 = arith.andi %and3A_803, %sub3A_807 : vector<16xi32>
      %xor3A_809 = arith.xori %get3A_82, %get3A_47 : vector<16xi32>
      %sub3A_810 = arith.constant 0 : i32
      %sub3A_811 = vector.broadcast %sub3A_810 : i32 to vector<16xi32>
      %sub3A_812 = arith.subi %sub3A_811, %xor3A_809 : vector<16xi32>
      %and3A_813 = arith.andi %and3A_808, %sub3A_812 : vector<16xi32>
      %xor3A_814 = arith.xori %get3A_82, %get3A_52 : vector<16xi32>
      %sub3A_815 = arith.constant 0 : i32
      %sub3A_816 = vector.broadcast %sub3A_815 : i32 to vector<16xi32>
      %sub3A_817 = arith.subi %sub3A_816, %xor3A_814 : vector<16xi32>
      %and3A_818 = arith.andi %and3A_813, %sub3A_817 : vector<16xi32>
      %xor3A_819 = arith.xori %get3A_82, %get3A_57 : vector<16xi32>
      %sub3A_820 = arith.constant 0 : i32
      %sub3A_821 = vector.broadcast %sub3A_820 : i32 to vector<16xi32>
      %sub3A_822 = arith.subi %sub3A_821, %xor3A_819 : vector<16xi32>
      %and3A_823 = arith.andi %and3A_818, %sub3A_822 : vector<16xi32>
      %xor3A_824 = arith.xori %get3A_82, %get3A_62 : vector<16xi32>
      %sub3A_825 = arith.constant 0 : i32
      %sub3A_826 = vector.broadcast %sub3A_825 : i32 to vector<16xi32>
      %sub3A_827 = arith.subi %sub3A_826, %xor3A_824 : vector<16xi32>
      %and3A_828 = arith.andi %and3A_823, %sub3A_827 : vector<16xi32>
      %xor3A_829 = arith.xori %get3A_82, %get3A_67 : vector<16xi32>
      %sub3A_830 = arith.constant 0 : i32
      %sub3A_831 = vector.broadcast %sub3A_830 : i32 to vector<16xi32>
      %sub3A_832 = arith.subi %sub3A_831, %xor3A_829 : vector<16xi32>
      %and3A_833 = arith.andi %and3A_828, %sub3A_832 : vector<16xi32>
      %xor3A_834 = arith.xori %get3A_82, %get3A_72 : vector<16xi32>
      %sub3A_835 = arith.constant 0 : i32
      %sub3A_836 = vector.broadcast %sub3A_835 : i32 to vector<16xi32>
      %sub3A_837 = arith.subi %sub3A_836, %xor3A_834 : vector<16xi32>
      %and3A_838 = arith.andi %and3A_833, %sub3A_837 : vector<16xi32>
      %xor3A_839 = arith.xori %get3A_82, %get3A_77 : vector<16xi32>
      %sub3A_840 = arith.constant 0 : i32
      %sub3A_841 = vector.broadcast %sub3A_840 : i32 to vector<16xi32>
      %sub3A_842 = arith.subi %sub3A_841, %xor3A_839 : vector<16xi32>
      %and3A_843 = arith.andi %and3A_838, %sub3A_842 : vector<16xi32>
      %lt3A_844 = arith.constant 0 : i32
      %lt3A_845 = vector.broadcast %lt3A_844 : i32 to vector<16xi32>
      %lt3A_846 = arith.cmpi slt, %and3A_843, %lt3A_845 : vector<16xi32>
      %jit3A_847 = arith.constant 1.000000e+00 : f32
      %jit3A_848 = arith.constant 0.000000e+00 : f32
      %broadcast_in_dim3A_849 = vector.broadcast %jit3A_847 : f32 to vector<16xf32>
      %broadcast_in_dim3A_850 = vector.broadcast %jit3A_848 : f32 to vector<16xf32>
      %select_n3A_851 = arith.select %lt3A_846, %broadcast_in_dim3A_849, %broadcast_in_dim3A_850 : vector<16xi1>, vector<16xf32>
      %swap3A_852 = arith.constant 13 : i32
      %swap3A_853 = arith.index_cast %swap3A_852 : i32 to index
      %swap3A_854 = arith.index_cast %mul3A_13 : i32 to index
      %swap3A_855 = tpu.vector_load %arg5[%swap3A_853, %swap3A_854] {strides = array<i32>} : memref<32x256xf32, #tpu.memory_space<vmem>>, vector<1x16xf32>,
      %swap3A_856 = vector.shape_cast %swap3A_855 : vector<1x16xf32> to vector<16xf32>
      %swap3A_857 = vector.shape_cast %select_n3A_851 : vector<16xf32> to vector<1x16xf32>
      tpu.vector_store %arg5[%swap3A_853, %swap3A_854], %swap3A_857 {strides = array<i32>} : memref<32x256xf32, #tpu.memory_space<vmem>>, vector<1x16xf32>,
      %sub3A_858 = arith.constant 0 : i32
      %sub3A_859 = vector.broadcast %sub3A_858 : i32 to vector<16xi32>
      %sub3A_860 = arith.subi %sub3A_859, %get3A_87 : vector<16xi32>
      %xor3A_861 = arith.xori %get3A_87, %get3A_17 : vector<16xi32>
      %sub3A_862 = arith.constant 0 : i32
      %sub3A_863 = vector.broadcast %sub3A_862 : i32 to vector<16xi32>
      %sub3A_864 = arith.subi %sub3A_863, %xor3A_861 : vector<16xi32>
      %and3A_865 = arith.andi %sub3A_860, %sub3A_864 : vector<16xi32>
      %xor3A_866 = arith.xori %get3A_87, %get3A_22 : vector<16xi32>
      %sub3A_867 = arith.constant 0 : i32
      %sub3A_868 = vector.broadcast %sub3A_867 : i32 to vector<16xi32>
      %sub3A_869 = arith.subi %sub3A_868, %xor3A_866 : vector<16xi32>
      %and3A_870 = arith.andi %and3A_865, %sub3A_869 : vector<16xi32>
      %xor3A_871 = arith.xori %get3A_87, %get3A_27 : vector<16xi32>
      %sub3A_872 = arith.constant 0 : i32
      %sub3A_873 = vector.broadcast %sub3A_872 : i32 to vector<16xi32>
      %sub3A_874 = arith.subi %sub3A_873, %xor3A_871 : vector<16xi32>
      %and3A_875 = arith.andi %and3A_870, %sub3A_874 : vector<16xi32>
      %xor3A_876 = arith.xori %get3A_87, %get3A_32 : vector<16xi32>
      %sub3A_877 = arith.constant 0 : i32
      %sub3A_878 = vector.broadcast %sub3A_877 : i32 to vector<16xi32>
      %sub3A_879 = arith.subi %sub3A_878, %xor3A_876 : vector<16xi32>
      %and3A_880 = arith.andi %and3A_875, %sub3A_879 : vector<16xi32>
      %xor3A_881 = arith.xori %get3A_87, %get3A_37 : vector<16xi32>
      %sub3A_882 = arith.constant 0 : i32
      %sub3A_883 = vector.broadcast %sub3A_882 : i32 to vector<16xi32>
      %sub3A_884 = arith.subi %sub3A_883, %xor3A_881 : vector<16xi32>
      %and3A_885 = arith.andi %and3A_880, %sub3A_884 : vector<16xi32>
      %xor3A_886 = arith.xori %get3A_87, %get3A_42 : vector<16xi32>
      %sub3A_887 = arith.constant 0 : i32
      %sub3A_888 = vector.broadcast %sub3A_887 : i32 to vector<16xi32>
      %sub3A_889 = arith.subi %sub3A_888, %xor3A_886 : vector<16xi32>
      %and3A_890 = arith.andi %and3A_885, %sub3A_889 : vector<16xi32>
      %xor3A_891 = arith.xori %get3A_87, %get3A_47 : vector<16xi32>
      %sub3A_892 = arith.constant 0 : i32
      %sub3A_893 = vector.broadcast %sub3A_892 : i32 to vector<16xi32>
      %sub3A_894 = arith.subi %sub3A_893, %xor3A_891 : vector<16xi32>
      %and3A_895 = arith.andi %and3A_890, %sub3A_894 : vector<16xi32>
      %xor3A_896 = arith.xori %get3A_87, %get3A_52 : vector<16xi32>
      %sub3A_897 = arith.constant 0 : i32
      %sub3A_898 = vector.broadcast %sub3A_897 : i32 to vector<16xi32>
      %sub3A_899 = arith.subi %sub3A_898, %xor3A_896 : vector<16xi32>
      %and3A_900 = arith.andi %and3A_895, %sub3A_899 : vector<16xi32>
      %xor3A_901 = arith.xori %get3A_87, %get3A_57 : vector<16xi32>
      %sub3A_902 = arith.constant 0 : i32
      %sub3A_903 = vector.broadcast %sub3A_902 : i32 to vector<16xi32>
      %sub3A_904 = arith.subi %sub3A_903, %xor3A_901 : vector<16xi32>
      %and3A_905 = arith.andi %and3A_900, %sub3A_904 : vector<16xi32>
      %xor3A_906 = arith.xori %get3A_87, %get3A_62 : vector<16xi32>
      %sub3A_907 = arith.constant 0 : i32
      %sub3A_908 = vector.broadcast %sub3A_907 : i32 to vector<16xi32>
      %sub3A_909 = arith.subi %sub3A_908, %xor3A_906 : vector<16xi32>
      %and3A_910 = arith.andi %and3A_905, %sub3A_909 : vector<16xi32>
      %xor3A_911 = arith.xori %get3A_87, %get3A_67 : vector<16xi32>
      %sub3A_912 = arith.constant 0 : i32
      %sub3A_913 = vector.broadcast %sub3A_912 : i32 to vector<16xi32>
      %sub3A_914 = arith.subi %sub3A_913, %xor3A_911 : vector<16xi32>
      %and3A_915 = arith.andi %and3A_910, %sub3A_914 : vector<16xi32>
      %xor3A_916 = arith.xori %get3A_87, %get3A_72 : vector<16xi32>
      %sub3A_917 = arith.constant 0 : i32
      %sub3A_918 = vector.broadcast %sub3A_917 : i32 to vector<16xi32>
      %sub3A_919 = arith.subi %sub3A_918, %xor3A_916 : vector<16xi32>
      %and3A_920 = arith.andi %and3A_915, %sub3A_919 : vector<16xi32>
      %xor3A_921 = arith.xori %get3A_87, %get3A_77 : vector<16xi32>
      %sub3A_922 = arith.constant 0 : i32
      %sub3A_923 = vector.broadcast %sub3A_922 : i32 to vector<16xi32>
      %sub3A_924 = arith.subi %sub3A_923, %xor3A_921 : vector<16xi32>
      %and3A_925 = arith.andi %and3A_920, %sub3A_924 : vector<16xi32>
      %xor3A_926 = arith.xori %get3A_87, %get3A_82 : vector<16xi32>
      %sub3A_927 = arith.constant 0 : i32
      %sub3A_928 = vector.broadcast %sub3A_927 : i32 to vector<16xi32>
      %sub3A_929 = arith.subi %sub3A_928, %xor3A_926 : vector<16xi32>
      %and3A_930 = arith.andi %and3A_925, %sub3A_929 : vector<16xi32>
      %lt3A_931 = arith.constant 0 : i32
      %lt3A_932 = vector.broadcast %lt3A_931 : i32 to vector<16xi32>
      %lt3A_933 = arith.cmpi slt, %and3A_930, %lt3A_932 : vector<16xi32>
      %jit3A_934 = arith.constant 1.000000e+00 : f32
      %jit3A_935 = arith.constant 0.000000e+00 : f32
      %broadcast_in_dim3A_936 = vector.broadcast %jit3A_934 : f32 to vector<16xf32>
      %broadcast_in_dim3A_937 = vector.broadcast %jit3A_935 : f32 to vector<16xf32>
      %select_n3A_938 = arith.select %lt3A_933, %broadcast_in_dim3A_936, %broadcast_in_dim3A_937 : vector<16xi1>, vector<16xf32>
      %swap3A_939 = arith.constant 14 : i32
      %swap3A_940 = arith.index_cast %swap3A_939 : i32 to index
      %swap3A_941 = arith.index_cast %mul3A_13 : i32 to index
      %swap3A_942 = tpu.vector_load %arg5[%swap3A_940, %swap3A_941] {strides = array<i32>} : memref<32x256xf32, #tpu.memory_space<vmem>>, vector<1x16xf32>,
      %swap3A_943 = vector.shape_cast %swap3A_942 : vector<1x16xf32> to vector<16xf32>
      %swap3A_944 = vector.shape_cast %select_n3A_938 : vector<16xf32> to vector<1x16xf32>
      tpu.vector_store %arg5[%swap3A_940, %swap3A_941], %swap3A_944 {strides = array<i32>} : memref<32x256xf32, #tpu.memory_space<vmem>>, vector<1x16xf32>,
      %sub3A_945 = arith.constant 0 : i32
      %sub3A_946 = vector.broadcast %sub3A_945 : i32 to vector<16xi32>
      %sub3A_947 = arith.subi %sub3A_946, %get3A_92 : vector<16xi32>
      %xor3A_948 = arith.xori %get3A_92, %get3A_17 : vector<16xi32>
      %sub3A_949 = arith.constant 0 : i32
      %sub3A_950 = vector.broadcast %sub3A_949 : i32 to vector<16xi32>
      %sub3A_951 = arith.subi %sub3A_950, %xor3A_948 : vector<16xi32>
      %and3A_952 = arith.andi %sub3A_947, %sub3A_951 : vector<16xi32>
      %xor3A_953 = arith.xori %get3A_92, %get3A_22 : vector<16xi32>
      %sub3A_954 = arith.constant 0 : i32
      %sub3A_955 = vector.broadcast %sub3A_954 : i32 to vector<16xi32>
      %sub3A_956 = arith.subi %sub3A_955, %xor3A_953 : vector<16xi32>
      %and3A_957 = arith.andi %and3A_952, %sub3A_956 : vector<16xi32>
      %xor3A_958 = arith.xori %get3A_92, %get3A_27 : vector<16xi32>
      %sub3A_959 = arith.constant 0 : i32
      %sub3A_960 = vector.broadcast %sub3A_959 : i32 to vector<16xi32>
      %sub3A_961 = arith.subi %sub3A_960, %xor3A_958 : vector<16xi32>
      %and3A_962 = arith.andi %and3A_957, %sub3A_961 : vector<16xi32>
      %xor3A_963 = arith.xori %get3A_92, %get3A_32 : vector<16xi32>
      %sub3A_964 = arith.constant 0 : i32
      %sub3A_965 = vector.broadcast %sub3A_964 : i32 to vector<16xi32>
      %sub3A_966 = arith.subi %sub3A_965, %xor3A_963 : vector<16xi32>
      %and3A_967 = arith.andi %and3A_962, %sub3A_966 : vector<16xi32>
      %xor3A_968 = arith.xori %get3A_92, %get3A_37 : vector<16xi32>
      %sub3A_969 = arith.constant 0 : i32
      %sub3A_970 = vector.broadcast %sub3A_969 : i32 to vector<16xi32>
      %sub3A_971 = arith.subi %sub3A_970, %xor3A_968 : vector<16xi32>
      %and3A_972 = arith.andi %and3A_967, %sub3A_971 : vector<16xi32>
      %xor3A_973 = arith.xori %get3A_92, %get3A_42 : vector<16xi32>
      %sub3A_974 = arith.constant 0 : i32
      %sub3A_975 = vector.broadcast %sub3A_974 : i32 to vector<16xi32>
      %sub3A_976 = arith.subi %sub3A_975, %xor3A_973 : vector<16xi32>
      %and3A_977 = arith.andi %and3A_972, %sub3A_976 : vector<16xi32>
      %xor3A_978 = arith.xori %get3A_92, %get3A_47 : vector<16xi32>
      %sub3A_979 = arith.constant 0 : i32
      %sub3A_980 = vector.broadcast %sub3A_979 : i32 to vector<16xi32>
      %sub3A_981 = arith.subi %sub3A_980, %xor3A_978 : vector<16xi32>
      %and3A_982 = arith.andi %and3A_977, %sub3A_981 : vector<16xi32>
      %xor3A_983 = arith.xori %get3A_92, %get3A_52 : vector<16xi32>
      %sub3A_984 = arith.constant 0 : i32
      %sub3A_985 = vector.broadcast %sub3A_984 : i32 to vector<16xi32>
      %sub3A_986 = arith.subi %sub3A_985, %xor3A_983 : vector<16xi32>
      %and3A_987 = arith.andi %and3A_982, %sub3A_986 : vector<16xi32>
      %xor3A_988 = arith.xori %get3A_92, %get3A_57 : vector<16xi32>
      %sub3A_989 = arith.constant 0 : i32
      %sub3A_990 = vector.broadcast %sub3A_989 : i32 to vector<16xi32>
      %sub3A_991 = arith.subi %sub3A_990, %xor3A_988 : vector<16xi32>
      %and3A_992 = arith.andi %and3A_987, %sub3A_991 : vector<16xi32>
      %xor3A_993 = arith.xori %get3A_92, %get3A_62 : vector<16xi32>
      %sub3A_994 = arith.constant 0 : i32
      %sub3A_995 = vector.broadcast %sub3A_994 : i32 to vector<16xi32>
      %sub3A_996 = arith.subi %sub3A_995, %xor3A_993 : vector<16xi32>
      %and3A_997 = arith.andi %and3A_992, %sub3A_996 : vector<16xi32>
      %xor3A_998 = arith.xori %get3A_92, %get3A_67 : vector<16xi32>
      %sub3A_999 = arith.constant 0 : i32
      %sub3A_1000 = vector.broadcast %sub3A_999 : i32 to vector<16xi32>
      %sub3A_1001 = arith.subi %sub3A_1000, %xor3A_998 : vector<16xi32>
      %and3A_1002 = arith.andi %and3A_997, %sub3A_1001 : vector<16xi32>
      %xor3A_1003 = arith.xori %get3A_92, %get3A_72 : vector<16xi32>
      %sub3A_1004 = arith.constant 0 : i32
      %sub3A_1005 = vector.broadcast %sub3A_1004 : i32 to vector<16xi32>
      %sub3A_1006 = arith.subi %sub3A_1005, %xor3A_1003 : vector<16xi32>
      %and3A_1007 = arith.andi %and3A_1002, %sub3A_1006 : vector<16xi32>
      %xor3A_1008 = arith.xori %get3A_92, %get3A_77 : vector<16xi32>
      %sub3A_1009 = arith.constant 0 : i32
      %sub3A_1010 = vector.broadcast %sub3A_1009 : i32 to vector<16xi32>
      %sub3A_1011 = arith.subi %sub3A_1010, %xor3A_1008 : vector<16xi32>
      %and3A_1012 = arith.andi %and3A_1007, %sub3A_1011 : vector<16xi32>
      %xor3A_1013 = arith.xori %get3A_92, %get3A_82 : vector<16xi32>
      %sub3A_1014 = arith.constant 0 : i32
      %sub3A_1015 = vector.broadcast %sub3A_1014 : i32 to vector<16xi32>
      %sub3A_1016 = arith.subi %sub3A_1015, %xor3A_1013 : vector<16xi32>
      %and3A_1017 = arith.andi %and3A_1012, %sub3A_1016 : vector<16xi32>
      %xor3A_1018 = arith.xori %get3A_92, %get3A_87 : vector<16xi32>
      %sub3A_1019 = arith.constant 0 : i32
      %sub3A_1020 = vector.broadcast %sub3A_1019 : i32 to vector<16xi32>
      %sub3A_1021 = arith.subi %sub3A_1020, %xor3A_1018 : vector<16xi32>
      %and3A_1022 = arith.andi %and3A_1017, %sub3A_1021 : vector<16xi32>
      %lt3A_1023 = arith.constant 0 : i32
      %lt3A_1024 = vector.broadcast %lt3A_1023 : i32 to vector<16xi32>
      %lt3A_1025 = arith.cmpi slt, %and3A_1022, %lt3A_1024 : vector<16xi32>
      %jit3A_1026 = arith.constant 1.000000e+00 : f32
      %jit3A_1027 = arith.constant 0.000000e+00 : f32
      %broadcast_in_dim3A_1028 = vector.broadcast %jit3A_1026 : f32 to vector<16xf32>
      %broadcast_in_dim3A_1029 = vector.broadcast %jit3A_1027 : f32 to vector<16xf32>
      %select_n3A_1030 = arith.select %lt3A_1025, %broadcast_in_dim3A_1028, %broadcast_in_dim3A_1029 : vector<16xi1>, vector<16xf32>
      %swap3A_1031 = arith.constant 15 : i32
      %swap3A_1032 = arith.index_cast %swap3A_1031 : i32 to index
      %swap3A_1033 = arith.index_cast %mul3A_13 : i32 to index
      %swap3A_1034 = tpu.vector_load %arg5[%swap3A_1032, %swap3A_1033] {strides = array<i32>} : memref<32x256xf32, #tpu.memory_space<vmem>>, vector<1x16xf32>,
      %swap3A_1035 = vector.shape_cast %swap3A_1034 : vector<1x16xf32> to vector<16xf32>
      %swap3A_1036 = vector.shape_cast %select_n3A_1030 : vector<16xf32> to vector<1x16xf32>
      tpu.vector_store %arg5[%swap3A_1032, %swap3A_1033], %swap3A_1036 {strides = array<i32>} : memref<32x256xf32, #tpu.memory_space<vmem>>, vector<1x16xf32>,
      %sub3A_1037 = arith.constant 0 : i32
      %sub3A_1038 = vector.broadcast %sub3A_1037 : i32 to vector<16xi32>
      %sub3A_1039 = arith.subi %sub3A_1038, %get3A_97 : vector<16xi32>
      %xor3A_1040 = arith.xori %get3A_97, %get3A_17 : vector<16xi32>
      %sub3A_1041 = arith.constant 0 : i32
      %sub3A_1042 = vector.broadcast %sub3A_1041 : i32 to vector<16xi32>
      %sub3A_1043 = arith.subi %sub3A_1042, %xor3A_1040 : vector<16xi32>
      %and3A_1044 = arith.andi %sub3A_1039, %sub3A_1043 : vector<16xi32>
      %xor3A_1045 = arith.xori %get3A_97, %get3A_22 : vector<16xi32>
      %sub3A_1046 = arith.constant 0 : i32
      %sub3A_1047 = vector.broadcast %sub3A_1046 : i32 to vector<16xi32>
      %sub3A_1048 = arith.subi %sub3A_1047, %xor3A_1045 : vector<16xi32>
      %and3A_1049 = arith.andi %and3A_1044, %sub3A_1048 : vector<16xi32>
      %xor3A_1050 = arith.xori %get3A_97, %get3A_27 : vector<16xi32>
      %sub3A_1051 = arith.constant 0 : i32
      %sub3A_1052 = vector.broadcast %sub3A_1051 : i32 to vector<16xi32>
      %sub3A_1053 = arith.subi %sub3A_1052, %xor3A_1050 : vector<16xi32>
      %and3A_1054 = arith.andi %and3A_1049, %sub3A_1053 : vector<16xi32>
      %xor3A_1055 = arith.xori %get3A_97, %get3A_32 : vector<16xi32>
      %sub3A_1056 = arith.constant 0 : i32
      %sub3A_1057 = vector.broadcast %sub3A_1056 : i32 to vector<16xi32>
      %sub3A_1058 = arith.subi %sub3A_1057, %xor3A_1055 : vector<16xi32>
      %and3A_1059 = arith.andi %and3A_1054, %sub3A_1058 : vector<16xi32>
      %xor3A_1060 = arith.xori %get3A_97, %get3A_37 : vector<16xi32>
      %sub3A_1061 = arith.constant 0 : i32
      %sub3A_1062 = vector.broadcast %sub3A_1061 : i32 to vector<16xi32>
      %sub3A_1063 = arith.subi %sub3A_1062, %xor3A_1060 : vector<16xi32>
      %and3A_1064 = arith.andi %and3A_1059, %sub3A_1063 : vector<16xi32>
      %xor3A_1065 = arith.xori %get3A_97, %get3A_42 : vector<16xi32>
      %sub3A_1066 = arith.constant 0 : i32
      %sub3A_1067 = vector.broadcast %sub3A_1066 : i32 to vector<16xi32>
      %sub3A_1068 = arith.subi %sub3A_1067, %xor3A_1065 : vector<16xi32>
      %and3A_1069 = arith.andi %and3A_1064, %sub3A_1068 : vector<16xi32>
      %xor3A_1070 = arith.xori %get3A_97, %get3A_47 : vector<16xi32>
      %sub3A_1071 = arith.constant 0 : i32
      %sub3A_1072 = vector.broadcast %sub3A_1071 : i32 to vector<16xi32>
      %sub3A_1073 = arith.subi %sub3A_1072, %xor3A_1070 : vector<16xi32>
      %and3A_1074 = arith.andi %and3A_1069, %sub3A_1073 : vector<16xi32>
      %xor3A_1075 = arith.xori %get3A_97, %get3A_52 : vector<16xi32>
      %sub3A_1076 = arith.constant 0 : i32
      %sub3A_1077 = vector.broadcast %sub3A_1076 : i32 to vector<16xi32>
      %sub3A_1078 = arith.subi %sub3A_1077, %xor3A_1075 : vector<16xi32>
      %and3A_1079 = arith.andi %and3A_1074, %sub3A_1078 : vector<16xi32>
      %xor3A_1080 = arith.xori %get3A_97, %get3A_57 : vector<16xi32>
      %sub3A_1081 = arith.constant 0 : i32
      %sub3A_1082 = vector.broadcast %sub3A_1081 : i32 to vector<16xi32>
      %sub3A_1083 = arith.subi %sub3A_1082, %xor3A_1080 : vector<16xi32>
      %and3A_1084 = arith.andi %and3A_1079, %sub3A_1083 : vector<16xi32>
      %xor3A_1085 = arith.xori %get3A_97, %get3A_62 : vector<16xi32>
      %sub3A_1086 = arith.constant 0 : i32
      %sub3A_1087 = vector.broadcast %sub3A_1086 : i32 to vector<16xi32>
      %sub3A_1088 = arith.subi %sub3A_1087, %xor3A_1085 : vector<16xi32>
      %and3A_1089 = arith.andi %and3A_1084, %sub3A_1088 : vector<16xi32>
      %xor3A_1090 = arith.xori %get3A_97, %get3A_67 : vector<16xi32>
      %sub3A_1091 = arith.constant 0 : i32
      %sub3A_1092 = vector.broadcast %sub3A_1091 : i32 to vector<16xi32>
      %sub3A_1093 = arith.subi %sub3A_1092, %xor3A_1090 : vector<16xi32>
      %and3A_1094 = arith.andi %and3A_1089, %sub3A_1093 : vector<16xi32>
      %xor3A_1095 = arith.xori %get3A_97, %get3A_72 : vector<16xi32>
      %sub3A_1096 = arith.constant 0 : i32
      %sub3A_1097 = vector.broadcast %sub3A_1096 : i32 to vector<16xi32>
      %sub3A_1098 = arith.subi %sub3A_1097, %xor3A_1095 : vector<16xi32>
      %and3A_1099 = arith.andi %and3A_1094, %sub3A_1098 : vector<16xi32>
      %xor3A_1100 = arith.xori %get3A_97, %get3A_77 : vector<16xi32>
      %sub3A_1101 = arith.constant 0 : i32
      %sub3A_1102 = vector.broadcast %sub3A_1101 : i32 to vector<16xi32>
      %sub3A_1103 = arith.subi %sub3A_1102, %xor3A_1100 : vector<16xi32>
      %and3A_1104 = arith.andi %and3A_1099, %sub3A_1103 : vector<16xi32>
      %xor3A_1105 = arith.xori %get3A_97, %get3A_82 : vector<16xi32>
      %sub3A_1106 = arith.constant 0 : i32
      %sub3A_1107 = vector.broadcast %sub3A_1106 : i32 to vector<16xi32>
      %sub3A_1108 = arith.subi %sub3A_1107, %xor3A_1105 : vector<16xi32>
      %and3A_1109 = arith.andi %and3A_1104, %sub3A_1108 : vector<16xi32>
      %xor3A_1110 = arith.xori %get3A_97, %get3A_87 : vector<16xi32>
      %sub3A_1111 = arith.constant 0 : i32
      %sub3A_1112 = vector.broadcast %sub3A_1111 : i32 to vector<16xi32>
      %sub3A_1113 = arith.subi %sub3A_1112, %xor3A_1110 : vector<16xi32>
      %and3A_1114 = arith.andi %and3A_1109, %sub3A_1113 : vector<16xi32>
      %xor3A_1115 = arith.xori %get3A_97, %get3A_92 : vector<16xi32>
      %sub3A_1116 = arith.constant 0 : i32
      %sub3A_1117 = vector.broadcast %sub3A_1116 : i32 to vector<16xi32>
      %sub3A_1118 = arith.subi %sub3A_1117, %xor3A_1115 : vector<16xi32>
      %and3A_1119 = arith.andi %and3A_1114, %sub3A_1118 : vector<16xi32>
      %lt3A_1120 = arith.constant 0 : i32
      %lt3A_1121 = vector.broadcast %lt3A_1120 : i32 to vector<16xi32>
      %lt3A_1122 = arith.cmpi slt, %and3A_1119, %lt3A_1121 : vector<16xi32>
      %jit3A_1123 = arith.constant 1.000000e+00 : f32
      %jit3A_1124 = arith.constant 0.000000e+00 : f32
      %broadcast_in_dim3A_1125 = vector.broadcast %jit3A_1123 : f32 to vector<16xf32>
      %broadcast_in_dim3A_1126 = vector.broadcast %jit3A_1124 : f32 to vector<16xf32>
      %select_n3A_1127 = arith.select %lt3A_1122, %broadcast_in_dim3A_1125, %broadcast_in_dim3A_1126 : vector<16xi1>, vector<16xf32>
      %swap3A_1128 = arith.constant 16 : i32
      %swap3A_1129 = arith.index_cast %swap3A_1128 : i32 to index
      %swap3A_1130 = arith.index_cast %mul3A_13 : i32 to index
      %swap3A_1131 = tpu.vector_load %arg5[%swap3A_1129, %swap3A_1130] {strides = array<i32>} : memref<32x256xf32, #tpu.memory_space<vmem>>, vector<1x16xf32>,
      %swap3A_1132 = vector.shape_cast %swap3A_1131 : vector<1x16xf32> to vector<16xf32>
      %swap3A_1133 = vector.shape_cast %select_n3A_1127 : vector<16xf32> to vector<1x16xf32>
      tpu.vector_store %arg5[%swap3A_1129, %swap3A_1130], %swap3A_1133 {strides = array<i32>} : memref<32x256xf32, #tpu.memory_space<vmem>>, vector<1x16xf32>,
      %sub3A_1134 = arith.constant 0 : i32
      %sub3A_1135 = vector.broadcast %sub3A_1134 : i32 to vector<16xi32>
      %sub3A_1136 = arith.subi %sub3A_1135, %get3A_102 : vector<16xi32>
      %xor3A_1137 = arith.xori %get3A_102, %get3A_17 : vector<16xi32>
      %sub3A_1138 = arith.constant 0 : i32
      %sub3A_1139 = vector.broadcast %sub3A_1138 : i32 to vector<16xi32>
      %sub3A_1140 = arith.subi %sub3A_1139, %xor3A_1137 : vector<16xi32>
      %and3A_1141 = arith.andi %sub3A_1136, %sub3A_1140 : vector<16xi32>
      %xor3A_1142 = arith.xori %get3A_102, %get3A_22 : vector<16xi32>
      %sub3A_1143 = arith.constant 0 : i32
      %sub3A_1144 = vector.broadcast %sub3A_1143 : i32 to vector<16xi32>
      %sub3A_1145 = arith.subi %sub3A_1144, %xor3A_1142 : vector<16xi32>
      %and3A_1146 = arith.andi %and3A_1141, %sub3A_1145 : vector<16xi32>
      %xor3A_1147 = arith.xori %get3A_102, %get3A_27 : vector<16xi32>
      %sub3A_1148 = arith.constant 0 : i32
      %sub3A_1149 = vector.broadcast %sub3A_1148 : i32 to vector<16xi32>
      %sub3A_1150 = arith.subi %sub3A_1149, %xor3A_1147 : vector<16xi32>
      %and3A_1151 = arith.andi %and3A_1146, %sub3A_1150 : vector<16xi32>
      %xor3A_1152 = arith.xori %get3A_102, %get3A_32 : vector<16xi32>
      %sub3A_1153 = arith.constant 0 : i32
      %sub3A_1154 = vector.broadcast %sub3A_1153 : i32 to vector<16xi32>
      %sub3A_1155 = arith.subi %sub3A_1154, %xor3A_1152 : vector<16xi32>
      %and3A_1156 = arith.andi %and3A_1151, %sub3A_1155 : vector<16xi32>
      %xor3A_1157 = arith.xori %get3A_102, %get3A_37 : vector<16xi32>
      %sub3A_1158 = arith.constant 0 : i32
      %sub3A_1159 = vector.broadcast %sub3A_1158 : i32 to vector<16xi32>
      %sub3A_1160 = arith.subi %sub3A_1159, %xor3A_1157 : vector<16xi32>
      %and3A_1161 = arith.andi %and3A_1156, %sub3A_1160 : vector<16xi32>
      %xor3A_1162 = arith.xori %get3A_102, %get3A_42 : vector<16xi32>
      %sub3A_1163 = arith.constant 0 : i32
      %sub3A_1164 = vector.broadcast %sub3A_1163 : i32 to vector<16xi32>
      %sub3A_1165 = arith.subi %sub3A_1164, %xor3A_1162 : vector<16xi32>
      %and3A_1166 = arith.andi %and3A_1161, %sub3A_1165 : vector<16xi32>
      %xor3A_1167 = arith.xori %get3A_102, %get3A_47 : vector<16xi32>
      %sub3A_1168 = arith.constant 0 : i32
      %sub3A_1169 = vector.broadcast %sub3A_1168 : i32 to vector<16xi32>
      %sub3A_1170 = arith.subi %sub3A_1169, %xor3A_1167 : vector<16xi32>
      %and3A_1171 = arith.andi %and3A_1166, %sub3A_1170 : vector<16xi32>
      %xor3A_1172 = arith.xori %get3A_102, %get3A_52 : vector<16xi32>
      %sub3A_1173 = arith.constant 0 : i32
      %sub3A_1174 = vector.broadcast %sub3A_1173 : i32 to vector<16xi32>
      %sub3A_1175 = arith.subi %sub3A_1174, %xor3A_1172 : vector<16xi32>
      %and3A_1176 = arith.andi %and3A_1171, %sub3A_1175 : vector<16xi32>
      %xor3A_1177 = arith.xori %get3A_102, %get3A_57 : vector<16xi32>
      %sub3A_1178 = arith.constant 0 : i32
      %sub3A_1179 = vector.broadcast %sub3A_1178 : i32 to vector<16xi32>
      %sub3A_1180 = arith.subi %sub3A_1179, %xor3A_1177 : vector<16xi32>
      %and3A_1181 = arith.andi %and3A_1176, %sub3A_1180 : vector<16xi32>
      %xor3A_1182 = arith.xori %get3A_102, %get3A_62 : vector<16xi32>
      %sub3A_1183 = arith.constant 0 : i32
      %sub3A_1184 = vector.broadcast %sub3A_1183 : i32 to vector<16xi32>
      %sub3A_1185 = arith.subi %sub3A_1184, %xor3A_1182 : vector<16xi32>
      %and3A_1186 = arith.andi %and3A_1181, %sub3A_1185 : vector<16xi32>
      %xor3A_1187 = arith.xori %get3A_102, %get3A_67 : vector<16xi32>
      %sub3A_1188 = arith.constant 0 : i32
      %sub3A_1189 = vector.broadcast %sub3A_1188 : i32 to vector<16xi32>
      %sub3A_1190 = arith.subi %sub3A_1189, %xor3A_1187 : vector<16xi32>
      %and3A_1191 = arith.andi %and3A_1186, %sub3A_1190 : vector<16xi32>
      %xor3A_1192 = arith.xori %get3A_102, %get3A_72 : vector<16xi32>
      %sub3A_1193 = arith.constant 0 : i32
      %sub3A_1194 = vector.broadcast %sub3A_1193 : i32 to vector<16xi32>
      %sub3A_1195 = arith.subi %sub3A_1194, %xor3A_1192 : vector<16xi32>
      %and3A_1196 = arith.andi %and3A_1191, %sub3A_1195 : vector<16xi32>
      %xor3A_1197 = arith.xori %get3A_102, %get3A_77 : vector<16xi32>
      %sub3A_1198 = arith.constant 0 : i32
      %sub3A_1199 = vector.broadcast %sub3A_1198 : i32 to vector<16xi32>
      %sub3A_1200 = arith.subi %sub3A_1199, %xor3A_1197 : vector<16xi32>
      %and3A_1201 = arith.andi %and3A_1196, %sub3A_1200 : vector<16xi32>
      %xor3A_1202 = arith.xori %get3A_102, %get3A_82 : vector<16xi32>
      %sub3A_1203 = arith.constant 0 : i32
      %sub3A_1204 = vector.broadcast %sub3A_1203 : i32 to vector<16xi32>
      %sub3A_1205 = arith.subi %sub3A_1204, %xor3A_1202 : vector<16xi32>
      %and3A_1206 = arith.andi %and3A_1201, %sub3A_1205 : vector<16xi32>
      %xor3A_1207 = arith.xori %get3A_102, %get3A_87 : vector<16xi32>
      %sub3A_1208 = arith.constant 0 : i32
      %sub3A_1209 = vector.broadcast %sub3A_1208 : i32 to vector<16xi32>
      %sub3A_1210 = arith.subi %sub3A_1209, %xor3A_1207 : vector<16xi32>
      %and3A_1211 = arith.andi %and3A_1206, %sub3A_1210 : vector<16xi32>
      %xor3A_1212 = arith.xori %get3A_102, %get3A_92 : vector<16xi32>
      %sub3A_1213 = arith.constant 0 : i32
      %sub3A_1214 = vector.broadcast %sub3A_1213 : i32 to vector<16xi32>
      %sub3A_1215 = arith.subi %sub3A_1214, %xor3A_1212 : vector<16xi32>
      %and3A_1216 = arith.andi %and3A_1211, %sub3A_1215 : vector<16xi32>
      %xor3A_1217 = arith.xori %get3A_102, %get3A_97 : vector<16xi32>
      %sub3A_1218 = arith.constant 0 : i32
      %sub3A_1219 = vector.broadcast %sub3A_1218 : i32 to vector<16xi32>
      %sub3A_1220 = arith.subi %sub3A_1219, %xor3A_1217 : vector<16xi32>
      %and3A_1221 = arith.andi %and3A_1216, %sub3A_1220 : vector<16xi32>
      %lt3A_1222 = arith.constant 0 : i32
      %lt3A_1223 = vector.broadcast %lt3A_1222 : i32 to vector<16xi32>
      %lt3A_1224 = arith.cmpi slt, %and3A_1221, %lt3A_1223 : vector<16xi32>
      %jit3A_1225 = arith.constant 1.000000e+00 : f32
      %jit3A_1226 = arith.constant 0.000000e+00 : f32
      %broadcast_in_dim3A_1227 = vector.broadcast %jit3A_1225 : f32 to vector<16xf32>
      %broadcast_in_dim3A_1228 = vector.broadcast %jit3A_1226 : f32 to vector<16xf32>
      %select_n3A_1229 = arith.select %lt3A_1224, %broadcast_in_dim3A_1227, %broadcast_in_dim3A_1228 : vector<16xi1>, vector<16xf32>
      %swap3A_1230 = arith.constant 17 : i32
      %swap3A_1231 = arith.index_cast %swap3A_1230 : i32 to index
      %swap3A_1232 = arith.index_cast %mul3A_13 : i32 to index
      %swap3A_1233 = tpu.vector_load %arg5[%swap3A_1231, %swap3A_1232] {strides = array<i32>} : memref<32x256xf32, #tpu.memory_space<vmem>>, vector<1x16xf32>,
      %swap3A_1234 = vector.shape_cast %swap3A_1233 : vector<1x16xf32> to vector<16xf32>
      %swap3A_1235 = vector.shape_cast %select_n3A_1229 : vector<16xf32> to vector<1x16xf32>
      tpu.vector_store %arg5[%swap3A_1231, %swap3A_1232], %swap3A_1235 {strides = array<i32>} : memref<32x256xf32, #tpu.memory_space<vmem>>, vector<1x16xf32>,
      %sub3A_1236 = arith.constant 0 : i32
      %sub3A_1237 = vector.broadcast %sub3A_1236 : i32 to vector<16xi32>
      %sub3A_1238 = arith.subi %sub3A_1237, %get3A_107 : vector<16xi32>
      %xor3A_1239 = arith.xori %get3A_107, %get3A_17 : vector<16xi32>
      %sub3A_1240 = arith.constant 0 : i32
      %sub3A_1241 = vector.broadcast %sub3A_1240 : i32 to vector<16xi32>
      %sub3A_1242 = arith.subi %sub3A_1241, %xor3A_1239 : vector<16xi32>
      %and3A_1243 = arith.andi %sub3A_1238, %sub3A_1242 : vector<16xi32>
      %xor3A_1244 = arith.xori %get3A_107, %get3A_22 : vector<16xi32>
      %sub3A_1245 = arith.constant 0 : i32
      %sub3A_1246 = vector.broadcast %sub3A_1245 : i32 to vector<16xi32>
      %sub3A_1247 = arith.subi %sub3A_1246, %xor3A_1244 : vector<16xi32>
      %and3A_1248 = arith.andi %and3A_1243, %sub3A_1247 : vector<16xi32>
      %xor3A_1249 = arith.xori %get3A_107, %get3A_27 : vector<16xi32>
      %sub3A_1250 = arith.constant 0 : i32
      %sub3A_1251 = vector.broadcast %sub3A_1250 : i32 to vector<16xi32>
      %sub3A_1252 = arith.subi %sub3A_1251, %xor3A_1249 : vector<16xi32>
      %and3A_1253 = arith.andi %and3A_1248, %sub3A_1252 : vector<16xi32>
      %xor3A_1254 = arith.xori %get3A_107, %get3A_32 : vector<16xi32>
      %sub3A_1255 = arith.constant 0 : i32
      %sub3A_1256 = vector.broadcast %sub3A_1255 : i32 to vector<16xi32>
      %sub3A_1257 = arith.subi %sub3A_1256, %xor3A_1254 : vector<16xi32>
      %and3A_1258 = arith.andi %and3A_1253, %sub3A_1257 : vector<16xi32>
      %xor3A_1259 = arith.xori %get3A_107, %get3A_37 : vector<16xi32>
      %sub3A_1260 = arith.constant 0 : i32
      %sub3A_1261 = vector.broadcast %sub3A_1260 : i32 to vector<16xi32>
      %sub3A_1262 = arith.subi %sub3A_1261, %xor3A_1259 : vector<16xi32>
      %and3A_1263 = arith.andi %and3A_1258, %sub3A_1262 : vector<16xi32>
      %xor3A_1264 = arith.xori %get3A_107, %get3A_42 : vector<16xi32>
      %sub3A_1265 = arith.constant 0 : i32
      %sub3A_1266 = vector.broadcast %sub3A_1265 : i32 to vector<16xi32>
      %sub3A_1267 = arith.subi %sub3A_1266, %xor3A_1264 : vector<16xi32>
      %and3A_1268 = arith.andi %and3A_1263, %sub3A_1267 : vector<16xi32>
      %xor3A_1269 = arith.xori %get3A_107, %get3A_47 : vector<16xi32>
      %sub3A_1270 = arith.constant 0 : i32
      %sub3A_1271 = vector.broadcast %sub3A_1270 : i32 to vector<16xi32>
      %sub3A_1272 = arith.subi %sub3A_1271, %xor3A_1269 : vector<16xi32>
      %and3A_1273 = arith.andi %and3A_1268, %sub3A_1272 : vector<16xi32>
      %xor3A_1274 = arith.xori %get3A_107, %get3A_52 : vector<16xi32>
      %sub3A_1275 = arith.constant 0 : i32
      %sub3A_1276 = vector.broadcast %sub3A_1275 : i32 to vector<16xi32>
      %sub3A_1277 = arith.subi %sub3A_1276, %xor3A_1274 : vector<16xi32>
      %and3A_1278 = arith.andi %and3A_1273, %sub3A_1277 : vector<16xi32>
      %xor3A_1279 = arith.xori %get3A_107, %get3A_57 : vector<16xi32>
      %sub3A_1280 = arith.constant 0 : i32
      %sub3A_1281 = vector.broadcast %sub3A_1280 : i32 to vector<16xi32>
      %sub3A_1282 = arith.subi %sub3A_1281, %xor3A_1279 : vector<16xi32>
      %and3A_1283 = arith.andi %and3A_1278, %sub3A_1282 : vector<16xi32>
      %xor3A_1284 = arith.xori %get3A_107, %get3A_62 : vector<16xi32>
      %sub3A_1285 = arith.constant 0 : i32
      %sub3A_1286 = vector.broadcast %sub3A_1285 : i32 to vector<16xi32>
      %sub3A_1287 = arith.subi %sub3A_1286, %xor3A_1284 : vector<16xi32>
      %and3A_1288 = arith.andi %and3A_1283, %sub3A_1287 : vector<16xi32>
      %xor3A_1289 = arith.xori %get3A_107, %get3A_67 : vector<16xi32>
      %sub3A_1290 = arith.constant 0 : i32
      %sub3A_1291 = vector.broadcast %sub3A_1290 : i32 to vector<16xi32>
      %sub3A_1292 = arith.subi %sub3A_1291, %xor3A_1289 : vector<16xi32>
      %and3A_1293 = arith.andi %and3A_1288, %sub3A_1292 : vector<16xi32>
      %xor3A_1294 = arith.xori %get3A_107, %get3A_72 : vector<16xi32>
      %sub3A_1295 = arith.constant 0 : i32
      %sub3A_1296 = vector.broadcast %sub3A_1295 : i32 to vector<16xi32>
      %sub3A_1297 = arith.subi %sub3A_1296, %xor3A_1294 : vector<16xi32>
      %and3A_1298 = arith.andi %and3A_1293, %sub3A_1297 : vector<16xi32>
      %xor3A_1299 = arith.xori %get3A_107, %get3A_77 : vector<16xi32>
      %sub3A_1300 = arith.constant 0 : i32
      %sub3A_1301 = vector.broadcast %sub3A_1300 : i32 to vector<16xi32>
      %sub3A_1302 = arith.subi %sub3A_1301, %xor3A_1299 : vector<16xi32>
      %and3A_1303 = arith.andi %and3A_1298, %sub3A_1302 : vector<16xi32>
      %xor3A_1304 = arith.xori %get3A_107, %get3A_82 : vector<16xi32>
      %sub3A_1305 = arith.constant 0 : i32
      %sub3A_1306 = vector.broadcast %sub3A_1305 : i32 to vector<16xi32>
      %sub3A_1307 = arith.subi %sub3A_1306, %xor3A_1304 : vector<16xi32>
      %and3A_1308 = arith.andi %and3A_1303, %sub3A_1307 : vector<16xi32>
      %xor3A_1309 = arith.xori %get3A_107, %get3A_87 : vector<16xi32>
      %sub3A_1310 = arith.constant 0 : i32
      %sub3A_1311 = vector.broadcast %sub3A_1310 : i32 to vector<16xi32>
      %sub3A_1312 = arith.subi %sub3A_1311, %xor3A_1309 : vector<16xi32>
      %and3A_1313 = arith.andi %and3A_1308, %sub3A_1312 : vector<16xi32>
      %xor3A_1314 = arith.xori %get3A_107, %get3A_92 : vector<16xi32>
      %sub3A_1315 = arith.constant 0 : i32
      %sub3A_1316 = vector.broadcast %sub3A_1315 : i32 to vector<16xi32>
      %sub3A_1317 = arith.subi %sub3A_1316, %xor3A_1314 : vector<16xi32>
      %and3A_1318 = arith.andi %and3A_1313, %sub3A_1317 : vector<16xi32>
      %xor3A_1319 = arith.xori %get3A_107, %get3A_97 : vector<16xi32>
      %sub3A_1320 = arith.constant 0 : i32
      %sub3A_1321 = vector.broadcast %sub3A_1320 : i32 to vector<16xi32>
      %sub3A_1322 = arith.subi %sub3A_1321, %xor3A_1319 : vector<16xi32>
      %and3A_1323 = arith.andi %and3A_1318, %sub3A_1322 : vector<16xi32>
      %xor3A_1324 = arith.xori %get3A_107, %get3A_102 : vector<16xi32>
      %sub3A_1325 = arith.constant 0 : i32
      %sub3A_1326 = vector.broadcast %sub3A_1325 : i32 to vector<16xi32>
      %sub3A_1327 = arith.subi %sub3A_1326, %xor3A_1324 : vector<16xi32>
      %and3A_1328 = arith.andi %and3A_1323, %sub3A_1327 : vector<16xi32>
      %lt3A_1329 = arith.constant 0 : i32
      %lt3A_1330 = vector.broadcast %lt3A_1329 : i32 to vector<16xi32>
      %lt3A_1331 = arith.cmpi slt, %and3A_1328, %lt3A_1330 : vector<16xi32>
      %jit3A_1332 = arith.constant 1.000000e+00 : f32
      %jit3A_1333 = arith.constant 0.000000e+00 : f32
      %broadcast_in_dim3A_1334 = vector.broadcast %jit3A_1332 : f32 to vector<16xf32>
      %broadcast_in_dim3A_1335 = vector.broadcast %jit3A_1333 : f32 to vector<16xf32>
      %select_n3A_1336 = arith.select %lt3A_1331, %broadcast_in_dim3A_1334, %broadcast_in_dim3A_1335 : vector<16xi1>, vector<16xf32>
      %swap3A_1337 = arith.constant 18 : i32
      %swap3A_1338 = arith.index_cast %swap3A_1337 : i32 to index
      %swap3A_1339 = arith.index_cast %mul3A_13 : i32 to index
      %swap3A_1340 = tpu.vector_load %arg5[%swap3A_1338, %swap3A_1339] {strides = array<i32>} : memref<32x256xf32, #tpu.memory_space<vmem>>, vector<1x16xf32>,
      %swap3A_1341 = vector.shape_cast %swap3A_1340 : vector<1x16xf32> to vector<16xf32>
      %swap3A_1342 = vector.shape_cast %select_n3A_1336 : vector<16xf32> to vector<1x16xf32>
      tpu.vector_store %arg5[%swap3A_1338, %swap3A_1339], %swap3A_1342 {strides = array<i32>} : memref<32x256xf32, #tpu.memory_space<vmem>>, vector<1x16xf32>,
      %sub3A_1343 = arith.constant 0 : i32
      %sub3A_1344 = vector.broadcast %sub3A_1343 : i32 to vector<16xi32>
      %sub3A_1345 = arith.subi %sub3A_1344, %get3A_112 : vector<16xi32>
      %xor3A_1346 = arith.xori %get3A_112, %get3A_17 : vector<16xi32>
      %sub3A_1347 = arith.constant 0 : i32
      %sub3A_1348 = vector.broadcast %sub3A_1347 : i32 to vector<16xi32>
      %sub3A_1349 = arith.subi %sub3A_1348, %xor3A_1346 : vector<16xi32>
      %and3A_1350 = arith.andi %sub3A_1345, %sub3A_1349 : vector<16xi32>
      %xor3A_1351 = arith.xori %get3A_112, %get3A_22 : vector<16xi32>
      %sub3A_1352 = arith.constant 0 : i32
      %sub3A_1353 = vector.broadcast %sub3A_1352 : i32 to vector<16xi32>
      %sub3A_1354 = arith.subi %sub3A_1353, %xor3A_1351 : vector<16xi32>
      %and3A_1355 = arith.andi %and3A_1350, %sub3A_1354 : vector<16xi32>
      %xor3A_1356 = arith.xori %get3A_112, %get3A_27 : vector<16xi32>
      %sub3A_1357 = arith.constant 0 : i32
      %sub3A_1358 = vector.broadcast %sub3A_1357 : i32 to vector<16xi32>
      %sub3A_1359 = arith.subi %sub3A_1358, %xor3A_1356 : vector<16xi32>
      %and3A_1360 = arith.andi %and3A_1355, %sub3A_1359 : vector<16xi32>
      %xor3A_1361 = arith.xori %get3A_112, %get3A_32 : vector<16xi32>
      %sub3A_1362 = arith.constant 0 : i32
      %sub3A_1363 = vector.broadcast %sub3A_1362 : i32 to vector<16xi32>
      %sub3A_1364 = arith.subi %sub3A_1363, %xor3A_1361 : vector<16xi32>
      %and3A_1365 = arith.andi %and3A_1360, %sub3A_1364 : vector<16xi32>
      %xor3A_1366 = arith.xori %get3A_112, %get3A_37 : vector<16xi32>
      %sub3A_1367 = arith.constant 0 : i32
      %sub3A_1368 = vector.broadcast %sub3A_1367 : i32 to vector<16xi32>
      %sub3A_1369 = arith.subi %sub3A_1368, %xor3A_1366 : vector<16xi32>
      %and3A_1370 = arith.andi %and3A_1365, %sub3A_1369 : vector<16xi32>
      %xor3A_1371 = arith.xori %get3A_112, %get3A_42 : vector<16xi32>
      %sub3A_1372 = arith.constant 0 : i32
      %sub3A_1373 = vector.broadcast %sub3A_1372 : i32 to vector<16xi32>
      %sub3A_1374 = arith.subi %sub3A_1373, %xor3A_1371 : vector<16xi32>
      %and3A_1375 = arith.andi %and3A_1370, %sub3A_1374 : vector<16xi32>
      %xor3A_1376 = arith.xori %get3A_112, %get3A_47 : vector<16xi32>
      %sub3A_1377 = arith.constant 0 : i32
      %sub3A_1378 = vector.broadcast %sub3A_1377 : i32 to vector<16xi32>
      %sub3A_1379 = arith.subi %sub3A_1378, %xor3A_1376 : vector<16xi32>
      %and3A_1380 = arith.andi %and3A_1375, %sub3A_1379 : vector<16xi32>
      %xor3A_1381 = arith.xori %get3A_112, %get3A_52 : vector<16xi32>
      %sub3A_1382 = arith.constant 0 : i32
      %sub3A_1383 = vector.broadcast %sub3A_1382 : i32 to vector<16xi32>
      %sub3A_1384 = arith.subi %sub3A_1383, %xor3A_1381 : vector<16xi32>
      %and3A_1385 = arith.andi %and3A_1380, %sub3A_1384 : vector<16xi32>
      %xor3A_1386 = arith.xori %get3A_112, %get3A_57 : vector<16xi32>
      %sub3A_1387 = arith.constant 0 : i32
      %sub3A_1388 = vector.broadcast %sub3A_1387 : i32 to vector<16xi32>
      %sub3A_1389 = arith.subi %sub3A_1388, %xor3A_1386 : vector<16xi32>
      %and3A_1390 = arith.andi %and3A_1385, %sub3A_1389 : vector<16xi32>
      %xor3A_1391 = arith.xori %get3A_112, %get3A_62 : vector<16xi32>
      %sub3A_1392 = arith.constant 0 : i32
      %sub3A_1393 = vector.broadcast %sub3A_1392 : i32 to vector<16xi32>
      %sub3A_1394 = arith.subi %sub3A_1393, %xor3A_1391 : vector<16xi32>
      %and3A_1395 = arith.andi %and3A_1390, %sub3A_1394 : vector<16xi32>
      %xor3A_1396 = arith.xori %get3A_112, %get3A_67 : vector<16xi32>
      %sub3A_1397 = arith.constant 0 : i32
      %sub3A_1398 = vector.broadcast %sub3A_1397 : i32 to vector<16xi32>
      %sub3A_1399 = arith.subi %sub3A_1398, %xor3A_1396 : vector<16xi32>
      %and3A_1400 = arith.andi %and3A_1395, %sub3A_1399 : vector<16xi32>
      %xor3A_1401 = arith.xori %get3A_112, %get3A_72 : vector<16xi32>
      %sub3A_1402 = arith.constant 0 : i32
      %sub3A_1403 = vector.broadcast %sub3A_1402 : i32 to vector<16xi32>
      %sub3A_1404 = arith.subi %sub3A_1403, %xor3A_1401 : vector<16xi32>
      %and3A_1405 = arith.andi %and3A_1400, %sub3A_1404 : vector<16xi32>
      %xor3A_1406 = arith.xori %get3A_112, %get3A_77 : vector<16xi32>
      %sub3A_1407 = arith.constant 0 : i32
      %sub3A_1408 = vector.broadcast %sub3A_1407 : i32 to vector<16xi32>
      %sub3A_1409 = arith.subi %sub3A_1408, %xor3A_1406 : vector<16xi32>
      %and3A_1410 = arith.andi %and3A_1405, %sub3A_1409 : vector<16xi32>
      %xor3A_1411 = arith.xori %get3A_112, %get3A_82 : vector<16xi32>
      %sub3A_1412 = arith.constant 0 : i32
      %sub3A_1413 = vector.broadcast %sub3A_1412 : i32 to vector<16xi32>
      %sub3A_1414 = arith.subi %sub3A_1413, %xor3A_1411 : vector<16xi32>
      %and3A_1415 = arith.andi %and3A_1410, %sub3A_1414 : vector<16xi32>
      %xor3A_1416 = arith.xori %get3A_112, %get3A_87 : vector<16xi32>
      %sub3A_1417 = arith.constant 0 : i32
      %sub3A_1418 = vector.broadcast %sub3A_1417 : i32 to vector<16xi32>
      %sub3A_1419 = arith.subi %sub3A_1418, %xor3A_1416 : vector<16xi32>
      %and3A_1420 = arith.andi %and3A_1415, %sub3A_1419 : vector<16xi32>
      %xor3A_1421 = arith.xori %get3A_112, %get3A_92 : vector<16xi32>
      %sub3A_1422 = arith.constant 0 : i32
      %sub3A_1423 = vector.broadcast %sub3A_1422 : i32 to vector<16xi32>
      %sub3A_1424 = arith.subi %sub3A_1423, %xor3A_1421 : vector<16xi32>
      %and3A_1425 = arith.andi %and3A_1420, %sub3A_1424 : vector<16xi32>
      %xor3A_1426 = arith.xori %get3A_112, %get3A_97 : vector<16xi32>
      %sub3A_1427 = arith.constant 0 : i32
      %sub3A_1428 = vector.broadcast %sub3A_1427 : i32 to vector<16xi32>
      %sub3A_1429 = arith.subi %sub3A_1428, %xor3A_1426 : vector<16xi32>
      %and3A_1430 = arith.andi %and3A_1425, %sub3A_1429 : vector<16xi32>
      %xor3A_1431 = arith.xori %get3A_112, %get3A_102 : vector<16xi32>
      %sub3A_1432 = arith.constant 0 : i32
      %sub3A_1433 = vector.broadcast %sub3A_1432 : i32 to vector<16xi32>
      %sub3A_1434 = arith.subi %sub3A_1433, %xor3A_1431 : vector<16xi32>
      %and3A_1435 = arith.andi %and3A_1430, %sub3A_1434 : vector<16xi32>
      %xor3A_1436 = arith.xori %get3A_112, %get3A_107 : vector<16xi32>
      %sub3A_1437 = arith.constant 0 : i32
      %sub3A_1438 = vector.broadcast %sub3A_1437 : i32 to vector<16xi32>
      %sub3A_1439 = arith.subi %sub3A_1438, %xor3A_1436 : vector<16xi32>
      %and3A_1440 = arith.andi %and3A_1435, %sub3A_1439 : vector<16xi32>
      %lt3A_1441 = arith.constant 0 : i32
      %lt3A_1442 = vector.broadcast %lt3A_1441 : i32 to vector<16xi32>
      %lt3A_1443 = arith.cmpi slt, %and3A_1440, %lt3A_1442 : vector<16xi32>
      %jit3A_1444 = arith.constant 1.000000e+00 : f32
      %jit3A_1445 = arith.constant 0.000000e+00 : f32
      %broadcast_in_dim3A_1446 = vector.broadcast %jit3A_1444 : f32 to vector<16xf32>
      %broadcast_in_dim3A_1447 = vector.broadcast %jit3A_1445 : f32 to vector<16xf32>
      %select_n3A_1448 = arith.select %lt3A_1443, %broadcast_in_dim3A_1446, %broadcast_in_dim3A_1447 : vector<16xi1>, vector<16xf32>
      %swap3A_1449 = arith.constant 19 : i32
      %swap3A_1450 = arith.index_cast %swap3A_1449 : i32 to index
      %swap3A_1451 = arith.index_cast %mul3A_13 : i32 to index
      %swap3A_1452 = tpu.vector_load %arg5[%swap3A_1450, %swap3A_1451] {strides = array<i32>} : memref<32x256xf32, #tpu.memory_space<vmem>>, vector<1x16xf32>,
      %swap3A_1453 = vector.shape_cast %swap3A_1452 : vector<1x16xf32> to vector<16xf32>
      %swap3A_1454 = vector.shape_cast %select_n3A_1448 : vector<16xf32> to vector<1x16xf32>
      tpu.vector_store %arg5[%swap3A_1450, %swap3A_1451], %swap3A_1454 {strides = array<i32>} : memref<32x256xf32, #tpu.memory_space<vmem>>, vector<1x16xf32>,
      %sub3A_1455 = arith.constant 0 : i32
      %sub3A_1456 = vector.broadcast %sub3A_1455 : i32 to vector<16xi32>
      %sub3A_1457 = arith.subi %sub3A_1456, %get3A_117 : vector<16xi32>
      %xor3A_1458 = arith.xori %get3A_117, %get3A_17 : vector<16xi32>
      %sub3A_1459 = arith.constant 0 : i32
      %sub3A_1460 = vector.broadcast %sub3A_1459 : i32 to vector<16xi32>
      %sub3A_1461 = arith.subi %sub3A_1460, %xor3A_1458 : vector<16xi32>
      %and3A_1462 = arith.andi %sub3A_1457, %sub3A_1461 : vector<16xi32>
      %xor3A_1463 = arith.xori %get3A_117, %get3A_22 : vector<16xi32>
      %sub3A_1464 = arith.constant 0 : i32
      %sub3A_1465 = vector.broadcast %sub3A_1464 : i32 to vector<16xi32>
      %sub3A_1466 = arith.subi %sub3A_1465, %xor3A_1463 : vector<16xi32>
      %and3A_1467 = arith.andi %and3A_1462, %sub3A_1466 : vector<16xi32>
      %xor3A_1468 = arith.xori %get3A_117, %get3A_27 : vector<16xi32>
      %sub3A_1469 = arith.constant 0 : i32
      %sub3A_1470 = vector.broadcast %sub3A_1469 : i32 to vector<16xi32>
      %sub3A_1471 = arith.subi %sub3A_1470, %xor3A_1468 : vector<16xi32>
      %and3A_1472 = arith.andi %and3A_1467, %sub3A_1471 : vector<16xi32>
      %xor3A_1473 = arith.xori %get3A_117, %get3A_32 : vector<16xi32>
      %sub3A_1474 = arith.constant 0 : i32
      %sub3A_1475 = vector.broadcast %sub3A_1474 : i32 to vector<16xi32>
      %sub3A_1476 = arith.subi %sub3A_1475, %xor3A_1473 : vector<16xi32>
      %and3A_1477 = arith.andi %and3A_1472, %sub3A_1476 : vector<16xi32>
      %xor3A_1478 = arith.xori %get3A_117, %get3A_37 : vector<16xi32>
      %sub3A_1479 = arith.constant 0 : i32
      %sub3A_1480 = vector.broadcast %sub3A_1479 : i32 to vector<16xi32>
      %sub3A_1481 = arith.subi %sub3A_1480, %xor3A_1478 : vector<16xi32>
      %and3A_1482 = arith.andi %and3A_1477, %sub3A_1481 : vector<16xi32>
      %xor3A_1483 = arith.xori %get3A_117, %get3A_42 : vector<16xi32>
      %sub3A_1484 = arith.constant 0 : i32
      %sub3A_1485 = vector.broadcast %sub3A_1484 : i32 to vector<16xi32>
      %sub3A_1486 = arith.subi %sub3A_1485, %xor3A_1483 : vector<16xi32>
      %and3A_1487 = arith.andi %and3A_1482, %sub3A_1486 : vector<16xi32>
      %xor3A_1488 = arith.xori %get3A_117, %get3A_47 : vector<16xi32>
      %sub3A_1489 = arith.constant 0 : i32
      %sub3A_1490 = vector.broadcast %sub3A_1489 : i32 to vector<16xi32>
      %sub3A_1491 = arith.subi %sub3A_1490, %xor3A_1488 : vector<16xi32>
      %and3A_1492 = arith.andi %and3A_1487, %sub3A_1491 : vector<16xi32>
      %xor3A_1493 = arith.xori %get3A_117, %get3A_52 : vector<16xi32>
      %sub3A_1494 = arith.constant 0 : i32
      %sub3A_1495 = vector.broadcast %sub3A_1494 : i32 to vector<16xi32>
      %sub3A_1496 = arith.subi %sub3A_1495, %xor3A_1493 : vector<16xi32>
      %and3A_1497 = arith.andi %and3A_1492, %sub3A_1496 : vector<16xi32>
      %xor3A_1498 = arith.xori %get3A_117, %get3A_57 : vector<16xi32>
      %sub3A_1499 = arith.constant 0 : i32
      %sub3A_1500 = vector.broadcast %sub3A_1499 : i32 to vector<16xi32>
      %sub3A_1501 = arith.subi %sub3A_1500, %xor3A_1498 : vector<16xi32>
      %and3A_1502 = arith.andi %and3A_1497, %sub3A_1501 : vector<16xi32>
      %xor3A_1503 = arith.xori %get3A_117, %get3A_62 : vector<16xi32>
      %sub3A_1504 = arith.constant 0 : i32
      %sub3A_1505 = vector.broadcast %sub3A_1504 : i32 to vector<16xi32>
      %sub3A_1506 = arith.subi %sub3A_1505, %xor3A_1503 : vector<16xi32>
      %and3A_1507 = arith.andi %and3A_1502, %sub3A_1506 : vector<16xi32>
      %xor3A_1508 = arith.xori %get3A_117, %get3A_67 : vector<16xi32>
      %sub3A_1509 = arith.constant 0 : i32
      %sub3A_1510 = vector.broadcast %sub3A_1509 : i32 to vector<16xi32>
      %sub3A_1511 = arith.subi %sub3A_1510, %xor3A_1508 : vector<16xi32>
      %and3A_1512 = arith.andi %and3A_1507, %sub3A_1511 : vector<16xi32>
      %xor3A_1513 = arith.xori %get3A_117, %get3A_72 : vector<16xi32>
      %sub3A_1514 = arith.constant 0 : i32
      %sub3A_1515 = vector.broadcast %sub3A_1514 : i32 to vector<16xi32>
      %sub3A_1516 = arith.subi %sub3A_1515, %xor3A_1513 : vector<16xi32>
      %and3A_1517 = arith.andi %and3A_1512, %sub3A_1516 : vector<16xi32>
      %xor3A_1518 = arith.xori %get3A_117, %get3A_77 : vector<16xi32>
      %sub3A_1519 = arith.constant 0 : i32
      %sub3A_1520 = vector.broadcast %sub3A_1519 : i32 to vector<16xi32>
      %sub3A_1521 = arith.subi %sub3A_1520, %xor3A_1518 : vector<16xi32>
      %and3A_1522 = arith.andi %and3A_1517, %sub3A_1521 : vector<16xi32>
      %xor3A_1523 = arith.xori %get3A_117, %get3A_82 : vector<16xi32>
      %sub3A_1524 = arith.constant 0 : i32
      %sub3A_1525 = vector.broadcast %sub3A_1524 : i32 to vector<16xi32>
      %sub3A_1526 = arith.subi %sub3A_1525, %xor3A_1523 : vector<16xi32>
      %and3A_1527 = arith.andi %and3A_1522, %sub3A_1526 : vector<16xi32>
      %xor3A_1528 = arith.xori %get3A_117, %get3A_87 : vector<16xi32>
      %sub3A_1529 = arith.constant 0 : i32
      %sub3A_1530 = vector.broadcast %sub3A_1529 : i32 to vector<16xi32>
      %sub3A_1531 = arith.subi %sub3A_1530, %xor3A_1528 : vector<16xi32>
      %and3A_1532 = arith.andi %and3A_1527, %sub3A_1531 : vector<16xi32>
      %xor3A_1533 = arith.xori %get3A_117, %get3A_92 : vector<16xi32>
      %sub3A_1534 = arith.constant 0 : i32
      %sub3A_1535 = vector.broadcast %sub3A_1534 : i32 to vector<16xi32>
      %sub3A_1536 = arith.subi %sub3A_1535, %xor3A_1533 : vector<16xi32>
      %and3A_1537 = arith.andi %and3A_1532, %sub3A_1536 : vector<16xi32>
      %xor3A_1538 = arith.xori %get3A_117, %get3A_97 : vector<16xi32>
      %sub3A_1539 = arith.constant 0 : i32
      %sub3A_1540 = vector.broadcast %sub3A_1539 : i32 to vector<16xi32>
      %sub3A_1541 = arith.subi %sub3A_1540, %xor3A_1538 : vector<16xi32>
      %and3A_1542 = arith.andi %and3A_1537, %sub3A_1541 : vector<16xi32>
      %xor3A_1543 = arith.xori %get3A_117, %get3A_102 : vector<16xi32>
      %sub3A_1544 = arith.constant 0 : i32
      %sub3A_1545 = vector.broadcast %sub3A_1544 : i32 to vector<16xi32>
      %sub3A_1546 = arith.subi %sub3A_1545, %xor3A_1543 : vector<16xi32>
      %and3A_1547 = arith.andi %and3A_1542, %sub3A_1546 : vector<16xi32>
      %xor3A_1548 = arith.xori %get3A_117, %get3A_107 : vector<16xi32>
      %sub3A_1549 = arith.constant 0 : i32
      %sub3A_1550 = vector.broadcast %sub3A_1549 : i32 to vector<16xi32>
      %sub3A_1551 = arith.subi %sub3A_1550, %xor3A_1548 : vector<16xi32>
      %and3A_1552 = arith.andi %and3A_1547, %sub3A_1551 : vector<16xi32>
      %xor3A_1553 = arith.xori %get3A_117, %get3A_112 : vector<16xi32>
      %sub3A_1554 = arith.constant 0 : i32
      %sub3A_1555 = vector.broadcast %sub3A_1554 : i32 to vector<16xi32>
      %sub3A_1556 = arith.subi %sub3A_1555, %xor3A_1553 : vector<16xi32>
      %and3A_1557 = arith.andi %and3A_1552, %sub3A_1556 : vector<16xi32>
      %lt3A_1558 = arith.constant 0 : i32
      %lt3A_1559 = vector.broadcast %lt3A_1558 : i32 to vector<16xi32>
      %lt3A_1560 = arith.cmpi slt, %and3A_1557, %lt3A_1559 : vector<16xi32>
      %jit3A_1561 = arith.constant 1.000000e+00 : f32
      %jit3A_1562 = arith.constant 0.000000e+00 : f32
      %broadcast_in_dim3A_1563 = vector.broadcast %jit3A_1561 : f32 to vector<16xf32>
      %broadcast_in_dim3A_1564 = vector.broadcast %jit3A_1562 : f32 to vector<16xf32>
      %select_n3A_1565 = arith.select %lt3A_1560, %broadcast_in_dim3A_1563, %broadcast_in_dim3A_1564 : vector<16xi1>, vector<16xf32>
      %swap3A_1566 = arith.constant 20 : i32
      %swap3A_1567 = arith.index_cast %swap3A_1566 : i32 to index
      %swap3A_1568 = arith.index_cast %mul3A_13 : i32 to index
      %swap3A_1569 = tpu.vector_load %arg5[%swap3A_1567, %swap3A_1568] {strides = array<i32>} : memref<32x256xf32, #tpu.memory_space<vmem>>, vector<1x16xf32>,
      %swap3A_1570 = vector.shape_cast %swap3A_1569 : vector<1x16xf32> to vector<16xf32>
      %swap3A_1571 = vector.shape_cast %select_n3A_1565 : vector<16xf32> to vector<1x16xf32>
      tpu.vector_store %arg5[%swap3A_1567, %swap3A_1568], %swap3A_1571 {strides = array<i32>} : memref<32x256xf32, #tpu.memory_space<vmem>>, vector<1x16xf32>,
      %sub3A_1572 = arith.constant 0 : i32
      %sub3A_1573 = vector.broadcast %sub3A_1572 : i32 to vector<16xi32>
      %sub3A_1574 = arith.subi %sub3A_1573, %get3A_122 : vector<16xi32>
      %xor3A_1575 = arith.xori %get3A_122, %get3A_17 : vector<16xi32>
      %sub3A_1576 = arith.constant 0 : i32
      %sub3A_1577 = vector.broadcast %sub3A_1576 : i32 to vector<16xi32>
      %sub3A_1578 = arith.subi %sub3A_1577, %xor3A_1575 : vector<16xi32>
      %and3A_1579 = arith.andi %sub3A_1574, %sub3A_1578 : vector<16xi32>
      %xor3A_1580 = arith.xori %get3A_122, %get3A_22 : vector<16xi32>
      %sub3A_1581 = arith.constant 0 : i32
      %sub3A_1582 = vector.broadcast %sub3A_1581 : i32 to vector<16xi32>
      %sub3A_1583 = arith.subi %sub3A_1582, %xor3A_1580 : vector<16xi32>
      %and3A_1584 = arith.andi %and3A_1579, %sub3A_1583 : vector<16xi32>
      %xor3A_1585 = arith.xori %get3A_122, %get3A_27 : vector<16xi32>
      %sub3A_1586 = arith.constant 0 : i32
      %sub3A_1587 = vector.broadcast %sub3A_1586 : i32 to vector<16xi32>
      %sub3A_1588 = arith.subi %sub3A_1587, %xor3A_1585 : vector<16xi32>
      %and3A_1589 = arith.andi %and3A_1584, %sub3A_1588 : vector<16xi32>
      %xor3A_1590 = arith.xori %get3A_122, %get3A_32 : vector<16xi32>
      %sub3A_1591 = arith.constant 0 : i32
      %sub3A_1592 = vector.broadcast %sub3A_1591 : i32 to vector<16xi32>
      %sub3A_1593 = arith.subi %sub3A_1592, %xor3A_1590 : vector<16xi32>
      %and3A_1594 = arith.andi %and3A_1589, %sub3A_1593 : vector<16xi32>
      %xor3A_1595 = arith.xori %get3A_122, %get3A_37 : vector<16xi32>
      %sub3A_1596 = arith.constant 0 : i32
      %sub3A_1597 = vector.broadcast %sub3A_1596 : i32 to vector<16xi32>
      %sub3A_1598 = arith.subi %sub3A_1597, %xor3A_1595 : vector<16xi32>
      %and3A_1599 = arith.andi %and3A_1594, %sub3A_1598 : vector<16xi32>
      %xor3A_1600 = arith.xori %get3A_122, %get3A_42 : vector<16xi32>
      %sub3A_1601 = arith.constant 0 : i32
      %sub3A_1602 = vector.broadcast %sub3A_1601 : i32 to vector<16xi32>
      %sub3A_1603 = arith.subi %sub3A_1602, %xor3A_1600 : vector<16xi32>
      %and3A_1604 = arith.andi %and3A_1599, %sub3A_1603 : vector<16xi32>
      %xor3A_1605 = arith.xori %get3A_122, %get3A_47 : vector<16xi32>
      %sub3A_1606 = arith.constant 0 : i32
      %sub3A_1607 = vector.broadcast %sub3A_1606 : i32 to vector<16xi32>
      %sub3A_1608 = arith.subi %sub3A_1607, %xor3A_1605 : vector<16xi32>
      %and3A_1609 = arith.andi %and3A_1604, %sub3A_1608 : vector<16xi32>
      %xor3A_1610 = arith.xori %get3A_122, %get3A_52 : vector<16xi32>
      %sub3A_1611 = arith.constant 0 : i32
      %sub3A_1612 = vector.broadcast %sub3A_1611 : i32 to vector<16xi32>
      %sub3A_1613 = arith.subi %sub3A_1612, %xor3A_1610 : vector<16xi32>
      %and3A_1614 = arith.andi %and3A_1609, %sub3A_1613 : vector<16xi32>
      %xor3A_1615 = arith.xori %get3A_122, %get3A_57 : vector<16xi32>
      %sub3A_1616 = arith.constant 0 : i32
      %sub3A_1617 = vector.broadcast %sub3A_1616 : i32 to vector<16xi32>
      %sub3A_1618 = arith.subi %sub3A_1617, %xor3A_1615 : vector<16xi32>
      %and3A_1619 = arith.andi %and3A_1614, %sub3A_1618 : vector<16xi32>
      %xor3A_1620 = arith.xori %get3A_122, %get3A_62 : vector<16xi32>
      %sub3A_1621 = arith.constant 0 : i32
      %sub3A_1622 = vector.broadcast %sub3A_1621 : i32 to vector<16xi32>
      %sub3A_1623 = arith.subi %sub3A_1622, %xor3A_1620 : vector<16xi32>
      %and3A_1624 = arith.andi %and3A_1619, %sub3A_1623 : vector<16xi32>
      %xor3A_1625 = arith.xori %get3A_122, %get3A_67 : vector<16xi32>
      %sub3A_1626 = arith.constant 0 : i32
      %sub3A_1627 = vector.broadcast %sub3A_1626 : i32 to vector<16xi32>
      %sub3A_1628 = arith.subi %sub3A_1627, %xor3A_1625 : vector<16xi32>
      %and3A_1629 = arith.andi %and3A_1624, %sub3A_1628 : vector<16xi32>
      %xor3A_1630 = arith.xori %get3A_122, %get3A_72 : vector<16xi32>
      %sub3A_1631 = arith.constant 0 : i32
      %sub3A_1632 = vector.broadcast %sub3A_1631 : i32 to vector<16xi32>
      %sub3A_1633 = arith.subi %sub3A_1632, %xor3A_1630 : vector<16xi32>
      %and3A_1634 = arith.andi %and3A_1629, %sub3A_1633 : vector<16xi32>
      %xor3A_1635 = arith.xori %get3A_122, %get3A_77 : vector<16xi32>
      %sub3A_1636 = arith.constant 0 : i32
      %sub3A_1637 = vector.broadcast %sub3A_1636 : i32 to vector<16xi32>
      %sub3A_1638 = arith.subi %sub3A_1637, %xor3A_1635 : vector<16xi32>
      %and3A_1639 = arith.andi %and3A_1634, %sub3A_1638 : vector<16xi32>
      %xor3A_1640 = arith.xori %get3A_122, %get3A_82 : vector<16xi32>
      %sub3A_1641 = arith.constant 0 : i32
      %sub3A_1642 = vector.broadcast %sub3A_1641 : i32 to vector<16xi32>
      %sub3A_1643 = arith.subi %sub3A_1642, %xor3A_1640 : vector<16xi32>
      %and3A_1644 = arith.andi %and3A_1639, %sub3A_1643 : vector<16xi32>
      %xor3A_1645 = arith.xori %get3A_122, %get3A_87 : vector<16xi32>
      %sub3A_1646 = arith.constant 0 : i32
      %sub3A_1647 = vector.broadcast %sub3A_1646 : i32 to vector<16xi32>
      %sub3A_1648 = arith.subi %sub3A_1647, %xor3A_1645 : vector<16xi32>
      %and3A_1649 = arith.andi %and3A_1644, %sub3A_1648 : vector<16xi32>
      %xor3A_1650 = arith.xori %get3A_122, %get3A_92 : vector<16xi32>
      %sub3A_1651 = arith.constant 0 : i32
      %sub3A_1652 = vector.broadcast %sub3A_1651 : i32 to vector<16xi32>
      %sub3A_1653 = arith.subi %sub3A_1652, %xor3A_1650 : vector<16xi32>
      %and3A_1654 = arith.andi %and3A_1649, %sub3A_1653 : vector<16xi32>
      %xor3A_1655 = arith.xori %get3A_122, %get3A_97 : vector<16xi32>
      %sub3A_1656 = arith.constant 0 : i32
      %sub3A_1657 = vector.broadcast %sub3A_1656 : i32 to vector<16xi32>
      %sub3A_1658 = arith.subi %sub3A_1657, %xor3A_1655 : vector<16xi32>
      %and3A_1659 = arith.andi %and3A_1654, %sub3A_1658 : vector<16xi32>
      %xor3A_1660 = arith.xori %get3A_122, %get3A_102 : vector<16xi32>
      %sub3A_1661 = arith.constant 0 : i32
      %sub3A_1662 = vector.broadcast %sub3A_1661 : i32 to vector<16xi32>
      %sub3A_1663 = arith.subi %sub3A_1662, %xor3A_1660 : vector<16xi32>
      %and3A_1664 = arith.andi %and3A_1659, %sub3A_1663 : vector<16xi32>
      %xor3A_1665 = arith.xori %get3A_122, %get3A_107 : vector<16xi32>
      %sub3A_1666 = arith.constant 0 : i32
      %sub3A_1667 = vector.broadcast %sub3A_1666 : i32 to vector<16xi32>
      %sub3A_1668 = arith.subi %sub3A_1667, %xor3A_1665 : vector<16xi32>
      %and3A_1669 = arith.andi %and3A_1664, %sub3A_1668 : vector<16xi32>
      %xor3A_1670 = arith.xori %get3A_122, %get3A_112 : vector<16xi32>
      %sub3A_1671 = arith.constant 0 : i32
      %sub3A_1672 = vector.broadcast %sub3A_1671 : i32 to vector<16xi32>
      %sub3A_1673 = arith.subi %sub3A_1672, %xor3A_1670 : vector<16xi32>
      %and3A_1674 = arith.andi %and3A_1669, %sub3A_1673 : vector<16xi32>
      %xor3A_1675 = arith.xori %get3A_122, %get3A_117 : vector<16xi32>
      %sub3A_1676 = arith.constant 0 : i32
      %sub3A_1677 = vector.broadcast %sub3A_1676 : i32 to vector<16xi32>
      %sub3A_1678 = arith.subi %sub3A_1677, %xor3A_1675 : vector<16xi32>
      %and3A_1679 = arith.andi %and3A_1674, %sub3A_1678 : vector<16xi32>
      %lt3A_1680 = arith.constant 0 : i32
      %lt3A_1681 = vector.broadcast %lt3A_1680 : i32 to vector<16xi32>
      %lt3A_1682 = arith.cmpi slt, %and3A_1679, %lt3A_1681 : vector<16xi32>
      %jit3A_1683 = arith.constant 1.000000e+00 : f32
      %jit3A_1684 = arith.constant 0.000000e+00 : f32
      %broadcast_in_dim3A_1685 = vector.broadcast %jit3A_1683 : f32 to vector<16xf32>
      %broadcast_in_dim3A_1686 = vector.broadcast %jit3A_1684 : f32 to vector<16xf32>
      %select_n3A_1687 = arith.select %lt3A_1682, %broadcast_in_dim3A_1685, %broadcast_in_dim3A_1686 : vector<16xi1>, vector<16xf32>
      %swap3A_1688 = arith.constant 21 : i32
      %swap3A_1689 = arith.index_cast %swap3A_1688 : i32 to index
      %swap3A_1690 = arith.index_cast %mul3A_13 : i32 to index
      %swap3A_1691 = tpu.vector_load %arg5[%swap3A_1689, %swap3A_1690] {strides = array<i32>} : memref<32x256xf32, #tpu.memory_space<vmem>>, vector<1x16xf32>,
      %swap3A_1692 = vector.shape_cast %swap3A_1691 : vector<1x16xf32> to vector<16xf32>
      %swap3A_1693 = vector.shape_cast %select_n3A_1687 : vector<16xf32> to vector<1x16xf32>
      tpu.vector_store %arg5[%swap3A_1689, %swap3A_1690], %swap3A_1693 {strides = array<i32>} : memref<32x256xf32, #tpu.memory_space<vmem>>, vector<1x16xf32>,
      %sub3A_1694 = arith.constant 0 : i32
      %sub3A_1695 = vector.broadcast %sub3A_1694 : i32 to vector<16xi32>
      %sub3A_1696 = arith.subi %sub3A_1695, %get3A_127 : vector<16xi32>
      %xor3A_1697 = arith.xori %get3A_127, %get3A_17 : vector<16xi32>
      %sub3A_1698 = arith.constant 0 : i32
      %sub3A_1699 = vector.broadcast %sub3A_1698 : i32 to vector<16xi32>
      %sub3A_1700 = arith.subi %sub3A_1699, %xor3A_1697 : vector<16xi32>
      %and3A_1701 = arith.andi %sub3A_1696, %sub3A_1700 : vector<16xi32>
      %xor3A_1702 = arith.xori %get3A_127, %get3A_22 : vector<16xi32>
      %sub3A_1703 = arith.constant 0 : i32
      %sub3A_1704 = vector.broadcast %sub3A_1703 : i32 to vector<16xi32>
      %sub3A_1705 = arith.subi %sub3A_1704, %xor3A_1702 : vector<16xi32>
      %and3A_1706 = arith.andi %and3A_1701, %sub3A_1705 : vector<16xi32>
      %xor3A_1707 = arith.xori %get3A_127, %get3A_27 : vector<16xi32>
      %sub3A_1708 = arith.constant 0 : i32
      %sub3A_1709 = vector.broadcast %sub3A_1708 : i32 to vector<16xi32>
      %sub3A_1710 = arith.subi %sub3A_1709, %xor3A_1707 : vector<16xi32>
      %and3A_1711 = arith.andi %and3A_1706, %sub3A_1710 : vector<16xi32>
      %xor3A_1712 = arith.xori %get3A_127, %get3A_32 : vector<16xi32>
      %sub3A_1713 = arith.constant 0 : i32
      %sub3A_1714 = vector.broadcast %sub3A_1713 : i32 to vector<16xi32>
      %sub3A_1715 = arith.subi %sub3A_1714, %xor3A_1712 : vector<16xi32>
      %and3A_1716 = arith.andi %and3A_1711, %sub3A_1715 : vector<16xi32>
      %xor3A_1717 = arith.xori %get3A_127, %get3A_37 : vector<16xi32>
      %sub3A_1718 = arith.constant 0 : i32
      %sub3A_1719 = vector.broadcast %sub3A_1718 : i32 to vector<16xi32>
      %sub3A_1720 = arith.subi %sub3A_1719, %xor3A_1717 : vector<16xi32>
      %and3A_1721 = arith.andi %and3A_1716, %sub3A_1720 : vector<16xi32>
      %xor3A_1722 = arith.xori %get3A_127, %get3A_42 : vector<16xi32>
      %sub3A_1723 = arith.constant 0 : i32
      %sub3A_1724 = vector.broadcast %sub3A_1723 : i32 to vector<16xi32>
      %sub3A_1725 = arith.subi %sub3A_1724, %xor3A_1722 : vector<16xi32>
      %and3A_1726 = arith.andi %and3A_1721, %sub3A_1725 : vector<16xi32>
      %xor3A_1727 = arith.xori %get3A_127, %get3A_47 : vector<16xi32>
      %sub3A_1728 = arith.constant 0 : i32
      %sub3A_1729 = vector.broadcast %sub3A_1728 : i32 to vector<16xi32>
      %sub3A_1730 = arith.subi %sub3A_1729, %xor3A_1727 : vector<16xi32>
      %and3A_1731 = arith.andi %and3A_1726, %sub3A_1730 : vector<16xi32>
      %xor3A_1732 = arith.xori %get3A_127, %get3A_52 : vector<16xi32>
      %sub3A_1733 = arith.constant 0 : i32
      %sub3A_1734 = vector.broadcast %sub3A_1733 : i32 to vector<16xi32>
      %sub3A_1735 = arith.subi %sub3A_1734, %xor3A_1732 : vector<16xi32>
      %and3A_1736 = arith.andi %and3A_1731, %sub3A_1735 : vector<16xi32>
      %xor3A_1737 = arith.xori %get3A_127, %get3A_57 : vector<16xi32>
      %sub3A_1738 = arith.constant 0 : i32
      %sub3A_1739 = vector.broadcast %sub3A_1738 : i32 to vector<16xi32>
      %sub3A_1740 = arith.subi %sub3A_1739, %xor3A_1737 : vector<16xi32>
      %and3A_1741 = arith.andi %and3A_1736, %sub3A_1740 : vector<16xi32>
      %xor3A_1742 = arith.xori %get3A_127, %get3A_62 : vector<16xi32>
      %sub3A_1743 = arith.constant 0 : i32
      %sub3A_1744 = vector.broadcast %sub3A_1743 : i32 to vector<16xi32>
      %sub3A_1745 = arith.subi %sub3A_1744, %xor3A_1742 : vector<16xi32>
      %and3A_1746 = arith.andi %and3A_1741, %sub3A_1745 : vector<16xi32>
      %xor3A_1747 = arith.xori %get3A_127, %get3A_67 : vector<16xi32>
      %sub3A_1748 = arith.constant 0 : i32
      %sub3A_1749 = vector.broadcast %sub3A_1748 : i32 to vector<16xi32>
      %sub3A_1750 = arith.subi %sub3A_1749, %xor3A_1747 : vector<16xi32>
      %and3A_1751 = arith.andi %and3A_1746, %sub3A_1750 : vector<16xi32>
      %xor3A_1752 = arith.xori %get3A_127, %get3A_72 : vector<16xi32>
      %sub3A_1753 = arith.constant 0 : i32
      %sub3A_1754 = vector.broadcast %sub3A_1753 : i32 to vector<16xi32>
      %sub3A_1755 = arith.subi %sub3A_1754, %xor3A_1752 : vector<16xi32>
      %and3A_1756 = arith.andi %and3A_1751, %sub3A_1755 : vector<16xi32>
      %xor3A_1757 = arith.xori %get3A_127, %get3A_77 : vector<16xi32>
      %sub3A_1758 = arith.constant 0 : i32
      %sub3A_1759 = vector.broadcast %sub3A_1758 : i32 to vector<16xi32>
      %sub3A_1760 = arith.subi %sub3A_1759, %xor3A_1757 : vector<16xi32>
      %and3A_1761 = arith.andi %and3A_1756, %sub3A_1760 : vector<16xi32>
      %xor3A_1762 = arith.xori %get3A_127, %get3A_82 : vector<16xi32>
      %sub3A_1763 = arith.constant 0 : i32
      %sub3A_1764 = vector.broadcast %sub3A_1763 : i32 to vector<16xi32>
      %sub3A_1765 = arith.subi %sub3A_1764, %xor3A_1762 : vector<16xi32>
      %and3A_1766 = arith.andi %and3A_1761, %sub3A_1765 : vector<16xi32>
      %xor3A_1767 = arith.xori %get3A_127, %get3A_87 : vector<16xi32>
      %sub3A_1768 = arith.constant 0 : i32
      %sub3A_1769 = vector.broadcast %sub3A_1768 : i32 to vector<16xi32>
      %sub3A_1770 = arith.subi %sub3A_1769, %xor3A_1767 : vector<16xi32>
      %and3A_1771 = arith.andi %and3A_1766, %sub3A_1770 : vector<16xi32>
      %xor3A_1772 = arith.xori %get3A_127, %get3A_92 : vector<16xi32>
      %sub3A_1773 = arith.constant 0 : i32
      %sub3A_1774 = vector.broadcast %sub3A_1773 : i32 to vector<16xi32>
      %sub3A_1775 = arith.subi %sub3A_1774, %xor3A_1772 : vector<16xi32>
      %and3A_1776 = arith.andi %and3A_1771, %sub3A_1775 : vector<16xi32>
      %xor3A_1777 = arith.xori %get3A_127, %get3A_97 : vector<16xi32>
      %sub3A_1778 = arith.constant 0 : i32
      %sub3A_1779 = vector.broadcast %sub3A_1778 : i32 to vector<16xi32>
      %sub3A_1780 = arith.subi %sub3A_1779, %xor3A_1777 : vector<16xi32>
      %and3A_1781 = arith.andi %and3A_1776, %sub3A_1780 : vector<16xi32>
      %xor3A_1782 = arith.xori %get3A_127, %get3A_102 : vector<16xi32>
      %sub3A_1783 = arith.constant 0 : i32
      %sub3A_1784 = vector.broadcast %sub3A_1783 : i32 to vector<16xi32>
      %sub3A_1785 = arith.subi %sub3A_1784, %xor3A_1782 : vector<16xi32>
      %and3A_1786 = arith.andi %and3A_1781, %sub3A_1785 : vector<16xi32>
      %xor3A_1787 = arith.xori %get3A_127, %get3A_107 : vector<16xi32>
      %sub3A_1788 = arith.constant 0 : i32
      %sub3A_1789 = vector.broadcast %sub3A_1788 : i32 to vector<16xi32>
      %sub3A_1790 = arith.subi %sub3A_1789, %xor3A_1787 : vector<16xi32>
      %and3A_1791 = arith.andi %and3A_1786, %sub3A_1790 : vector<16xi32>
      %xor3A_1792 = arith.xori %get3A_127, %get3A_112 : vector<16xi32>
      %sub3A_1793 = arith.constant 0 : i32
      %sub3A_1794 = vector.broadcast %sub3A_1793 : i32 to vector<16xi32>
      %sub3A_1795 = arith.subi %sub3A_1794, %xor3A_1792 : vector<16xi32>
      %and3A_1796 = arith.andi %and3A_1791, %sub3A_1795 : vector<16xi32>
      %xor3A_1797 = arith.xori %get3A_127, %get3A_117 : vector<16xi32>
      %sub3A_1798 = arith.constant 0 : i32
      %sub3A_1799 = vector.broadcast %sub3A_1798 : i32 to vector<16xi32>
      %sub3A_1800 = arith.subi %sub3A_1799, %xor3A_1797 : vector<16xi32>
      %and3A_1801 = arith.andi %and3A_1796, %sub3A_1800 : vector<16xi32>
      %xor3A_1802 = arith.xori %get3A_127, %get3A_122 : vector<16xi32>
      %sub3A_1803 = arith.constant 0 : i32
      %sub3A_1804 = vector.broadcast %sub3A_1803 : i32 to vector<16xi32>
      %sub3A_1805 = arith.subi %sub3A_1804, %xor3A_1802 : vector<16xi32>
      %and3A_1806 = arith.andi %and3A_1801, %sub3A_1805 : vector<16xi32>
      %lt3A_1807 = arith.constant 0 : i32
      %lt3A_1808 = vector.broadcast %lt3A_1807 : i32 to vector<16xi32>
      %lt3A_1809 = arith.cmpi slt, %and3A_1806, %lt3A_1808 : vector<16xi32>
      %jit3A_1810 = arith.constant 1.000000e+00 : f32
      %jit3A_1811 = arith.constant 0.000000e+00 : f32
      %broadcast_in_dim3A_1812 = vector.broadcast %jit3A_1810 : f32 to vector<16xf32>
      %broadcast_in_dim3A_1813 = vector.broadcast %jit3A_1811 : f32 to vector<16xf32>
      %select_n3A_1814 = arith.select %lt3A_1809, %broadcast_in_dim3A_1812, %broadcast_in_dim3A_1813 : vector<16xi1>, vector<16xf32>
      %swap3A_1815 = arith.constant 22 : i32
      %swap3A_1816 = arith.index_cast %swap3A_1815 : i32 to index
      %swap3A_1817 = arith.index_cast %mul3A_13 : i32 to index
      %swap3A_1818 = tpu.vector_load %arg5[%swap3A_1816, %swap3A_1817] {strides = array<i32>} : memref<32x256xf32, #tpu.memory_space<vmem>>, vector<1x16xf32>,
      %swap3A_1819 = vector.shape_cast %swap3A_1818 : vector<1x16xf32> to vector<16xf32>
      %swap3A_1820 = vector.shape_cast %select_n3A_1814 : vector<16xf32> to vector<1x16xf32>
      tpu.vector_store %arg5[%swap3A_1816, %swap3A_1817], %swap3A_1820 {strides = array<i32>} : memref<32x256xf32, #tpu.memory_space<vmem>>, vector<1x16xf32>,
      %sub3A_1821 = arith.constant 0 : i32
      %sub3A_1822 = vector.broadcast %sub3A_1821 : i32 to vector<16xi32>
      %sub3A_1823 = arith.subi %sub3A_1822, %get3A_132 : vector<16xi32>
      %xor3A_1824 = arith.xori %get3A_132, %get3A_17 : vector<16xi32>
      %sub3A_1825 = arith.constant 0 : i32
      %sub3A_1826 = vector.broadcast %sub3A_1825 : i32 to vector<16xi32>
      %sub3A_1827 = arith.subi %sub3A_1826, %xor3A_1824 : vector<16xi32>
      %and3A_1828 = arith.andi %sub3A_1823, %sub3A_1827 : vector<16xi32>
      %xor3A_1829 = arith.xori %get3A_132, %get3A_22 : vector<16xi32>
      %sub3A_1830 = arith.constant 0 : i32
      %sub3A_1831 = vector.broadcast %sub3A_1830 : i32 to vector<16xi32>
      %sub3A_1832 = arith.subi %sub3A_1831, %xor3A_1829 : vector<16xi32>
      %and3A_1833 = arith.andi %and3A_1828, %sub3A_1832 : vector<16xi32>
      %xor3A_1834 = arith.xori %get3A_132, %get3A_27 : vector<16xi32>
      %sub3A_1835 = arith.constant 0 : i32
      %sub3A_1836 = vector.broadcast %sub3A_1835 : i32 to vector<16xi32>
      %sub3A_1837 = arith.subi %sub3A_1836, %xor3A_1834 : vector<16xi32>
      %and3A_1838 = arith.andi %and3A_1833, %sub3A_1837 : vector<16xi32>
      %xor3A_1839 = arith.xori %get3A_132, %get3A_32 : vector<16xi32>
      %sub3A_1840 = arith.constant 0 : i32
      %sub3A_1841 = vector.broadcast %sub3A_1840 : i32 to vector<16xi32>
      %sub3A_1842 = arith.subi %sub3A_1841, %xor3A_1839 : vector<16xi32>
      %and3A_1843 = arith.andi %and3A_1838, %sub3A_1842 : vector<16xi32>
      %xor3A_1844 = arith.xori %get3A_132, %get3A_37 : vector<16xi32>
      %sub3A_1845 = arith.constant 0 : i32
      %sub3A_1846 = vector.broadcast %sub3A_1845 : i32 to vector<16xi32>
      %sub3A_1847 = arith.subi %sub3A_1846, %xor3A_1844 : vector<16xi32>
      %and3A_1848 = arith.andi %and3A_1843, %sub3A_1847 : vector<16xi32>
      %xor3A_1849 = arith.xori %get3A_132, %get3A_42 : vector<16xi32>
      %sub3A_1850 = arith.constant 0 : i32
      %sub3A_1851 = vector.broadcast %sub3A_1850 : i32 to vector<16xi32>
      %sub3A_1852 = arith.subi %sub3A_1851, %xor3A_1849 : vector<16xi32>
      %and3A_1853 = arith.andi %and3A_1848, %sub3A_1852 : vector<16xi32>
      %xor3A_1854 = arith.xori %get3A_132, %get3A_47 : vector<16xi32>
      %sub3A_1855 = arith.constant 0 : i32
      %sub3A_1856 = vector.broadcast %sub3A_1855 : i32 to vector<16xi32>
      %sub3A_1857 = arith.subi %sub3A_1856, %xor3A_1854 : vector<16xi32>
      %and3A_1858 = arith.andi %and3A_1853, %sub3A_1857 : vector<16xi32>
      %xor3A_1859 = arith.xori %get3A_132, %get3A_52 : vector<16xi32>
      %sub3A_1860 = arith.constant 0 : i32
      %sub3A_1861 = vector.broadcast %sub3A_1860 : i32 to vector<16xi32>
      %sub3A_1862 = arith.subi %sub3A_1861, %xor3A_1859 : vector<16xi32>
      %and3A_1863 = arith.andi %and3A_1858, %sub3A_1862 : vector<16xi32>
      %xor3A_1864 = arith.xori %get3A_132, %get3A_57 : vector<16xi32>
      %sub3A_1865 = arith.constant 0 : i32
      %sub3A_1866 = vector.broadcast %sub3A_1865 : i32 to vector<16xi32>
      %sub3A_1867 = arith.subi %sub3A_1866, %xor3A_1864 : vector<16xi32>
      %and3A_1868 = arith.andi %and3A_1863, %sub3A_1867 : vector<16xi32>
      %xor3A_1869 = arith.xori %get3A_132, %get3A_62 : vector<16xi32>
      %sub3A_1870 = arith.constant 0 : i32
      %sub3A_1871 = vector.broadcast %sub3A_1870 : i32 to vector<16xi32>
      %sub3A_1872 = arith.subi %sub3A_1871, %xor3A_1869 : vector<16xi32>
      %and3A_1873 = arith.andi %and3A_1868, %sub3A_1872 : vector<16xi32>
      %xor3A_1874 = arith.xori %get3A_132, %get3A_67 : vector<16xi32>
      %sub3A_1875 = arith.constant 0 : i32
      %sub3A_1876 = vector.broadcast %sub3A_1875 : i32 to vector<16xi32>
      %sub3A_1877 = arith.subi %sub3A_1876, %xor3A_1874 : vector<16xi32>
      %and3A_1878 = arith.andi %and3A_1873, %sub3A_1877 : vector<16xi32>
      %xor3A_1879 = arith.xori %get3A_132, %get3A_72 : vector<16xi32>
      %sub3A_1880 = arith.constant 0 : i32
      %sub3A_1881 = vector.broadcast %sub3A_1880 : i32 to vector<16xi32>
      %sub3A_1882 = arith.subi %sub3A_1881, %xor3A_1879 : vector<16xi32>
      %and3A_1883 = arith.andi %and3A_1878, %sub3A_1882 : vector<16xi32>
      %xor3A_1884 = arith.xori %get3A_132, %get3A_77 : vector<16xi32>
      %sub3A_1885 = arith.constant 0 : i32
      %sub3A_1886 = vector.broadcast %sub3A_1885 : i32 to vector<16xi32>
      %sub3A_1887 = arith.subi %sub3A_1886, %xor3A_1884 : vector<16xi32>
      %and3A_1888 = arith.andi %and3A_1883, %sub3A_1887 : vector<16xi32>
      %xor3A_1889 = arith.xori %get3A_132, %get3A_82 : vector<16xi32>
      %sub3A_1890 = arith.constant 0 : i32
      %sub3A_1891 = vector.broadcast %sub3A_1890 : i32 to vector<16xi32>
      %sub3A_1892 = arith.subi %sub3A_1891, %xor3A_1889 : vector<16xi32>
      %and3A_1893 = arith.andi %and3A_1888, %sub3A_1892 : vector<16xi32>
      %xor3A_1894 = arith.xori %get3A_132, %get3A_87 : vector<16xi32>
      %sub3A_1895 = arith.constant 0 : i32
      %sub3A_1896 = vector.broadcast %sub3A_1895 : i32 to vector<16xi32>
      %sub3A_1897 = arith.subi %sub3A_1896, %xor3A_1894 : vector<16xi32>
      %and3A_1898 = arith.andi %and3A_1893, %sub3A_1897 : vector<16xi32>
      %xor3A_1899 = arith.xori %get3A_132, %get3A_92 : vector<16xi32>
      %sub3A_1900 = arith.constant 0 : i32
      %sub3A_1901 = vector.broadcast %sub3A_1900 : i32 to vector<16xi32>
      %sub3A_1902 = arith.subi %sub3A_1901, %xor3A_1899 : vector<16xi32>
      %and3A_1903 = arith.andi %and3A_1898, %sub3A_1902 : vector<16xi32>
      %xor3A_1904 = arith.xori %get3A_132, %get3A_97 : vector<16xi32>
      %sub3A_1905 = arith.constant 0 : i32
      %sub3A_1906 = vector.broadcast %sub3A_1905 : i32 to vector<16xi32>
      %sub3A_1907 = arith.subi %sub3A_1906, %xor3A_1904 : vector<16xi32>
      %and3A_1908 = arith.andi %and3A_1903, %sub3A_1907 : vector<16xi32>
      %xor3A_1909 = arith.xori %get3A_132, %get3A_102 : vector<16xi32>
      %sub3A_1910 = arith.constant 0 : i32
      %sub3A_1911 = vector.broadcast %sub3A_1910 : i32 to vector<16xi32>
      %sub3A_1912 = arith.subi %sub3A_1911, %xor3A_1909 : vector<16xi32>
      %and3A_1913 = arith.andi %and3A_1908, %sub3A_1912 : vector<16xi32>
      %xor3A_1914 = arith.xori %get3A_132, %get3A_107 : vector<16xi32>
      %sub3A_1915 = arith.constant 0 : i32
      %sub3A_1916 = vector.broadcast %sub3A_1915 : i32 to vector<16xi32>
      %sub3A_1917 = arith.subi %sub3A_1916, %xor3A_1914 : vector<16xi32>
      %and3A_1918 = arith.andi %and3A_1913, %sub3A_1917 : vector<16xi32>
      %xor3A_1919 = arith.xori %get3A_132, %get3A_112 : vector<16xi32>
      %sub3A_1920 = arith.constant 0 : i32
      %sub3A_1921 = vector.broadcast %sub3A_1920 : i32 to vector<16xi32>
      %sub3A_1922 = arith.subi %sub3A_1921, %xor3A_1919 : vector<16xi32>
      %and3A_1923 = arith.andi %and3A_1918, %sub3A_1922 : vector<16xi32>
      %xor3A_1924 = arith.xori %get3A_132, %get3A_117 : vector<16xi32>
      %sub3A_1925 = arith.constant 0 : i32
      %sub3A_1926 = vector.broadcast %sub3A_1925 : i32 to vector<16xi32>
      %sub3A_1927 = arith.subi %sub3A_1926, %xor3A_1924 : vector<16xi32>
      %and3A_1928 = arith.andi %and3A_1923, %sub3A_1927 : vector<16xi32>
      %xor3A_1929 = arith.xori %get3A_132, %get3A_122 : vector<16xi32>
      %sub3A_1930 = arith.constant 0 : i32
      %sub3A_1931 = vector.broadcast %sub3A_1930 : i32 to vector<16xi32>
      %sub3A_1932 = arith.subi %sub3A_1931, %xor3A_1929 : vector<16xi32>
      %and3A_1933 = arith.andi %and3A_1928, %sub3A_1932 : vector<16xi32>
      %xor3A_1934 = arith.xori %get3A_132, %get3A_127 : vector<16xi32>
      %sub3A_1935 = arith.constant 0 : i32
      %sub3A_1936 = vector.broadcast %sub3A_1935 : i32 to vector<16xi32>
      %sub3A_1937 = arith.subi %sub3A_1936, %xor3A_1934 : vector<16xi32>
      %and3A_1938 = arith.andi %and3A_1933, %sub3A_1937 : vector<16xi32>
      %lt3A_1939 = arith.constant 0 : i32
      %lt3A_1940 = vector.broadcast %lt3A_1939 : i32 to vector<16xi32>
      %lt3A_1941 = arith.cmpi slt, %and3A_1938, %lt3A_1940 : vector<16xi32>
      %jit3A_1942 = arith.constant 1.000000e+00 : f32
      %jit3A_1943 = arith.constant 0.000000e+00 : f32
      %broadcast_in_dim3A_1944 = vector.broadcast %jit3A_1942 : f32 to vector<16xf32>
      %broadcast_in_dim3A_1945 = vector.broadcast %jit3A_1943 : f32 to vector<16xf32>
      %select_n3A_1946 = arith.select %lt3A_1941, %broadcast_in_dim3A_1944, %broadcast_in_dim3A_1945 : vector<16xi1>, vector<16xf32>
      %swap3A_1947 = arith.constant 23 : i32
      %swap3A_1948 = arith.index_cast %swap3A_1947 : i32 to index
      %swap3A_1949 = arith.index_cast %mul3A_13 : i32 to index
      %swap3A_1950 = tpu.vector_load %arg5[%swap3A_1948, %swap3A_1949] {strides = array<i32>} : memref<32x256xf32, #tpu.memory_space<vmem>>, vector<1x16xf32>,
      %swap3A_1951 = vector.shape_cast %swap3A_1950 : vector<1x16xf32> to vector<16xf32>
      %swap3A_1952 = vector.shape_cast %select_n3A_1946 : vector<16xf32> to vector<1x16xf32>
      tpu.vector_store %arg5[%swap3A_1948, %swap3A_1949], %swap3A_1952 {strides = array<i32>} : memref<32x256xf32, #tpu.memory_space<vmem>>, vector<1x16xf32>,
      %sub3A_1953 = arith.constant 0 : i32
      %sub3A_1954 = vector.broadcast %sub3A_1953 : i32 to vector<16xi32>
      %sub3A_1955 = arith.subi %sub3A_1954, %get3A_137 : vector<16xi32>
      %xor3A_1956 = arith.xori %get3A_137, %get3A_17 : vector<16xi32>
      %sub3A_1957 = arith.constant 0 : i32
      %sub3A_1958 = vector.broadcast %sub3A_1957 : i32 to vector<16xi32>
      %sub3A_1959 = arith.subi %sub3A_1958, %xor3A_1956 : vector<16xi32>
      %and3A_1960 = arith.andi %sub3A_1955, %sub3A_1959 : vector<16xi32>
      %xor3A_1961 = arith.xori %get3A_137, %get3A_22 : vector<16xi32>
      %sub3A_1962 = arith.constant 0 : i32
      %sub3A_1963 = vector.broadcast %sub3A_1962 : i32 to vector<16xi32>
      %sub3A_1964 = arith.subi %sub3A_1963, %xor3A_1961 : vector<16xi32>
      %and3A_1965 = arith.andi %and3A_1960, %sub3A_1964 : vector<16xi32>
      %xor3A_1966 = arith.xori %get3A_137, %get3A_27 : vector<16xi32>
      %sub3A_1967 = arith.constant 0 : i32
      %sub3A_1968 = vector.broadcast %sub3A_1967 : i32 to vector<16xi32>
      %sub3A_1969 = arith.subi %sub3A_1968, %xor3A_1966 : vector<16xi32>
      %and3A_1970 = arith.andi %and3A_1965, %sub3A_1969 : vector<16xi32>
      %xor3A_1971 = arith.xori %get3A_137, %get3A_32 : vector<16xi32>
      %sub3A_1972 = arith.constant 0 : i32
      %sub3A_1973 = vector.broadcast %sub3A_1972 : i32 to vector<16xi32>
      %sub3A_1974 = arith.subi %sub3A_1973, %xor3A_1971 : vector<16xi32>
      %and3A_1975 = arith.andi %and3A_1970, %sub3A_1974 : vector<16xi32>
      %xor3A_1976 = arith.xori %get3A_137, %get3A_37 : vector<16xi32>
      %sub3A_1977 = arith.constant 0 : i32
      %sub3A_1978 = vector.broadcast %sub3A_1977 : i32 to vector<16xi32>
      %sub3A_1979 = arith.subi %sub3A_1978, %xor3A_1976 : vector<16xi32>
      %and3A_1980 = arith.andi %and3A_1975, %sub3A_1979 : vector<16xi32>
      %xor3A_1981 = arith.xori %get3A_137, %get3A_42 : vector<16xi32>
      %sub3A_1982 = arith.constant 0 : i32
      %sub3A_1983 = vector.broadcast %sub3A_1982 : i32 to vector<16xi32>
      %sub3A_1984 = arith.subi %sub3A_1983, %xor3A_1981 : vector<16xi32>
      %and3A_1985 = arith.andi %and3A_1980, %sub3A_1984 : vector<16xi32>
      %xor3A_1986 = arith.xori %get3A_137, %get3A_47 : vector<16xi32>
      %sub3A_1987 = arith.constant 0 : i32
      %sub3A_1988 = vector.broadcast %sub3A_1987 : i32 to vector<16xi32>
      %sub3A_1989 = arith.subi %sub3A_1988, %xor3A_1986 : vector<16xi32>
      %and3A_1990 = arith.andi %and3A_1985, %sub3A_1989 : vector<16xi32>
      %xor3A_1991 = arith.xori %get3A_137, %get3A_52 : vector<16xi32>
      %sub3A_1992 = arith.constant 0 : i32
      %sub3A_1993 = vector.broadcast %sub3A_1992 : i32 to vector<16xi32>
      %sub3A_1994 = arith.subi %sub3A_1993, %xor3A_1991 : vector<16xi32>
      %and3A_1995 = arith.andi %and3A_1990, %sub3A_1994 : vector<16xi32>
      %xor3A_1996 = arith.xori %get3A_137, %get3A_57 : vector<16xi32>
      %sub3A_1997 = arith.constant 0 : i32
      %sub3A_1998 = vector.broadcast %sub3A_1997 : i32 to vector<16xi32>
      %sub3A_1999 = arith.subi %sub3A_1998, %xor3A_1996 : vector<16xi32>
      %and3A_2000 = arith.andi %and3A_1995, %sub3A_1999 : vector<16xi32>
      %xor3A_2001 = arith.xori %get3A_137, %get3A_62 : vector<16xi32>
      %sub3A_2002 = arith.constant 0 : i32
      %sub3A_2003 = vector.broadcast %sub3A_2002 : i32 to vector<16xi32>
      %sub3A_2004 = arith.subi %sub3A_2003, %xor3A_2001 : vector<16xi32>
      %and3A_2005 = arith.andi %and3A_2000, %sub3A_2004 : vector<16xi32>
      %xor3A_2006 = arith.xori %get3A_137, %get3A_67 : vector<16xi32>
      %sub3A_2007 = arith.constant 0 : i32
      %sub3A_2008 = vector.broadcast %sub3A_2007 : i32 to vector<16xi32>
      %sub3A_2009 = arith.subi %sub3A_2008, %xor3A_2006 : vector<16xi32>
      %and3A_2010 = arith.andi %and3A_2005, %sub3A_2009 : vector<16xi32>
      %xor3A_2011 = arith.xori %get3A_137, %get3A_72 : vector<16xi32>
      %sub3A_2012 = arith.constant 0 : i32
      %sub3A_2013 = vector.broadcast %sub3A_2012 : i32 to vector<16xi32>
      %sub3A_2014 = arith.subi %sub3A_2013, %xor3A_2011 : vector<16xi32>
      %and3A_2015 = arith.andi %and3A_2010, %sub3A_2014 : vector<16xi32>
      %xor3A_2016 = arith.xori %get3A_137, %get3A_77 : vector<16xi32>
      %sub3A_2017 = arith.constant 0 : i32
      %sub3A_2018 = vector.broadcast %sub3A_2017 : i32 to vector<16xi32>
      %sub3A_2019 = arith.subi %sub3A_2018, %xor3A_2016 : vector<16xi32>
      %and3A_2020 = arith.andi %and3A_2015, %sub3A_2019 : vector<16xi32>
      %xor3A_2021 = arith.xori %get3A_137, %get3A_82 : vector<16xi32>
      %sub3A_2022 = arith.constant 0 : i32
      %sub3A_2023 = vector.broadcast %sub3A_2022 : i32 to vector<16xi32>
      %sub3A_2024 = arith.subi %sub3A_2023, %xor3A_2021 : vector<16xi32>
      %and3A_2025 = arith.andi %and3A_2020, %sub3A_2024 : vector<16xi32>
      %xor3A_2026 = arith.xori %get3A_137, %get3A_87 : vector<16xi32>
      %sub3A_2027 = arith.constant 0 : i32
      %sub3A_2028 = vector.broadcast %sub3A_2027 : i32 to vector<16xi32>
      %sub3A_2029 = arith.subi %sub3A_2028, %xor3A_2026 : vector<16xi32>
      %and3A_2030 = arith.andi %and3A_2025, %sub3A_2029 : vector<16xi32>
      %xor3A_2031 = arith.xori %get3A_137, %get3A_92 : vector<16xi32>
      %sub3A_2032 = arith.constant 0 : i32
      %sub3A_2033 = vector.broadcast %sub3A_2032 : i32 to vector<16xi32>
      %sub3A_2034 = arith.subi %sub3A_2033, %xor3A_2031 : vector<16xi32>
      %and3A_2035 = arith.andi %and3A_2030, %sub3A_2034 : vector<16xi32>
      %xor3A_2036 = arith.xori %get3A_137, %get3A_97 : vector<16xi32>
      %sub3A_2037 = arith.constant 0 : i32
      %sub3A_2038 = vector.broadcast %sub3A_2037 : i32 to vector<16xi32>
      %sub3A_2039 = arith.subi %sub3A_2038, %xor3A_2036 : vector<16xi32>
      %and3A_2040 = arith.andi %and3A_2035, %sub3A_2039 : vector<16xi32>
      %xor3A_2041 = arith.xori %get3A_137, %get3A_102 : vector<16xi32>
      %sub3A_2042 = arith.constant 0 : i32
      %sub3A_2043 = vector.broadcast %sub3A_2042 : i32 to vector<16xi32>
      %sub3A_2044 = arith.subi %sub3A_2043, %xor3A_2041 : vector<16xi32>
      %and3A_2045 = arith.andi %and3A_2040, %sub3A_2044 : vector<16xi32>
      %xor3A_2046 = arith.xori %get3A_137, %get3A_107 : vector<16xi32>
      %sub3A_2047 = arith.constant 0 : i32
      %sub3A_2048 = vector.broadcast %sub3A_2047 : i32 to vector<16xi32>
      %sub3A_2049 = arith.subi %sub3A_2048, %xor3A_2046 : vector<16xi32>
      %and3A_2050 = arith.andi %and3A_2045, %sub3A_2049 : vector<16xi32>
      %xor3A_2051 = arith.xori %get3A_137, %get3A_112 : vector<16xi32>
      %sub3A_2052 = arith.constant 0 : i32
      %sub3A_2053 = vector.broadcast %sub3A_2052 : i32 to vector<16xi32>
      %sub3A_2054 = arith.subi %sub3A_2053, %xor3A_2051 : vector<16xi32>
      %and3A_2055 = arith.andi %and3A_2050, %sub3A_2054 : vector<16xi32>
      %xor3A_2056 = arith.xori %get3A_137, %get3A_117 : vector<16xi32>
      %sub3A_2057 = arith.constant 0 : i32
      %sub3A_2058 = vector.broadcast %sub3A_2057 : i32 to vector<16xi32>
      %sub3A_2059 = arith.subi %sub3A_2058, %xor3A_2056 : vector<16xi32>
      %and3A_2060 = arith.andi %and3A_2055, %sub3A_2059 : vector<16xi32>
      %xor3A_2061 = arith.xori %get3A_137, %get3A_122 : vector<16xi32>
      %sub3A_2062 = arith.constant 0 : i32
      %sub3A_2063 = vector.broadcast %sub3A_2062 : i32 to vector<16xi32>
      %sub3A_2064 = arith.subi %sub3A_2063, %xor3A_2061 : vector<16xi32>
      %and3A_2065 = arith.andi %and3A_2060, %sub3A_2064 : vector<16xi32>
      %xor3A_2066 = arith.xori %get3A_137, %get3A_127 : vector<16xi32>
      %sub3A_2067 = arith.constant 0 : i32
      %sub3A_2068 = vector.broadcast %sub3A_2067 : i32 to vector<16xi32>
      %sub3A_2069 = arith.subi %sub3A_2068, %xor3A_2066 : vector<16xi32>
      %and3A_2070 = arith.andi %and3A_2065, %sub3A_2069 : vector<16xi32>
      %xor3A_2071 = arith.xori %get3A_137, %get3A_132 : vector<16xi32>
      %sub3A_2072 = arith.constant 0 : i32
      %sub3A_2073 = vector.broadcast %sub3A_2072 : i32 to vector<16xi32>
      %sub3A_2074 = arith.subi %sub3A_2073, %xor3A_2071 : vector<16xi32>
      %and3A_2075 = arith.andi %and3A_2070, %sub3A_2074 : vector<16xi32>
      %lt3A_2076 = arith.constant 0 : i32
      %lt3A_2077 = vector.broadcast %lt3A_2076 : i32 to vector<16xi32>
      %lt3A_2078 = arith.cmpi slt, %and3A_2075, %lt3A_2077 : vector<16xi32>
      %jit3A_2079 = arith.constant 1.000000e+00 : f32
      %jit3A_2080 = arith.constant 0.000000e+00 : f32
      %broadcast_in_dim3A_2081 = vector.broadcast %jit3A_2079 : f32 to vector<16xf32>
      %broadcast_in_dim3A_2082 = vector.broadcast %jit3A_2080 : f32 to vector<16xf32>
      %select_n3A_2083 = arith.select %lt3A_2078, %broadcast_in_dim3A_2081, %broadcast_in_dim3A_2082 : vector<16xi1>, vector<16xf32>
      %swap3A_2084 = arith.constant 24 : i32
      %swap3A_2085 = arith.index_cast %swap3A_2084 : i32 to index
      %swap3A_2086 = arith.index_cast %mul3A_13 : i32 to index
      %swap3A_2087 = tpu.vector_load %arg5[%swap3A_2085, %swap3A_2086] {strides = array<i32>} : memref<32x256xf32, #tpu.memory_space<vmem>>, vector<1x16xf32>,
      %swap3A_2088 = vector.shape_cast %swap3A_2087 : vector<1x16xf32> to vector<16xf32>
      %swap3A_2089 = vector.shape_cast %select_n3A_2083 : vector<16xf32> to vector<1x16xf32>
      tpu.vector_store %arg5[%swap3A_2085, %swap3A_2086], %swap3A_2089 {strides = array<i32>} : memref<32x256xf32, #tpu.memory_space<vmem>>, vector<1x16xf32>,
      %sub3A_2090 = arith.constant 0 : i32
      %sub3A_2091 = vector.broadcast %sub3A_2090 : i32 to vector<16xi32>
      %sub3A_2092 = arith.subi %sub3A_2091, %get3A_142 : vector<16xi32>
      %xor3A_2093 = arith.xori %get3A_142, %get3A_17 : vector<16xi32>
      %sub3A_2094 = arith.constant 0 : i32
      %sub3A_2095 = vector.broadcast %sub3A_2094 : i32 to vector<16xi32>
      %sub3A_2096 = arith.subi %sub3A_2095, %xor3A_2093 : vector<16xi32>
      %and3A_2097 = arith.andi %sub3A_2092, %sub3A_2096 : vector<16xi32>
      %xor3A_2098 = arith.xori %get3A_142, %get3A_22 : vector<16xi32>
      %sub3A_2099 = arith.constant 0 : i32
      %sub3A_2100 = vector.broadcast %sub3A_2099 : i32 to vector<16xi32>
      %sub3A_2101 = arith.subi %sub3A_2100, %xor3A_2098 : vector<16xi32>
      %and3A_2102 = arith.andi %and3A_2097, %sub3A_2101 : vector<16xi32>
      %xor3A_2103 = arith.xori %get3A_142, %get3A_27 : vector<16xi32>
      %sub3A_2104 = arith.constant 0 : i32
      %sub3A_2105 = vector.broadcast %sub3A_2104 : i32 to vector<16xi32>
      %sub3A_2106 = arith.subi %sub3A_2105, %xor3A_2103 : vector<16xi32>
      %and3A_2107 = arith.andi %and3A_2102, %sub3A_2106 : vector<16xi32>
      %xor3A_2108 = arith.xori %get3A_142, %get3A_32 : vector<16xi32>
      %sub3A_2109 = arith.constant 0 : i32
      %sub3A_2110 = vector.broadcast %sub3A_2109 : i32 to vector<16xi32>
      %sub3A_2111 = arith.subi %sub3A_2110, %xor3A_2108 : vector<16xi32>
      %and3A_2112 = arith.andi %and3A_2107, %sub3A_2111 : vector<16xi32>
      %xor3A_2113 = arith.xori %get3A_142, %get3A_37 : vector<16xi32>
      %sub3A_2114 = arith.constant 0 : i32
      %sub3A_2115 = vector.broadcast %sub3A_2114 : i32 to vector<16xi32>
      %sub3A_2116 = arith.subi %sub3A_2115, %xor3A_2113 : vector<16xi32>
      %and3A_2117 = arith.andi %and3A_2112, %sub3A_2116 : vector<16xi32>
      %xor3A_2118 = arith.xori %get3A_142, %get3A_42 : vector<16xi32>
      %sub3A_2119 = arith.constant 0 : i32
      %sub3A_2120 = vector.broadcast %sub3A_2119 : i32 to vector<16xi32>
      %sub3A_2121 = arith.subi %sub3A_2120, %xor3A_2118 : vector<16xi32>
      %and3A_2122 = arith.andi %and3A_2117, %sub3A_2121 : vector<16xi32>
      %xor3A_2123 = arith.xori %get3A_142, %get3A_47 : vector<16xi32>
      %sub3A_2124 = arith.constant 0 : i32
      %sub3A_2125 = vector.broadcast %sub3A_2124 : i32 to vector<16xi32>
      %sub3A_2126 = arith.subi %sub3A_2125, %xor3A_2123 : vector<16xi32>
      %and3A_2127 = arith.andi %and3A_2122, %sub3A_2126 : vector<16xi32>
      %xor3A_2128 = arith.xori %get3A_142, %get3A_52 : vector<16xi32>
      %sub3A_2129 = arith.constant 0 : i32
      %sub3A_2130 = vector.broadcast %sub3A_2129 : i32 to vector<16xi32>
      %sub3A_2131 = arith.subi %sub3A_2130, %xor3A_2128 : vector<16xi32>
      %and3A_2132 = arith.andi %and3A_2127, %sub3A_2131 : vector<16xi32>
      %xor3A_2133 = arith.xori %get3A_142, %get3A_57 : vector<16xi32>
      %sub3A_2134 = arith.constant 0 : i32
      %sub3A_2135 = vector.broadcast %sub3A_2134 : i32 to vector<16xi32>
      %sub3A_2136 = arith.subi %sub3A_2135, %xor3A_2133 : vector<16xi32>
      %and3A_2137 = arith.andi %and3A_2132, %sub3A_2136 : vector<16xi32>
      %xor3A_2138 = arith.xori %get3A_142, %get3A_62 : vector<16xi32>
      %sub3A_2139 = arith.constant 0 : i32
      %sub3A_2140 = vector.broadcast %sub3A_2139 : i32 to vector<16xi32>
      %sub3A_2141 = arith.subi %sub3A_2140, %xor3A_2138 : vector<16xi32>
      %and3A_2142 = arith.andi %and3A_2137, %sub3A_2141 : vector<16xi32>
      %xor3A_2143 = arith.xori %get3A_142, %get3A_67 : vector<16xi32>
      %sub3A_2144 = arith.constant 0 : i32
      %sub3A_2145 = vector.broadcast %sub3A_2144 : i32 to vector<16xi32>
      %sub3A_2146 = arith.subi %sub3A_2145, %xor3A_2143 : vector<16xi32>
      %and3A_2147 = arith.andi %and3A_2142, %sub3A_2146 : vector<16xi32>
      %xor3A_2148 = arith.xori %get3A_142, %get3A_72 : vector<16xi32>
      %sub3A_2149 = arith.constant 0 : i32
      %sub3A_2150 = vector.broadcast %sub3A_2149 : i32 to vector<16xi32>
      %sub3A_2151 = arith.subi %sub3A_2150, %xor3A_2148 : vector<16xi32>
      %and3A_2152 = arith.andi %and3A_2147, %sub3A_2151 : vector<16xi32>
      %xor3A_2153 = arith.xori %get3A_142, %get3A_77 : vector<16xi32>
      %sub3A_2154 = arith.constant 0 : i32
      %sub3A_2155 = vector.broadcast %sub3A_2154 : i32 to vector<16xi32>
      %sub3A_2156 = arith.subi %sub3A_2155, %xor3A_2153 : vector<16xi32>
      %and3A_2157 = arith.andi %and3A_2152, %sub3A_2156 : vector<16xi32>
      %xor3A_2158 = arith.xori %get3A_142, %get3A_82 : vector<16xi32>
      %sub3A_2159 = arith.constant 0 : i32
      %sub3A_2160 = vector.broadcast %sub3A_2159 : i32 to vector<16xi32>
      %sub3A_2161 = arith.subi %sub3A_2160, %xor3A_2158 : vector<16xi32>
      %and3A_2162 = arith.andi %and3A_2157, %sub3A_2161 : vector<16xi32>
      %xor3A_2163 = arith.xori %get3A_142, %get3A_87 : vector<16xi32>
      %sub3A_2164 = arith.constant 0 : i32
      %sub3A_2165 = vector.broadcast %sub3A_2164 : i32 to vector<16xi32>
      %sub3A_2166 = arith.subi %sub3A_2165, %xor3A_2163 : vector<16xi32>
      %and3A_2167 = arith.andi %and3A_2162, %sub3A_2166 : vector<16xi32>
      %xor3A_2168 = arith.xori %get3A_142, %get3A_92 : vector<16xi32>
      %sub3A_2169 = arith.constant 0 : i32
      %sub3A_2170 = vector.broadcast %sub3A_2169 : i32 to vector<16xi32>
      %sub3A_2171 = arith.subi %sub3A_2170, %xor3A_2168 : vector<16xi32>
      %and3A_2172 = arith.andi %and3A_2167, %sub3A_2171 : vector<16xi32>
      %xor3A_2173 = arith.xori %get3A_142, %get3A_97 : vector<16xi32>
      %sub3A_2174 = arith.constant 0 : i32
      %sub3A_2175 = vector.broadcast %sub3A_2174 : i32 to vector<16xi32>
      %sub3A_2176 = arith.subi %sub3A_2175, %xor3A_2173 : vector<16xi32>
      %and3A_2177 = arith.andi %and3A_2172, %sub3A_2176 : vector<16xi32>
      %xor3A_2178 = arith.xori %get3A_142, %get3A_102 : vector<16xi32>
      %sub3A_2179 = arith.constant 0 : i32
      %sub3A_2180 = vector.broadcast %sub3A_2179 : i32 to vector<16xi32>
      %sub3A_2181 = arith.subi %sub3A_2180, %xor3A_2178 : vector<16xi32>
      %and3A_2182 = arith.andi %and3A_2177, %sub3A_2181 : vector<16xi32>
      %xor3A_2183 = arith.xori %get3A_142, %get3A_107 : vector<16xi32>
      %sub3A_2184 = arith.constant 0 : i32
      %sub3A_2185 = vector.broadcast %sub3A_2184 : i32 to vector<16xi32>
      %sub3A_2186 = arith.subi %sub3A_2185, %xor3A_2183 : vector<16xi32>
      %and3A_2187 = arith.andi %and3A_2182, %sub3A_2186 : vector<16xi32>
      %xor3A_2188 = arith.xori %get3A_142, %get3A_112 : vector<16xi32>
      %sub3A_2189 = arith.constant 0 : i32
      %sub3A_2190 = vector.broadcast %sub3A_2189 : i32 to vector<16xi32>
      %sub3A_2191 = arith.subi %sub3A_2190, %xor3A_2188 : vector<16xi32>
      %and3A_2192 = arith.andi %and3A_2187, %sub3A_2191 : vector<16xi32>
      %xor3A_2193 = arith.xori %get3A_142, %get3A_117 : vector<16xi32>
      %sub3A_2194 = arith.constant 0 : i32
      %sub3A_2195 = vector.broadcast %sub3A_2194 : i32 to vector<16xi32>
      %sub3A_2196 = arith.subi %sub3A_2195, %xor3A_2193 : vector<16xi32>
      %and3A_2197 = arith.andi %and3A_2192, %sub3A_2196 : vector<16xi32>
      %xor3A_2198 = arith.xori %get3A_142, %get3A_122 : vector<16xi32>
      %sub3A_2199 = arith.constant 0 : i32
      %sub3A_2200 = vector.broadcast %sub3A_2199 : i32 to vector<16xi32>
      %sub3A_2201 = arith.subi %sub3A_2200, %xor3A_2198 : vector<16xi32>
      %and3A_2202 = arith.andi %and3A_2197, %sub3A_2201 : vector<16xi32>
      %xor3A_2203 = arith.xori %get3A_142, %get3A_127 : vector<16xi32>
      %sub3A_2204 = arith.constant 0 : i32
      %sub3A_2205 = vector.broadcast %sub3A_2204 : i32 to vector<16xi32>
      %sub3A_2206 = arith.subi %sub3A_2205, %xor3A_2203 : vector<16xi32>
      %and3A_2207 = arith.andi %and3A_2202, %sub3A_2206 : vector<16xi32>
      %xor3A_2208 = arith.xori %get3A_142, %get3A_132 : vector<16xi32>
      %sub3A_2209 = arith.constant 0 : i32
      %sub3A_2210 = vector.broadcast %sub3A_2209 : i32 to vector<16xi32>
      %sub3A_2211 = arith.subi %sub3A_2210, %xor3A_2208 : vector<16xi32>
      %and3A_2212 = arith.andi %and3A_2207, %sub3A_2211 : vector<16xi32>
      %xor3A_2213 = arith.xori %get3A_142, %get3A_137 : vector<16xi32>
      %sub3A_2214 = arith.constant 0 : i32
      %sub3A_2215 = vector.broadcast %sub3A_2214 : i32 to vector<16xi32>
      %sub3A_2216 = arith.subi %sub3A_2215, %xor3A_2213 : vector<16xi32>
      %and3A_2217 = arith.andi %and3A_2212, %sub3A_2216 : vector<16xi32>
      %lt3A_2218 = arith.constant 0 : i32
      %lt3A_2219 = vector.broadcast %lt3A_2218 : i32 to vector<16xi32>
      %lt3A_2220 = arith.cmpi slt, %and3A_2217, %lt3A_2219 : vector<16xi32>
      %jit3A_2221 = arith.constant 1.000000e+00 : f32
      %jit3A_2222 = arith.constant 0.000000e+00 : f32
      %broadcast_in_dim3A_2223 = vector.broadcast %jit3A_2221 : f32 to vector<16xf32>
      %broadcast_in_dim3A_2224 = vector.broadcast %jit3A_2222 : f32 to vector<16xf32>
      %select_n3A_2225 = arith.select %lt3A_2220, %broadcast_in_dim3A_2223, %broadcast_in_dim3A_2224 : vector<16xi1>, vector<16xf32>
      %swap3A_2226 = arith.constant 25 : i32
      %swap3A_2227 = arith.index_cast %swap3A_2226 : i32 to index
      %swap3A_2228 = arith.index_cast %mul3A_13 : i32 to index
      %swap3A_2229 = tpu.vector_load %arg5[%swap3A_2227, %swap3A_2228] {strides = array<i32>} : memref<32x256xf32, #tpu.memory_space<vmem>>, vector<1x16xf32>,
      %swap3A_2230 = vector.shape_cast %swap3A_2229 : vector<1x16xf32> to vector<16xf32>
      %swap3A_2231 = vector.shape_cast %select_n3A_2225 : vector<16xf32> to vector<1x16xf32>
      tpu.vector_store %arg5[%swap3A_2227, %swap3A_2228], %swap3A_2231 {strides = array<i32>} : memref<32x256xf32, #tpu.memory_space<vmem>>, vector<1x16xf32>,
      %sub3A_2232 = arith.constant 0 : i32
      %sub3A_2233 = vector.broadcast %sub3A_2232 : i32 to vector<16xi32>
      %sub3A_2234 = arith.subi %sub3A_2233, %get3A_147 : vector<16xi32>
      %xor3A_2235 = arith.xori %get3A_147, %get3A_17 : vector<16xi32>
      %sub3A_2236 = arith.constant 0 : i32
      %sub3A_2237 = vector.broadcast %sub3A_2236 : i32 to vector<16xi32>
      %sub3A_2238 = arith.subi %sub3A_2237, %xor3A_2235 : vector<16xi32>
      %and3A_2239 = arith.andi %sub3A_2234, %sub3A_2238 : vector<16xi32>
      %xor3A_2240 = arith.xori %get3A_147, %get3A_22 : vector<16xi32>
      %sub3A_2241 = arith.constant 0 : i32
      %sub3A_2242 = vector.broadcast %sub3A_2241 : i32 to vector<16xi32>
      %sub3A_2243 = arith.subi %sub3A_2242, %xor3A_2240 : vector<16xi32>
      %and3A_2244 = arith.andi %and3A_2239, %sub3A_2243 : vector<16xi32>
      %xor3A_2245 = arith.xori %get3A_147, %get3A_27 : vector<16xi32>
      %sub3A_2246 = arith.constant 0 : i32
      %sub3A_2247 = vector.broadcast %sub3A_2246 : i32 to vector<16xi32>
      %sub3A_2248 = arith.subi %sub3A_2247, %xor3A_2245 : vector<16xi32>
      %and3A_2249 = arith.andi %and3A_2244, %sub3A_2248 : vector<16xi32>
      %xor3A_2250 = arith.xori %get3A_147, %get3A_32 : vector<16xi32>
      %sub3A_2251 = arith.constant 0 : i32
      %sub3A_2252 = vector.broadcast %sub3A_2251 : i32 to vector<16xi32>
      %sub3A_2253 = arith.subi %sub3A_2252, %xor3A_2250 : vector<16xi32>
      %and3A_2254 = arith.andi %and3A_2249, %sub3A_2253 : vector<16xi32>
      %xor3A_2255 = arith.xori %get3A_147, %get3A_37 : vector<16xi32>
      %sub3A_2256 = arith.constant 0 : i32
      %sub3A_2257 = vector.broadcast %sub3A_2256 : i32 to vector<16xi32>
      %sub3A_2258 = arith.subi %sub3A_2257, %xor3A_2255 : vector<16xi32>
      %and3A_2259 = arith.andi %and3A_2254, %sub3A_2258 : vector<16xi32>
      %xor3A_2260 = arith.xori %get3A_147, %get3A_42 : vector<16xi32>
      %sub3A_2261 = arith.constant 0 : i32
      %sub3A_2262 = vector.broadcast %sub3A_2261 : i32 to vector<16xi32>
      %sub3A_2263 = arith.subi %sub3A_2262, %xor3A_2260 : vector<16xi32>
      %and3A_2264 = arith.andi %and3A_2259, %sub3A_2263 : vector<16xi32>
      %xor3A_2265 = arith.xori %get3A_147, %get3A_47 : vector<16xi32>
      %sub3A_2266 = arith.constant 0 : i32
      %sub3A_2267 = vector.broadcast %sub3A_2266 : i32 to vector<16xi32>
      %sub3A_2268 = arith.subi %sub3A_2267, %xor3A_2265 : vector<16xi32>
      %and3A_2269 = arith.andi %and3A_2264, %sub3A_2268 : vector<16xi32>
      %xor3A_2270 = arith.xori %get3A_147, %get3A_52 : vector<16xi32>
      %sub3A_2271 = arith.constant 0 : i32
      %sub3A_2272 = vector.broadcast %sub3A_2271 : i32 to vector<16xi32>
      %sub3A_2273 = arith.subi %sub3A_2272, %xor3A_2270 : vector<16xi32>
      %and3A_2274 = arith.andi %and3A_2269, %sub3A_2273 : vector<16xi32>
      %xor3A_2275 = arith.xori %get3A_147, %get3A_57 : vector<16xi32>
      %sub3A_2276 = arith.constant 0 : i32
      %sub3A_2277 = vector.broadcast %sub3A_2276 : i32 to vector<16xi32>
      %sub3A_2278 = arith.subi %sub3A_2277, %xor3A_2275 : vector<16xi32>
      %and3A_2279 = arith.andi %and3A_2274, %sub3A_2278 : vector<16xi32>
      %xor3A_2280 = arith.xori %get3A_147, %get3A_62 : vector<16xi32>
      %sub3A_2281 = arith.constant 0 : i32
      %sub3A_2282 = vector.broadcast %sub3A_2281 : i32 to vector<16xi32>
      %sub3A_2283 = arith.subi %sub3A_2282, %xor3A_2280 : vector<16xi32>
      %and3A_2284 = arith.andi %and3A_2279, %sub3A_2283 : vector<16xi32>
      %xor3A_2285 = arith.xori %get3A_147, %get3A_67 : vector<16xi32>
      %sub3A_2286 = arith.constant 0 : i32
      %sub3A_2287 = vector.broadcast %sub3A_2286 : i32 to vector<16xi32>
      %sub3A_2288 = arith.subi %sub3A_2287, %xor3A_2285 : vector<16xi32>
      %and3A_2289 = arith.andi %and3A_2284, %sub3A_2288 : vector<16xi32>
      %xor3A_2290 = arith.xori %get3A_147, %get3A_72 : vector<16xi32>
      %sub3A_2291 = arith.constant 0 : i32
      %sub3A_2292 = vector.broadcast %sub3A_2291 : i32 to vector<16xi32>
      %sub3A_2293 = arith.subi %sub3A_2292, %xor3A_2290 : vector<16xi32>
      %and3A_2294 = arith.andi %and3A_2289, %sub3A_2293 : vector<16xi32>
      %xor3A_2295 = arith.xori %get3A_147, %get3A_77 : vector<16xi32>
      %sub3A_2296 = arith.constant 0 : i32
      %sub3A_2297 = vector.broadcast %sub3A_2296 : i32 to vector<16xi32>
      %sub3A_2298 = arith.subi %sub3A_2297, %xor3A_2295 : vector<16xi32>
      %and3A_2299 = arith.andi %and3A_2294, %sub3A_2298 : vector<16xi32>
      %xor3A_2300 = arith.xori %get3A_147, %get3A_82 : vector<16xi32>
      %sub3A_2301 = arith.constant 0 : i32
      %sub3A_2302 = vector.broadcast %sub3A_2301 : i32 to vector<16xi32>
      %sub3A_2303 = arith.subi %sub3A_2302, %xor3A_2300 : vector<16xi32>
      %and3A_2304 = arith.andi %and3A_2299, %sub3A_2303 : vector<16xi32>
      %xor3A_2305 = arith.xori %get3A_147, %get3A_87 : vector<16xi32>
      %sub3A_2306 = arith.constant 0 : i32
      %sub3A_2307 = vector.broadcast %sub3A_2306 : i32 to vector<16xi32>
      %sub3A_2308 = arith.subi %sub3A_2307, %xor3A_2305 : vector<16xi32>
      %and3A_2309 = arith.andi %and3A_2304, %sub3A_2308 : vector<16xi32>
      %xor3A_2310 = arith.xori %get3A_147, %get3A_92 : vector<16xi32>
      %sub3A_2311 = arith.constant 0 : i32
      %sub3A_2312 = vector.broadcast %sub3A_2311 : i32 to vector<16xi32>
      %sub3A_2313 = arith.subi %sub3A_2312, %xor3A_2310 : vector<16xi32>
      %and3A_2314 = arith.andi %and3A_2309, %sub3A_2313 : vector<16xi32>
      %xor3A_2315 = arith.xori %get3A_147, %get3A_97 : vector<16xi32>
      %sub3A_2316 = arith.constant 0 : i32
      %sub3A_2317 = vector.broadcast %sub3A_2316 : i32 to vector<16xi32>
      %sub3A_2318 = arith.subi %sub3A_2317, %xor3A_2315 : vector<16xi32>
      %and3A_2319 = arith.andi %and3A_2314, %sub3A_2318 : vector<16xi32>
      %xor3A_2320 = arith.xori %get3A_147, %get3A_102 : vector<16xi32>
      %sub3A_2321 = arith.constant 0 : i32
      %sub3A_2322 = vector.broadcast %sub3A_2321 : i32 to vector<16xi32>
      %sub3A_2323 = arith.subi %sub3A_2322, %xor3A_2320 : vector<16xi32>
      %and3A_2324 = arith.andi %and3A_2319, %sub3A_2323 : vector<16xi32>
      %xor3A_2325 = arith.xori %get3A_147, %get3A_107 : vector<16xi32>
      %sub3A_2326 = arith.constant 0 : i32
      %sub3A_2327 = vector.broadcast %sub3A_2326 : i32 to vector<16xi32>
      %sub3A_2328 = arith.subi %sub3A_2327, %xor3A_2325 : vector<16xi32>
      %and3A_2329 = arith.andi %and3A_2324, %sub3A_2328 : vector<16xi32>
      %xor3A_2330 = arith.xori %get3A_147, %get3A_112 : vector<16xi32>
      %sub3A_2331 = arith.constant 0 : i32
      %sub3A_2332 = vector.broadcast %sub3A_2331 : i32 to vector<16xi32>
      %sub3A_2333 = arith.subi %sub3A_2332, %xor3A_2330 : vector<16xi32>
      %and3A_2334 = arith.andi %and3A_2329, %sub3A_2333 : vector<16xi32>
      %xor3A_2335 = arith.xori %get3A_147, %get3A_117 : vector<16xi32>
      %sub3A_2336 = arith.constant 0 : i32
      %sub3A_2337 = vector.broadcast %sub3A_2336 : i32 to vector<16xi32>
      %sub3A_2338 = arith.subi %sub3A_2337, %xor3A_2335 : vector<16xi32>
      %and3A_2339 = arith.andi %and3A_2334, %sub3A_2338 : vector<16xi32>
      %xor3A_2340 = arith.xori %get3A_147, %get3A_122 : vector<16xi32>
      %sub3A_2341 = arith.constant 0 : i32
      %sub3A_2342 = vector.broadcast %sub3A_2341 : i32 to vector<16xi32>
      %sub3A_2343 = arith.subi %sub3A_2342, %xor3A_2340 : vector<16xi32>
      %and3A_2344 = arith.andi %and3A_2339, %sub3A_2343 : vector<16xi32>
      %xor3A_2345 = arith.xori %get3A_147, %get3A_127 : vector<16xi32>
      %sub3A_2346 = arith.constant 0 : i32
      %sub3A_2347 = vector.broadcast %sub3A_2346 : i32 to vector<16xi32>
      %sub3A_2348 = arith.subi %sub3A_2347, %xor3A_2345 : vector<16xi32>
      %and3A_2349 = arith.andi %and3A_2344, %sub3A_2348 : vector<16xi32>
      %xor3A_2350 = arith.xori %get3A_147, %get3A_132 : vector<16xi32>
      %sub3A_2351 = arith.constant 0 : i32
      %sub3A_2352 = vector.broadcast %sub3A_2351 : i32 to vector<16xi32>
      %sub3A_2353 = arith.subi %sub3A_2352, %xor3A_2350 : vector<16xi32>
      %and3A_2354 = arith.andi %and3A_2349, %sub3A_2353 : vector<16xi32>
      %xor3A_2355 = arith.xori %get3A_147, %get3A_137 : vector<16xi32>
      %sub3A_2356 = arith.constant 0 : i32
      %sub3A_2357 = vector.broadcast %sub3A_2356 : i32 to vector<16xi32>
      %sub3A_2358 = arith.subi %sub3A_2357, %xor3A_2355 : vector<16xi32>
      %and3A_2359 = arith.andi %and3A_2354, %sub3A_2358 : vector<16xi32>
      %xor3A_2360 = arith.xori %get3A_147, %get3A_142 : vector<16xi32>
      %sub3A_2361 = arith.constant 0 : i32
      %sub3A_2362 = vector.broadcast %sub3A_2361 : i32 to vector<16xi32>
      %sub3A_2363 = arith.subi %sub3A_2362, %xor3A_2360 : vector<16xi32>
      %and3A_2364 = arith.andi %and3A_2359, %sub3A_2363 : vector<16xi32>
      %lt3A_2365 = arith.constant 0 : i32
      %lt3A_2366 = vector.broadcast %lt3A_2365 : i32 to vector<16xi32>
      %lt3A_2367 = arith.cmpi slt, %and3A_2364, %lt3A_2366 : vector<16xi32>
      %jit3A_2368 = arith.constant 1.000000e+00 : f32
      %jit3A_2369 = arith.constant 0.000000e+00 : f32
      %broadcast_in_dim3A_2370 = vector.broadcast %jit3A_2368 : f32 to vector<16xf32>
      %broadcast_in_dim3A_2371 = vector.broadcast %jit3A_2369 : f32 to vector<16xf32>
      %select_n3A_2372 = arith.select %lt3A_2367, %broadcast_in_dim3A_2370, %broadcast_in_dim3A_2371 : vector<16xi1>, vector<16xf32>
      %swap3A_2373 = arith.constant 26 : i32
      %swap3A_2374 = arith.index_cast %swap3A_2373 : i32 to index
      %swap3A_2375 = arith.index_cast %mul3A_13 : i32 to index
      %swap3A_2376 = tpu.vector_load %arg5[%swap3A_2374, %swap3A_2375] {strides = array<i32>} : memref<32x256xf32, #tpu.memory_space<vmem>>, vector<1x16xf32>,
      %swap3A_2377 = vector.shape_cast %swap3A_2376 : vector<1x16xf32> to vector<16xf32>
      %swap3A_2378 = vector.shape_cast %select_n3A_2372 : vector<16xf32> to vector<1x16xf32>
      tpu.vector_store %arg5[%swap3A_2374, %swap3A_2375], %swap3A_2378 {strides = array<i32>} : memref<32x256xf32, #tpu.memory_space<vmem>>, vector<1x16xf32>,
      %sub3A_2379 = arith.constant 0 : i32
      %sub3A_2380 = vector.broadcast %sub3A_2379 : i32 to vector<16xi32>
      %sub3A_2381 = arith.subi %sub3A_2380, %get3A_152 : vector<16xi32>
      %xor3A_2382 = arith.xori %get3A_152, %get3A_17 : vector<16xi32>
      %sub3A_2383 = arith.constant 0 : i32
      %sub3A_2384 = vector.broadcast %sub3A_2383 : i32 to vector<16xi32>
      %sub3A_2385 = arith.subi %sub3A_2384, %xor3A_2382 : vector<16xi32>
      %and3A_2386 = arith.andi %sub3A_2381, %sub3A_2385 : vector<16xi32>
      %xor3A_2387 = arith.xori %get3A_152, %get3A_22 : vector<16xi32>
      %sub3A_2388 = arith.constant 0 : i32
      %sub3A_2389 = vector.broadcast %sub3A_2388 : i32 to vector<16xi32>
      %sub3A_2390 = arith.subi %sub3A_2389, %xor3A_2387 : vector<16xi32>
      %and3A_2391 = arith.andi %and3A_2386, %sub3A_2390 : vector<16xi32>
      %xor3A_2392 = arith.xori %get3A_152, %get3A_27 : vector<16xi32>
      %sub3A_2393 = arith.constant 0 : i32
      %sub3A_2394 = vector.broadcast %sub3A_2393 : i32 to vector<16xi32>
      %sub3A_2395 = arith.subi %sub3A_2394, %xor3A_2392 : vector<16xi32>
      %and3A_2396 = arith.andi %and3A_2391, %sub3A_2395 : vector<16xi32>
      %xor3A_2397 = arith.xori %get3A_152, %get3A_32 : vector<16xi32>
      %sub3A_2398 = arith.constant 0 : i32
      %sub3A_2399 = vector.broadcast %sub3A_2398 : i32 to vector<16xi32>
      %sub3A_2400 = arith.subi %sub3A_2399, %xor3A_2397 : vector<16xi32>
      %and3A_2401 = arith.andi %and3A_2396, %sub3A_2400 : vector<16xi32>
      %xor3A_2402 = arith.xori %get3A_152, %get3A_37 : vector<16xi32>
      %sub3A_2403 = arith.constant 0 : i32
      %sub3A_2404 = vector.broadcast %sub3A_2403 : i32 to vector<16xi32>
      %sub3A_2405 = arith.subi %sub3A_2404, %xor3A_2402 : vector<16xi32>
      %and3A_2406 = arith.andi %and3A_2401, %sub3A_2405 : vector<16xi32>
      %xor3A_2407 = arith.xori %get3A_152, %get3A_42 : vector<16xi32>
      %sub3A_2408 = arith.constant 0 : i32
      %sub3A_2409 = vector.broadcast %sub3A_2408 : i32 to vector<16xi32>
      %sub3A_2410 = arith.subi %sub3A_2409, %xor3A_2407 : vector<16xi32>
      %and3A_2411 = arith.andi %and3A_2406, %sub3A_2410 : vector<16xi32>
      %xor3A_2412 = arith.xori %get3A_152, %get3A_47 : vector<16xi32>
      %sub3A_2413 = arith.constant 0 : i32
      %sub3A_2414 = vector.broadcast %sub3A_2413 : i32 to vector<16xi32>
      %sub3A_2415 = arith.subi %sub3A_2414, %xor3A_2412 : vector<16xi32>
      %and3A_2416 = arith.andi %and3A_2411, %sub3A_2415 : vector<16xi32>
      %xor3A_2417 = arith.xori %get3A_152, %get3A_52 : vector<16xi32>
      %sub3A_2418 = arith.constant 0 : i32
      %sub3A_2419 = vector.broadcast %sub3A_2418 : i32 to vector<16xi32>
      %sub3A_2420 = arith.subi %sub3A_2419, %xor3A_2417 : vector<16xi32>
      %and3A_2421 = arith.andi %and3A_2416, %sub3A_2420 : vector<16xi32>
      %xor3A_2422 = arith.xori %get3A_152, %get3A_57 : vector<16xi32>
      %sub3A_2423 = arith.constant 0 : i32
      %sub3A_2424 = vector.broadcast %sub3A_2423 : i32 to vector<16xi32>
      %sub3A_2425 = arith.subi %sub3A_2424, %xor3A_2422 : vector<16xi32>
      %and3A_2426 = arith.andi %and3A_2421, %sub3A_2425 : vector<16xi32>
      %xor3A_2427 = arith.xori %get3A_152, %get3A_62 : vector<16xi32>
      %sub3A_2428 = arith.constant 0 : i32
      %sub3A_2429 = vector.broadcast %sub3A_2428 : i32 to vector<16xi32>
      %sub3A_2430 = arith.subi %sub3A_2429, %xor3A_2427 : vector<16xi32>
      %and3A_2431 = arith.andi %and3A_2426, %sub3A_2430 : vector<16xi32>
      %xor3A_2432 = arith.xori %get3A_152, %get3A_67 : vector<16xi32>
      %sub3A_2433 = arith.constant 0 : i32
      %sub3A_2434 = vector.broadcast %sub3A_2433 : i32 to vector<16xi32>
      %sub3A_2435 = arith.subi %sub3A_2434, %xor3A_2432 : vector<16xi32>
      %and3A_2436 = arith.andi %and3A_2431, %sub3A_2435 : vector<16xi32>
      %xor3A_2437 = arith.xori %get3A_152, %get3A_72 : vector<16xi32>
      %sub3A_2438 = arith.constant 0 : i32
      %sub3A_2439 = vector.broadcast %sub3A_2438 : i32 to vector<16xi32>
      %sub3A_2440 = arith.subi %sub3A_2439, %xor3A_2437 : vector<16xi32>
      %and3A_2441 = arith.andi %and3A_2436, %sub3A_2440 : vector<16xi32>
      %xor3A_2442 = arith.xori %get3A_152, %get3A_77 : vector<16xi32>
      %sub3A_2443 = arith.constant 0 : i32
      %sub3A_2444 = vector.broadcast %sub3A_2443 : i32 to vector<16xi32>
      %sub3A_2445 = arith.subi %sub3A_2444, %xor3A_2442 : vector<16xi32>
      %and3A_2446 = arith.andi %and3A_2441, %sub3A_2445 : vector<16xi32>
      %xor3A_2447 = arith.xori %get3A_152, %get3A_82 : vector<16xi32>
      %sub3A_2448 = arith.constant 0 : i32
      %sub3A_2449 = vector.broadcast %sub3A_2448 : i32 to vector<16xi32>
      %sub3A_2450 = arith.subi %sub3A_2449, %xor3A_2447 : vector<16xi32>
      %and3A_2451 = arith.andi %and3A_2446, %sub3A_2450 : vector<16xi32>
      %xor3A_2452 = arith.xori %get3A_152, %get3A_87 : vector<16xi32>
      %sub3A_2453 = arith.constant 0 : i32
      %sub3A_2454 = vector.broadcast %sub3A_2453 : i32 to vector<16xi32>
      %sub3A_2455 = arith.subi %sub3A_2454, %xor3A_2452 : vector<16xi32>
      %and3A_2456 = arith.andi %and3A_2451, %sub3A_2455 : vector<16xi32>
      %xor3A_2457 = arith.xori %get3A_152, %get3A_92 : vector<16xi32>
      %sub3A_2458 = arith.constant 0 : i32
      %sub3A_2459 = vector.broadcast %sub3A_2458 : i32 to vector<16xi32>
      %sub3A_2460 = arith.subi %sub3A_2459, %xor3A_2457 : vector<16xi32>
      %and3A_2461 = arith.andi %and3A_2456, %sub3A_2460 : vector<16xi32>
      %xor3A_2462 = arith.xori %get3A_152, %get3A_97 : vector<16xi32>
      %sub3A_2463 = arith.constant 0 : i32
      %sub3A_2464 = vector.broadcast %sub3A_2463 : i32 to vector<16xi32>
      %sub3A_2465 = arith.subi %sub3A_2464, %xor3A_2462 : vector<16xi32>
      %and3A_2466 = arith.andi %and3A_2461, %sub3A_2465 : vector<16xi32>
      %xor3A_2467 = arith.xori %get3A_152, %get3A_102 : vector<16xi32>
      %sub3A_2468 = arith.constant 0 : i32
      %sub3A_2469 = vector.broadcast %sub3A_2468 : i32 to vector<16xi32>
      %sub3A_2470 = arith.subi %sub3A_2469, %xor3A_2467 : vector<16xi32>
      %and3A_2471 = arith.andi %and3A_2466, %sub3A_2470 : vector<16xi32>
      %xor3A_2472 = arith.xori %get3A_152, %get3A_107 : vector<16xi32>
      %sub3A_2473 = arith.constant 0 : i32
      %sub3A_2474 = vector.broadcast %sub3A_2473 : i32 to vector<16xi32>
      %sub3A_2475 = arith.subi %sub3A_2474, %xor3A_2472 : vector<16xi32>
      %and3A_2476 = arith.andi %and3A_2471, %sub3A_2475 : vector<16xi32>
      %xor3A_2477 = arith.xori %get3A_152, %get3A_112 : vector<16xi32>
      %sub3A_2478 = arith.constant 0 : i32
      %sub3A_2479 = vector.broadcast %sub3A_2478 : i32 to vector<16xi32>
      %sub3A_2480 = arith.subi %sub3A_2479, %xor3A_2477 : vector<16xi32>
      %and3A_2481 = arith.andi %and3A_2476, %sub3A_2480 : vector<16xi32>
      %xor3A_2482 = arith.xori %get3A_152, %get3A_117 : vector<16xi32>
      %sub3A_2483 = arith.constant 0 : i32
      %sub3A_2484 = vector.broadcast %sub3A_2483 : i32 to vector<16xi32>
      %sub3A_2485 = arith.subi %sub3A_2484, %xor3A_2482 : vector<16xi32>
      %and3A_2486 = arith.andi %and3A_2481, %sub3A_2485 : vector<16xi32>
      %xor3A_2487 = arith.xori %get3A_152, %get3A_122 : vector<16xi32>
      %sub3A_2488 = arith.constant 0 : i32
      %sub3A_2489 = vector.broadcast %sub3A_2488 : i32 to vector<16xi32>
      %sub3A_2490 = arith.subi %sub3A_2489, %xor3A_2487 : vector<16xi32>
      %and3A_2491 = arith.andi %and3A_2486, %sub3A_2490 : vector<16xi32>
      %xor3A_2492 = arith.xori %get3A_152, %get3A_127 : vector<16xi32>
      %sub3A_2493 = arith.constant 0 : i32
      %sub3A_2494 = vector.broadcast %sub3A_2493 : i32 to vector<16xi32>
      %sub3A_2495 = arith.subi %sub3A_2494, %xor3A_2492 : vector<16xi32>
      %and3A_2496 = arith.andi %and3A_2491, %sub3A_2495 : vector<16xi32>
      %xor3A_2497 = arith.xori %get3A_152, %get3A_132 : vector<16xi32>
      %sub3A_2498 = arith.constant 0 : i32
      %sub3A_2499 = vector.broadcast %sub3A_2498 : i32 to vector<16xi32>
      %sub3A_2500 = arith.subi %sub3A_2499, %xor3A_2497 : vector<16xi32>
      %and3A_2501 = arith.andi %and3A_2496, %sub3A_2500 : vector<16xi32>
      %xor3A_2502 = arith.xori %get3A_152, %get3A_137 : vector<16xi32>
      %sub3A_2503 = arith.constant 0 : i32
      %sub3A_2504 = vector.broadcast %sub3A_2503 : i32 to vector<16xi32>
      %sub3A_2505 = arith.subi %sub3A_2504, %xor3A_2502 : vector<16xi32>
      %and3A_2506 = arith.andi %and3A_2501, %sub3A_2505 : vector<16xi32>
      %xor3A_2507 = arith.xori %get3A_152, %get3A_142 : vector<16xi32>
      %sub3A_2508 = arith.constant 0 : i32
      %sub3A_2509 = vector.broadcast %sub3A_2508 : i32 to vector<16xi32>
      %sub3A_2510 = arith.subi %sub3A_2509, %xor3A_2507 : vector<16xi32>
      %and3A_2511 = arith.andi %and3A_2506, %sub3A_2510 : vector<16xi32>
      %xor3A_2512 = arith.xori %get3A_152, %get3A_147 : vector<16xi32>
      %sub3A_2513 = arith.constant 0 : i32
      %sub3A_2514 = vector.broadcast %sub3A_2513 : i32 to vector<16xi32>
      %sub3A_2515 = arith.subi %sub3A_2514, %xor3A_2512 : vector<16xi32>
      %and3A_2516 = arith.andi %and3A_2511, %sub3A_2515 : vector<16xi32>
      %lt3A_2517 = arith.constant 0 : i32
      %lt3A_2518 = vector.broadcast %lt3A_2517 : i32 to vector<16xi32>
      %lt3A_2519 = arith.cmpi slt, %and3A_2516, %lt3A_2518 : vector<16xi32>
      %jit3A_2520 = arith.constant 1.000000e+00 : f32
      %jit3A_2521 = arith.constant 0.000000e+00 : f32
      %broadcast_in_dim3A_2522 = vector.broadcast %jit3A_2520 : f32 to vector<16xf32>
      %broadcast_in_dim3A_2523 = vector.broadcast %jit3A_2521 : f32 to vector<16xf32>
      %select_n3A_2524 = arith.select %lt3A_2519, %broadcast_in_dim3A_2522, %broadcast_in_dim3A_2523 : vector<16xi1>, vector<16xf32>
      %swap3A_2525 = arith.constant 27 : i32
      %swap3A_2526 = arith.index_cast %swap3A_2525 : i32 to index
      %swap3A_2527 = arith.index_cast %mul3A_13 : i32 to index
      %swap3A_2528 = tpu.vector_load %arg5[%swap3A_2526, %swap3A_2527] {strides = array<i32>} : memref<32x256xf32, #tpu.memory_space<vmem>>, vector<1x16xf32>,
      %swap3A_2529 = vector.shape_cast %swap3A_2528 : vector<1x16xf32> to vector<16xf32>
      %swap3A_2530 = vector.shape_cast %select_n3A_2524 : vector<16xf32> to vector<1x16xf32>
      tpu.vector_store %arg5[%swap3A_2526, %swap3A_2527], %swap3A_2530 {strides = array<i32>} : memref<32x256xf32, #tpu.memory_space<vmem>>, vector<1x16xf32>,
      %sub3A_2531 = arith.constant 0 : i32
      %sub3A_2532 = vector.broadcast %sub3A_2531 : i32 to vector<16xi32>
      %sub3A_2533 = arith.subi %sub3A_2532, %get3A_157 : vector<16xi32>
      %xor3A_2534 = arith.xori %get3A_157, %get3A_17 : vector<16xi32>
      %sub3A_2535 = arith.constant 0 : i32
      %sub3A_2536 = vector.broadcast %sub3A_2535 : i32 to vector<16xi32>
      %sub3A_2537 = arith.subi %sub3A_2536, %xor3A_2534 : vector<16xi32>
      %and3A_2538 = arith.andi %sub3A_2533, %sub3A_2537 : vector<16xi32>
      %xor3A_2539 = arith.xori %get3A_157, %get3A_22 : vector<16xi32>
      %sub3A_2540 = arith.constant 0 : i32
      %sub3A_2541 = vector.broadcast %sub3A_2540 : i32 to vector<16xi32>
      %sub3A_2542 = arith.subi %sub3A_2541, %xor3A_2539 : vector<16xi32>
      %and3A_2543 = arith.andi %and3A_2538, %sub3A_2542 : vector<16xi32>
      %xor3A_2544 = arith.xori %get3A_157, %get3A_27 : vector<16xi32>
      %sub3A_2545 = arith.constant 0 : i32
      %sub3A_2546 = vector.broadcast %sub3A_2545 : i32 to vector<16xi32>
      %sub3A_2547 = arith.subi %sub3A_2546, %xor3A_2544 : vector<16xi32>
      %and3A_2548 = arith.andi %and3A_2543, %sub3A_2547 : vector<16xi32>
      %xor3A_2549 = arith.xori %get3A_157, %get3A_32 : vector<16xi32>
      %sub3A_2550 = arith.constant 0 : i32
      %sub3A_2551 = vector.broadcast %sub3A_2550 : i32 to vector<16xi32>
      %sub3A_2552 = arith.subi %sub3A_2551, %xor3A_2549 : vector<16xi32>
      %and3A_2553 = arith.andi %and3A_2548, %sub3A_2552 : vector<16xi32>
      %xor3A_2554 = arith.xori %get3A_157, %get3A_37 : vector<16xi32>
      %sub3A_2555 = arith.constant 0 : i32
      %sub3A_2556 = vector.broadcast %sub3A_2555 : i32 to vector<16xi32>
      %sub3A_2557 = arith.subi %sub3A_2556, %xor3A_2554 : vector<16xi32>
      %and3A_2558 = arith.andi %and3A_2553, %sub3A_2557 : vector<16xi32>
      %xor3A_2559 = arith.xori %get3A_157, %get3A_42 : vector<16xi32>
      %sub3A_2560 = arith.constant 0 : i32
      %sub3A_2561 = vector.broadcast %sub3A_2560 : i32 to vector<16xi32>
      %sub3A_2562 = arith.subi %sub3A_2561, %xor3A_2559 : vector<16xi32>
      %and3A_2563 = arith.andi %and3A_2558, %sub3A_2562 : vector<16xi32>
      %xor3A_2564 = arith.xori %get3A_157, %get3A_47 : vector<16xi32>
      %sub3A_2565 = arith.constant 0 : i32
      %sub3A_2566 = vector.broadcast %sub3A_2565 : i32 to vector<16xi32>
      %sub3A_2567 = arith.subi %sub3A_2566, %xor3A_2564 : vector<16xi32>
      %and3A_2568 = arith.andi %and3A_2563, %sub3A_2567 : vector<16xi32>
      %xor3A_2569 = arith.xori %get3A_157, %get3A_52 : vector<16xi32>
      %sub3A_2570 = arith.constant 0 : i32
      %sub3A_2571 = vector.broadcast %sub3A_2570 : i32 to vector<16xi32>
      %sub3A_2572 = arith.subi %sub3A_2571, %xor3A_2569 : vector<16xi32>
      %and3A_2573 = arith.andi %and3A_2568, %sub3A_2572 : vector<16xi32>
      %xor3A_2574 = arith.xori %get3A_157, %get3A_57 : vector<16xi32>
      %sub3A_2575 = arith.constant 0 : i32
      %sub3A_2576 = vector.broadcast %sub3A_2575 : i32 to vector<16xi32>
      %sub3A_2577 = arith.subi %sub3A_2576, %xor3A_2574 : vector<16xi32>
      %and3A_2578 = arith.andi %and3A_2573, %sub3A_2577 : vector<16xi32>
      %xor3A_2579 = arith.xori %get3A_157, %get3A_62 : vector<16xi32>
      %sub3A_2580 = arith.constant 0 : i32
      %sub3A_2581 = vector.broadcast %sub3A_2580 : i32 to vector<16xi32>
      %sub3A_2582 = arith.subi %sub3A_2581, %xor3A_2579 : vector<16xi32>
      %and3A_2583 = arith.andi %and3A_2578, %sub3A_2582 : vector<16xi32>
      %xor3A_2584 = arith.xori %get3A_157, %get3A_67 : vector<16xi32>
      %sub3A_2585 = arith.constant 0 : i32
      %sub3A_2586 = vector.broadcast %sub3A_2585 : i32 to vector<16xi32>
      %sub3A_2587 = arith.subi %sub3A_2586, %xor3A_2584 : vector<16xi32>
      %and3A_2588 = arith.andi %and3A_2583, %sub3A_2587 : vector<16xi32>
      %xor3A_2589 = arith.xori %get3A_157, %get3A_72 : vector<16xi32>
      %sub3A_2590 = arith.constant 0 : i32
      %sub3A_2591 = vector.broadcast %sub3A_2590 : i32 to vector<16xi32>
      %sub3A_2592 = arith.subi %sub3A_2591, %xor3A_2589 : vector<16xi32>
      %and3A_2593 = arith.andi %and3A_2588, %sub3A_2592 : vector<16xi32>
      %xor3A_2594 = arith.xori %get3A_157, %get3A_77 : vector<16xi32>
      %sub3A_2595 = arith.constant 0 : i32
      %sub3A_2596 = vector.broadcast %sub3A_2595 : i32 to vector<16xi32>
      %sub3A_2597 = arith.subi %sub3A_2596, %xor3A_2594 : vector<16xi32>
      %and3A_2598 = arith.andi %and3A_2593, %sub3A_2597 : vector<16xi32>
      %xor3A_2599 = arith.xori %get3A_157, %get3A_82 : vector<16xi32>
      %sub3A_2600 = arith.constant 0 : i32
      %sub3A_2601 = vector.broadcast %sub3A_2600 : i32 to vector<16xi32>
      %sub3A_2602 = arith.subi %sub3A_2601, %xor3A_2599 : vector<16xi32>
      %and3A_2603 = arith.andi %and3A_2598, %sub3A_2602 : vector<16xi32>
      %xor3A_2604 = arith.xori %get3A_157, %get3A_87 : vector<16xi32>
      %sub3A_2605 = arith.constant 0 : i32
      %sub3A_2606 = vector.broadcast %sub3A_2605 : i32 to vector<16xi32>
      %sub3A_2607 = arith.subi %sub3A_2606, %xor3A_2604 : vector<16xi32>
      %and3A_2608 = arith.andi %and3A_2603, %sub3A_2607 : vector<16xi32>
      %xor3A_2609 = arith.xori %get3A_157, %get3A_92 : vector<16xi32>
      %sub3A_2610 = arith.constant 0 : i32
      %sub3A_2611 = vector.broadcast %sub3A_2610 : i32 to vector<16xi32>
      %sub3A_2612 = arith.subi %sub3A_2611, %xor3A_2609 : vector<16xi32>
      %and3A_2613 = arith.andi %and3A_2608, %sub3A_2612 : vector<16xi32>
      %xor3A_2614 = arith.xori %get3A_157, %get3A_97 : vector<16xi32>
      %sub3A_2615 = arith.constant 0 : i32
      %sub3A_2616 = vector.broadcast %sub3A_2615 : i32 to vector<16xi32>
      %sub3A_2617 = arith.subi %sub3A_2616, %xor3A_2614 : vector<16xi32>
      %and3A_2618 = arith.andi %and3A_2613, %sub3A_2617 : vector<16xi32>
      %xor3A_2619 = arith.xori %get3A_157, %get3A_102 : vector<16xi32>
      %sub3A_2620 = arith.constant 0 : i32
      %sub3A_2621 = vector.broadcast %sub3A_2620 : i32 to vector<16xi32>
      %sub3A_2622 = arith.subi %sub3A_2621, %xor3A_2619 : vector<16xi32>
      %and3A_2623 = arith.andi %and3A_2618, %sub3A_2622 : vector<16xi32>
      %xor3A_2624 = arith.xori %get3A_157, %get3A_107 : vector<16xi32>
      %sub3A_2625 = arith.constant 0 : i32
      %sub3A_2626 = vector.broadcast %sub3A_2625 : i32 to vector<16xi32>
      %sub3A_2627 = arith.subi %sub3A_2626, %xor3A_2624 : vector<16xi32>
      %and3A_2628 = arith.andi %and3A_2623, %sub3A_2627 : vector<16xi32>
      %xor3A_2629 = arith.xori %get3A_157, %get3A_112 : vector<16xi32>
      %sub3A_2630 = arith.constant 0 : i32
      %sub3A_2631 = vector.broadcast %sub3A_2630 : i32 to vector<16xi32>
      %sub3A_2632 = arith.subi %sub3A_2631, %xor3A_2629 : vector<16xi32>
      %and3A_2633 = arith.andi %and3A_2628, %sub3A_2632 : vector<16xi32>
      %xor3A_2634 = arith.xori %get3A_157, %get3A_117 : vector<16xi32>
      %sub3A_2635 = arith.constant 0 : i32
      %sub3A_2636 = vector.broadcast %sub3A_2635 : i32 to vector<16xi32>
      %sub3A_2637 = arith.subi %sub3A_2636, %xor3A_2634 : vector<16xi32>
      %and3A_2638 = arith.andi %and3A_2633, %sub3A_2637 : vector<16xi32>
      %xor3A_2639 = arith.xori %get3A_157, %get3A_122 : vector<16xi32>
      %sub3A_2640 = arith.constant 0 : i32
      %sub3A_2641 = vector.broadcast %sub3A_2640 : i32 to vector<16xi32>
      %sub3A_2642 = arith.subi %sub3A_2641, %xor3A_2639 : vector<16xi32>
      %and3A_2643 = arith.andi %and3A_2638, %sub3A_2642 : vector<16xi32>
      %xor3A_2644 = arith.xori %get3A_157, %get3A_127 : vector<16xi32>
      %sub3A_2645 = arith.constant 0 : i32
      %sub3A_2646 = vector.broadcast %sub3A_2645 : i32 to vector<16xi32>
      %sub3A_2647 = arith.subi %sub3A_2646, %xor3A_2644 : vector<16xi32>
      %and3A_2648 = arith.andi %and3A_2643, %sub3A_2647 : vector<16xi32>
      %xor3A_2649 = arith.xori %get3A_157, %get3A_132 : vector<16xi32>
      %sub3A_2650 = arith.constant 0 : i32
      %sub3A_2651 = vector.broadcast %sub3A_2650 : i32 to vector<16xi32>
      %sub3A_2652 = arith.subi %sub3A_2651, %xor3A_2649 : vector<16xi32>
      %and3A_2653 = arith.andi %and3A_2648, %sub3A_2652 : vector<16xi32>
      %xor3A_2654 = arith.xori %get3A_157, %get3A_137 : vector<16xi32>
      %sub3A_2655 = arith.constant 0 : i32
      %sub3A_2656 = vector.broadcast %sub3A_2655 : i32 to vector<16xi32>
      %sub3A_2657 = arith.subi %sub3A_2656, %xor3A_2654 : vector<16xi32>
      %and3A_2658 = arith.andi %and3A_2653, %sub3A_2657 : vector<16xi32>
      %xor3A_2659 = arith.xori %get3A_157, %get3A_142 : vector<16xi32>
      %sub3A_2660 = arith.constant 0 : i32
      %sub3A_2661 = vector.broadcast %sub3A_2660 : i32 to vector<16xi32>
      %sub3A_2662 = arith.subi %sub3A_2661, %xor3A_2659 : vector<16xi32>
      %and3A_2663 = arith.andi %and3A_2658, %sub3A_2662 : vector<16xi32>
      %xor3A_2664 = arith.xori %get3A_157, %get3A_147 : vector<16xi32>
      %sub3A_2665 = arith.constant 0 : i32
      %sub3A_2666 = vector.broadcast %sub3A_2665 : i32 to vector<16xi32>
      %sub3A_2667 = arith.subi %sub3A_2666, %xor3A_2664 : vector<16xi32>
      %and3A_2668 = arith.andi %and3A_2663, %sub3A_2667 : vector<16xi32>
      %xor3A_2669 = arith.xori %get3A_157, %get3A_152 : vector<16xi32>
      %sub3A_2670 = arith.constant 0 : i32
      %sub3A_2671 = vector.broadcast %sub3A_2670 : i32 to vector<16xi32>
      %sub3A_2672 = arith.subi %sub3A_2671, %xor3A_2669 : vector<16xi32>
      %and3A_2673 = arith.andi %and3A_2668, %sub3A_2672 : vector<16xi32>
      %lt3A_2674 = arith.constant 0 : i32
      %lt3A_2675 = vector.broadcast %lt3A_2674 : i32 to vector<16xi32>
      %lt3A_2676 = arith.cmpi slt, %and3A_2673, %lt3A_2675 : vector<16xi32>
      %jit3A_2677 = arith.constant 1.000000e+00 : f32
      %jit3A_2678 = arith.constant 0.000000e+00 : f32
      %broadcast_in_dim3A_2679 = vector.broadcast %jit3A_2677 : f32 to vector<16xf32>
      %broadcast_in_dim3A_2680 = vector.broadcast %jit3A_2678 : f32 to vector<16xf32>
      %select_n3A_2681 = arith.select %lt3A_2676, %broadcast_in_dim3A_2679, %broadcast_in_dim3A_2680 : vector<16xi1>, vector<16xf32>
      %swap3A_2682 = arith.constant 28 : i32
      %swap3A_2683 = arith.index_cast %swap3A_2682 : i32 to index
      %swap3A_2684 = arith.index_cast %mul3A_13 : i32 to index
      %swap3A_2685 = tpu.vector_load %arg5[%swap3A_2683, %swap3A_2684] {strides = array<i32>} : memref<32x256xf32, #tpu.memory_space<vmem>>, vector<1x16xf32>,
      %swap3A_2686 = vector.shape_cast %swap3A_2685 : vector<1x16xf32> to vector<16xf32>
      %swap3A_2687 = vector.shape_cast %select_n3A_2681 : vector<16xf32> to vector<1x16xf32>
      tpu.vector_store %arg5[%swap3A_2683, %swap3A_2684], %swap3A_2687 {strides = array<i32>} : memref<32x256xf32, #tpu.memory_space<vmem>>, vector<1x16xf32>,
      %sub3A_2688 = arith.constant 0 : i32
      %sub3A_2689 = vector.broadcast %sub3A_2688 : i32 to vector<16xi32>
      %sub3A_2690 = arith.subi %sub3A_2689, %get3A_162 : vector<16xi32>
      %xor3A_2691 = arith.xori %get3A_162, %get3A_17 : vector<16xi32>
      %sub3A_2692 = arith.constant 0 : i32
      %sub3A_2693 = vector.broadcast %sub3A_2692 : i32 to vector<16xi32>
      %sub3A_2694 = arith.subi %sub3A_2693, %xor3A_2691 : vector<16xi32>
      %and3A_2695 = arith.andi %sub3A_2690, %sub3A_2694 : vector<16xi32>
      %xor3A_2696 = arith.xori %get3A_162, %get3A_22 : vector<16xi32>
      %sub3A_2697 = arith.constant 0 : i32
      %sub3A_2698 = vector.broadcast %sub3A_2697 : i32 to vector<16xi32>
      %sub3A_2699 = arith.subi %sub3A_2698, %xor3A_2696 : vector<16xi32>
      %and3A_2700 = arith.andi %and3A_2695, %sub3A_2699 : vector<16xi32>
      %xor3A_2701 = arith.xori %get3A_162, %get3A_27 : vector<16xi32>
      %sub3A_2702 = arith.constant 0 : i32
      %sub3A_2703 = vector.broadcast %sub3A_2702 : i32 to vector<16xi32>
      %sub3A_2704 = arith.subi %sub3A_2703, %xor3A_2701 : vector<16xi32>
      %and3A_2705 = arith.andi %and3A_2700, %sub3A_2704 : vector<16xi32>
      %xor3A_2706 = arith.xori %get3A_162, %get3A_32 : vector<16xi32>
      %sub3A_2707 = arith.constant 0 : i32
      %sub3A_2708 = vector.broadcast %sub3A_2707 : i32 to vector<16xi32>
      %sub3A_2709 = arith.subi %sub3A_2708, %xor3A_2706 : vector<16xi32>
      %and3A_2710 = arith.andi %and3A_2705, %sub3A_2709 : vector<16xi32>
      %xor3A_2711 = arith.xori %get3A_162, %get3A_37 : vector<16xi32>
      %sub3A_2712 = arith.constant 0 : i32
      %sub3A_2713 = vector.broadcast %sub3A_2712 : i32 to vector<16xi32>
      %sub3A_2714 = arith.subi %sub3A_2713, %xor3A_2711 : vector<16xi32>
      %and3A_2715 = arith.andi %and3A_2710, %sub3A_2714 : vector<16xi32>
      %xor3A_2716 = arith.xori %get3A_162, %get3A_42 : vector<16xi32>
      %sub3A_2717 = arith.constant 0 : i32
      %sub3A_2718 = vector.broadcast %sub3A_2717 : i32 to vector<16xi32>
      %sub3A_2719 = arith.subi %sub3A_2718, %xor3A_2716 : vector<16xi32>
      %and3A_2720 = arith.andi %and3A_2715, %sub3A_2719 : vector<16xi32>
      %xor3A_2721 = arith.xori %get3A_162, %get3A_47 : vector<16xi32>
      %sub3A_2722 = arith.constant 0 : i32
      %sub3A_2723 = vector.broadcast %sub3A_2722 : i32 to vector<16xi32>
      %sub3A_2724 = arith.subi %sub3A_2723, %xor3A_2721 : vector<16xi32>
      %and3A_2725 = arith.andi %and3A_2720, %sub3A_2724 : vector<16xi32>
      %xor3A_2726 = arith.xori %get3A_162, %get3A_52 : vector<16xi32>
      %sub3A_2727 = arith.constant 0 : i32
      %sub3A_2728 = vector.broadcast %sub3A_2727 : i32 to vector<16xi32>
      %sub3A_2729 = arith.subi %sub3A_2728, %xor3A_2726 : vector<16xi32>
      %and3A_2730 = arith.andi %and3A_2725, %sub3A_2729 : vector<16xi32>
      %xor3A_2731 = arith.xori %get3A_162, %get3A_57 : vector<16xi32>
      %sub3A_2732 = arith.constant 0 : i32
      %sub3A_2733 = vector.broadcast %sub3A_2732 : i32 to vector<16xi32>
      %sub3A_2734 = arith.subi %sub3A_2733, %xor3A_2731 : vector<16xi32>
      %and3A_2735 = arith.andi %and3A_2730, %sub3A_2734 : vector<16xi32>
      %xor3A_2736 = arith.xori %get3A_162, %get3A_62 : vector<16xi32>
      %sub3A_2737 = arith.constant 0 : i32
      %sub3A_2738 = vector.broadcast %sub3A_2737 : i32 to vector<16xi32>
      %sub3A_2739 = arith.subi %sub3A_2738, %xor3A_2736 : vector<16xi32>
      %and3A_2740 = arith.andi %and3A_2735, %sub3A_2739 : vector<16xi32>
      %xor3A_2741 = arith.xori %get3A_162, %get3A_67 : vector<16xi32>
      %sub3A_2742 = arith.constant 0 : i32
      %sub3A_2743 = vector.broadcast %sub3A_2742 : i32 to vector<16xi32>
      %sub3A_2744 = arith.subi %sub3A_2743, %xor3A_2741 : vector<16xi32>
      %and3A_2745 = arith.andi %and3A_2740, %sub3A_2744 : vector<16xi32>
      %xor3A_2746 = arith.xori %get3A_162, %get3A_72 : vector<16xi32>
      %sub3A_2747 = arith.constant 0 : i32
      %sub3A_2748 = vector.broadcast %sub3A_2747 : i32 to vector<16xi32>
      %sub3A_2749 = arith.subi %sub3A_2748, %xor3A_2746 : vector<16xi32>
      %and3A_2750 = arith.andi %and3A_2745, %sub3A_2749 : vector<16xi32>
      %xor3A_2751 = arith.xori %get3A_162, %get3A_77 : vector<16xi32>
      %sub3A_2752 = arith.constant 0 : i32
      %sub3A_2753 = vector.broadcast %sub3A_2752 : i32 to vector<16xi32>
      %sub3A_2754 = arith.subi %sub3A_2753, %xor3A_2751 : vector<16xi32>
      %and3A_2755 = arith.andi %and3A_2750, %sub3A_2754 : vector<16xi32>
      %xor3A_2756 = arith.xori %get3A_162, %get3A_82 : vector<16xi32>
      %sub3A_2757 = arith.constant 0 : i32
      %sub3A_2758 = vector.broadcast %sub3A_2757 : i32 to vector<16xi32>
      %sub3A_2759 = arith.subi %sub3A_2758, %xor3A_2756 : vector<16xi32>
      %and3A_2760 = arith.andi %and3A_2755, %sub3A_2759 : vector<16xi32>
      %xor3A_2761 = arith.xori %get3A_162, %get3A_87 : vector<16xi32>
      %sub3A_2762 = arith.constant 0 : i32
      %sub3A_2763 = vector.broadcast %sub3A_2762 : i32 to vector<16xi32>
      %sub3A_2764 = arith.subi %sub3A_2763, %xor3A_2761 : vector<16xi32>
      %and3A_2765 = arith.andi %and3A_2760, %sub3A_2764 : vector<16xi32>
      %xor3A_2766 = arith.xori %get3A_162, %get3A_92 : vector<16xi32>
      %sub3A_2767 = arith.constant 0 : i32
      %sub3A_2768 = vector.broadcast %sub3A_2767 : i32 to vector<16xi32>
      %sub3A_2769 = arith.subi %sub3A_2768, %xor3A_2766 : vector<16xi32>
      %and3A_2770 = arith.andi %and3A_2765, %sub3A_2769 : vector<16xi32>
      %xor3A_2771 = arith.xori %get3A_162, %get3A_97 : vector<16xi32>
      %sub3A_2772 = arith.constant 0 : i32
      %sub3A_2773 = vector.broadcast %sub3A_2772 : i32 to vector<16xi32>
      %sub3A_2774 = arith.subi %sub3A_2773, %xor3A_2771 : vector<16xi32>
      %and3A_2775 = arith.andi %and3A_2770, %sub3A_2774 : vector<16xi32>
      %xor3A_2776 = arith.xori %get3A_162, %get3A_102 : vector<16xi32>
      %sub3A_2777 = arith.constant 0 : i32
      %sub3A_2778 = vector.broadcast %sub3A_2777 : i32 to vector<16xi32>
      %sub3A_2779 = arith.subi %sub3A_2778, %xor3A_2776 : vector<16xi32>
      %and3A_2780 = arith.andi %and3A_2775, %sub3A_2779 : vector<16xi32>
      %xor3A_2781 = arith.xori %get3A_162, %get3A_107 : vector<16xi32>
      %sub3A_2782 = arith.constant 0 : i32
      %sub3A_2783 = vector.broadcast %sub3A_2782 : i32 to vector<16xi32>
      %sub3A_2784 = arith.subi %sub3A_2783, %xor3A_2781 : vector<16xi32>
      %and3A_2785 = arith.andi %and3A_2780, %sub3A_2784 : vector<16xi32>
      %xor3A_2786 = arith.xori %get3A_162, %get3A_112 : vector<16xi32>
      %sub3A_2787 = arith.constant 0 : i32
      %sub3A_2788 = vector.broadcast %sub3A_2787 : i32 to vector<16xi32>
      %sub3A_2789 = arith.subi %sub3A_2788, %xor3A_2786 : vector<16xi32>
      %and3A_2790 = arith.andi %and3A_2785, %sub3A_2789 : vector<16xi32>
      %xor3A_2791 = arith.xori %get3A_162, %get3A_117 : vector<16xi32>
      %sub3A_2792 = arith.constant 0 : i32
      %sub3A_2793 = vector.broadcast %sub3A_2792 : i32 to vector<16xi32>
      %sub3A_2794 = arith.subi %sub3A_2793, %xor3A_2791 : vector<16xi32>
      %and3A_2795 = arith.andi %and3A_2790, %sub3A_2794 : vector<16xi32>
      %xor3A_2796 = arith.xori %get3A_162, %get3A_122 : vector<16xi32>
      %sub3A_2797 = arith.constant 0 : i32
      %sub3A_2798 = vector.broadcast %sub3A_2797 : i32 to vector<16xi32>
      %sub3A_2799 = arith.subi %sub3A_2798, %xor3A_2796 : vector<16xi32>
      %and3A_2800 = arith.andi %and3A_2795, %sub3A_2799 : vector<16xi32>
      %xor3A_2801 = arith.xori %get3A_162, %get3A_127 : vector<16xi32>
      %sub3A_2802 = arith.constant 0 : i32
      %sub3A_2803 = vector.broadcast %sub3A_2802 : i32 to vector<16xi32>
      %sub3A_2804 = arith.subi %sub3A_2803, %xor3A_2801 : vector<16xi32>
      %and3A_2805 = arith.andi %and3A_2800, %sub3A_2804 : vector<16xi32>
      %xor3A_2806 = arith.xori %get3A_162, %get3A_132 : vector<16xi32>
      %sub3A_2807 = arith.constant 0 : i32
      %sub3A_2808 = vector.broadcast %sub3A_2807 : i32 to vector<16xi32>
      %sub3A_2809 = arith.subi %sub3A_2808, %xor3A_2806 : vector<16xi32>
      %and3A_2810 = arith.andi %and3A_2805, %sub3A_2809 : vector<16xi32>
      %xor3A_2811 = arith.xori %get3A_162, %get3A_137 : vector<16xi32>
      %sub3A_2812 = arith.constant 0 : i32
      %sub3A_2813 = vector.broadcast %sub3A_2812 : i32 to vector<16xi32>
      %sub3A_2814 = arith.subi %sub3A_2813, %xor3A_2811 : vector<16xi32>
      %and3A_2815 = arith.andi %and3A_2810, %sub3A_2814 : vector<16xi32>
      %xor3A_2816 = arith.xori %get3A_162, %get3A_142 : vector<16xi32>
      %sub3A_2817 = arith.constant 0 : i32
      %sub3A_2818 = vector.broadcast %sub3A_2817 : i32 to vector<16xi32>
      %sub3A_2819 = arith.subi %sub3A_2818, %xor3A_2816 : vector<16xi32>
      %and3A_2820 = arith.andi %and3A_2815, %sub3A_2819 : vector<16xi32>
      %xor3A_2821 = arith.xori %get3A_162, %get3A_147 : vector<16xi32>
      %sub3A_2822 = arith.constant 0 : i32
      %sub3A_2823 = vector.broadcast %sub3A_2822 : i32 to vector<16xi32>
      %sub3A_2824 = arith.subi %sub3A_2823, %xor3A_2821 : vector<16xi32>
      %and3A_2825 = arith.andi %and3A_2820, %sub3A_2824 : vector<16xi32>
      %xor3A_2826 = arith.xori %get3A_162, %get3A_152 : vector<16xi32>
      %sub3A_2827 = arith.constant 0 : i32
      %sub3A_2828 = vector.broadcast %sub3A_2827 : i32 to vector<16xi32>
      %sub3A_2829 = arith.subi %sub3A_2828, %xor3A_2826 : vector<16xi32>
      %and3A_2830 = arith.andi %and3A_2825, %sub3A_2829 : vector<16xi32>
      %xor3A_2831 = arith.xori %get3A_162, %get3A_157 : vector<16xi32>
      %sub3A_2832 = arith.constant 0 : i32
      %sub3A_2833 = vector.broadcast %sub3A_2832 : i32 to vector<16xi32>
      %sub3A_2834 = arith.subi %sub3A_2833, %xor3A_2831 : vector<16xi32>
      %and3A_2835 = arith.andi %and3A_2830, %sub3A_2834 : vector<16xi32>
      %lt3A_2836 = arith.constant 0 : i32
      %lt3A_2837 = vector.broadcast %lt3A_2836 : i32 to vector<16xi32>
      %lt3A_2838 = arith.cmpi slt, %and3A_2835, %lt3A_2837 : vector<16xi32>
      %jit3A_2839 = arith.constant 1.000000e+00 : f32
      %jit3A_2840 = arith.constant 0.000000e+00 : f32
      %broadcast_in_dim3A_2841 = vector.broadcast %jit3A_2839 : f32 to vector<16xf32>
      %broadcast_in_dim3A_2842 = vector.broadcast %jit3A_2840 : f32 to vector<16xf32>
      %select_n3A_2843 = arith.select %lt3A_2838, %broadcast_in_dim3A_2841, %broadcast_in_dim3A_2842 : vector<16xi1>, vector<16xf32>
      %swap3A_2844 = arith.constant 29 : i32
      %swap3A_2845 = arith.index_cast %swap3A_2844 : i32 to index
      %swap3A_2846 = arith.index_cast %mul3A_13 : i32 to index
      %swap3A_2847 = tpu.vector_load %arg5[%swap3A_2845, %swap3A_2846] {strides = array<i32>} : memref<32x256xf32, #tpu.memory_space<vmem>>, vector<1x16xf32>,
      %swap3A_2848 = vector.shape_cast %swap3A_2847 : vector<1x16xf32> to vector<16xf32>
      %swap3A_2849 = vector.shape_cast %select_n3A_2843 : vector<16xf32> to vector<1x16xf32>
      tpu.vector_store %arg5[%swap3A_2845, %swap3A_2846], %swap3A_2849 {strides = array<i32>} : memref<32x256xf32, #tpu.memory_space<vmem>>, vector<1x16xf32>,
      %sub3A_2850 = arith.constant 0 : i32
      %sub3A_2851 = vector.broadcast %sub3A_2850 : i32 to vector<16xi32>
      %sub3A_2852 = arith.subi %sub3A_2851, %get3A_167 : vector<16xi32>
      %xor3A_2853 = arith.xori %get3A_167, %get3A_17 : vector<16xi32>
      %sub3A_2854 = arith.constant 0 : i32
      %sub3A_2855 = vector.broadcast %sub3A_2854 : i32 to vector<16xi32>
      %sub3A_2856 = arith.subi %sub3A_2855, %xor3A_2853 : vector<16xi32>
      %and3A_2857 = arith.andi %sub3A_2852, %sub3A_2856 : vector<16xi32>
      %xor3A_2858 = arith.xori %get3A_167, %get3A_22 : vector<16xi32>
      %sub3A_2859 = arith.constant 0 : i32
      %sub3A_2860 = vector.broadcast %sub3A_2859 : i32 to vector<16xi32>
      %sub3A_2861 = arith.subi %sub3A_2860, %xor3A_2858 : vector<16xi32>
      %and3A_2862 = arith.andi %and3A_2857, %sub3A_2861 : vector<16xi32>
      %xor3A_2863 = arith.xori %get3A_167, %get3A_27 : vector<16xi32>
      %sub3A_2864 = arith.constant 0 : i32
      %sub3A_2865 = vector.broadcast %sub3A_2864 : i32 to vector<16xi32>
      %sub3A_2866 = arith.subi %sub3A_2865, %xor3A_2863 : vector<16xi32>
      %and3A_2867 = arith.andi %and3A_2862, %sub3A_2866 : vector<16xi32>
      %xor3A_2868 = arith.xori %get3A_167, %get3A_32 : vector<16xi32>
      %sub3A_2869 = arith.constant 0 : i32
      %sub3A_2870 = vector.broadcast %sub3A_2869 : i32 to vector<16xi32>
      %sub3A_2871 = arith.subi %sub3A_2870, %xor3A_2868 : vector<16xi32>
      %and3A_2872 = arith.andi %and3A_2867, %sub3A_2871 : vector<16xi32>
      %xor3A_2873 = arith.xori %get3A_167, %get3A_37 : vector<16xi32>
      %sub3A_2874 = arith.constant 0 : i32
      %sub3A_2875 = vector.broadcast %sub3A_2874 : i32 to vector<16xi32>
      %sub3A_2876 = arith.subi %sub3A_2875, %xor3A_2873 : vector<16xi32>
      %and3A_2877 = arith.andi %and3A_2872, %sub3A_2876 : vector<16xi32>
      %xor3A_2878 = arith.xori %get3A_167, %get3A_42 : vector<16xi32>
      %sub3A_2879 = arith.constant 0 : i32
      %sub3A_2880 = vector.broadcast %sub3A_2879 : i32 to vector<16xi32>
      %sub3A_2881 = arith.subi %sub3A_2880, %xor3A_2878 : vector<16xi32>
      %and3A_2882 = arith.andi %and3A_2877, %sub3A_2881 : vector<16xi32>
      %xor3A_2883 = arith.xori %get3A_167, %get3A_47 : vector<16xi32>
      %sub3A_2884 = arith.constant 0 : i32
      %sub3A_2885 = vector.broadcast %sub3A_2884 : i32 to vector<16xi32>
      %sub3A_2886 = arith.subi %sub3A_2885, %xor3A_2883 : vector<16xi32>
      %and3A_2887 = arith.andi %and3A_2882, %sub3A_2886 : vector<16xi32>
      %xor3A_2888 = arith.xori %get3A_167, %get3A_52 : vector<16xi32>
      %sub3A_2889 = arith.constant 0 : i32
      %sub3A_2890 = vector.broadcast %sub3A_2889 : i32 to vector<16xi32>
      %sub3A_2891 = arith.subi %sub3A_2890, %xor3A_2888 : vector<16xi32>
      %and3A_2892 = arith.andi %and3A_2887, %sub3A_2891 : vector<16xi32>
      %xor3A_2893 = arith.xori %get3A_167, %get3A_57 : vector<16xi32>
      %sub3A_2894 = arith.constant 0 : i32
      %sub3A_2895 = vector.broadcast %sub3A_2894 : i32 to vector<16xi32>
      %sub3A_2896 = arith.subi %sub3A_2895, %xor3A_2893 : vector<16xi32>
      %and3A_2897 = arith.andi %and3A_2892, %sub3A_2896 : vector<16xi32>
      %xor3A_2898 = arith.xori %get3A_167, %get3A_62 : vector<16xi32>
      %sub3A_2899 = arith.constant 0 : i32
      %sub3A_2900 = vector.broadcast %sub3A_2899 : i32 to vector<16xi32>
      %sub3A_2901 = arith.subi %sub3A_2900, %xor3A_2898 : vector<16xi32>
      %and3A_2902 = arith.andi %and3A_2897, %sub3A_2901 : vector<16xi32>
      %xor3A_2903 = arith.xori %get3A_167, %get3A_67 : vector<16xi32>
      %sub3A_2904 = arith.constant 0 : i32
      %sub3A_2905 = vector.broadcast %sub3A_2904 : i32 to vector<16xi32>
      %sub3A_2906 = arith.subi %sub3A_2905, %xor3A_2903 : vector<16xi32>
      %and3A_2907 = arith.andi %and3A_2902, %sub3A_2906 : vector<16xi32>
      %xor3A_2908 = arith.xori %get3A_167, %get3A_72 : vector<16xi32>
      %sub3A_2909 = arith.constant 0 : i32
      %sub3A_2910 = vector.broadcast %sub3A_2909 : i32 to vector<16xi32>
      %sub3A_2911 = arith.subi %sub3A_2910, %xor3A_2908 : vector<16xi32>
      %and3A_2912 = arith.andi %and3A_2907, %sub3A_2911 : vector<16xi32>
      %xor3A_2913 = arith.xori %get3A_167, %get3A_77 : vector<16xi32>
      %sub3A_2914 = arith.constant 0 : i32
      %sub3A_2915 = vector.broadcast %sub3A_2914 : i32 to vector<16xi32>
      %sub3A_2916 = arith.subi %sub3A_2915, %xor3A_2913 : vector<16xi32>
      %and3A_2917 = arith.andi %and3A_2912, %sub3A_2916 : vector<16xi32>
      %xor3A_2918 = arith.xori %get3A_167, %get3A_82 : vector<16xi32>
      %sub3A_2919 = arith.constant 0 : i32
      %sub3A_2920 = vector.broadcast %sub3A_2919 : i32 to vector<16xi32>
      %sub3A_2921 = arith.subi %sub3A_2920, %xor3A_2918 : vector<16xi32>
      %and3A_2922 = arith.andi %and3A_2917, %sub3A_2921 : vector<16xi32>
      %xor3A_2923 = arith.xori %get3A_167, %get3A_87 : vector<16xi32>
      %sub3A_2924 = arith.constant 0 : i32
      %sub3A_2925 = vector.broadcast %sub3A_2924 : i32 to vector<16xi32>
      %sub3A_2926 = arith.subi %sub3A_2925, %xor3A_2923 : vector<16xi32>
      %and3A_2927 = arith.andi %and3A_2922, %sub3A_2926 : vector<16xi32>
      %xor3A_2928 = arith.xori %get3A_167, %get3A_92 : vector<16xi32>
      %sub3A_2929 = arith.constant 0 : i32
      %sub3A_2930 = vector.broadcast %sub3A_2929 : i32 to vector<16xi32>
      %sub3A_2931 = arith.subi %sub3A_2930, %xor3A_2928 : vector<16xi32>
      %and3A_2932 = arith.andi %and3A_2927, %sub3A_2931 : vector<16xi32>
      %xor3A_2933 = arith.xori %get3A_167, %get3A_97 : vector<16xi32>
      %sub3A_2934 = arith.constant 0 : i32
      %sub3A_2935 = vector.broadcast %sub3A_2934 : i32 to vector<16xi32>
      %sub3A_2936 = arith.subi %sub3A_2935, %xor3A_2933 : vector<16xi32>
      %and3A_2937 = arith.andi %and3A_2932, %sub3A_2936 : vector<16xi32>
      %xor3A_2938 = arith.xori %get3A_167, %get3A_102 : vector<16xi32>
      %sub3A_2939 = arith.constant 0 : i32
      %sub3A_2940 = vector.broadcast %sub3A_2939 : i32 to vector<16xi32>
      %sub3A_2941 = arith.subi %sub3A_2940, %xor3A_2938 : vector<16xi32>
      %and3A_2942 = arith.andi %and3A_2937, %sub3A_2941 : vector<16xi32>
      %xor3A_2943 = arith.xori %get3A_167, %get3A_107 : vector<16xi32>
      %sub3A_2944 = arith.constant 0 : i32
      %sub3A_2945 = vector.broadcast %sub3A_2944 : i32 to vector<16xi32>
      %sub3A_2946 = arith.subi %sub3A_2945, %xor3A_2943 : vector<16xi32>
      %and3A_2947 = arith.andi %and3A_2942, %sub3A_2946 : vector<16xi32>
      %xor3A_2948 = arith.xori %get3A_167, %get3A_112 : vector<16xi32>
      %sub3A_2949 = arith.constant 0 : i32
      %sub3A_2950 = vector.broadcast %sub3A_2949 : i32 to vector<16xi32>
      %sub3A_2951 = arith.subi %sub3A_2950, %xor3A_2948 : vector<16xi32>
      %and3A_2952 = arith.andi %and3A_2947, %sub3A_2951 : vector<16xi32>
      %xor3A_2953 = arith.xori %get3A_167, %get3A_117 : vector<16xi32>
      %sub3A_2954 = arith.constant 0 : i32
      %sub3A_2955 = vector.broadcast %sub3A_2954 : i32 to vector<16xi32>
      %sub3A_2956 = arith.subi %sub3A_2955, %xor3A_2953 : vector<16xi32>
      %and3A_2957 = arith.andi %and3A_2952, %sub3A_2956 : vector<16xi32>
      %xor3A_2958 = arith.xori %get3A_167, %get3A_122 : vector<16xi32>
      %sub3A_2959 = arith.constant 0 : i32
      %sub3A_2960 = vector.broadcast %sub3A_2959 : i32 to vector<16xi32>
      %sub3A_2961 = arith.subi %sub3A_2960, %xor3A_2958 : vector<16xi32>
      %and3A_2962 = arith.andi %and3A_2957, %sub3A_2961 : vector<16xi32>
      %xor3A_2963 = arith.xori %get3A_167, %get3A_127 : vector<16xi32>
      %sub3A_2964 = arith.constant 0 : i32
      %sub3A_2965 = vector.broadcast %sub3A_2964 : i32 to vector<16xi32>
      %sub3A_2966 = arith.subi %sub3A_2965, %xor3A_2963 : vector<16xi32>
      %and3A_2967 = arith.andi %and3A_2962, %sub3A_2966 : vector<16xi32>
      %xor3A_2968 = arith.xori %get3A_167, %get3A_132 : vector<16xi32>
      %sub3A_2969 = arith.constant 0 : i32
      %sub3A_2970 = vector.broadcast %sub3A_2969 : i32 to vector<16xi32>
      %sub3A_2971 = arith.subi %sub3A_2970, %xor3A_2968 : vector<16xi32>
      %and3A_2972 = arith.andi %and3A_2967, %sub3A_2971 : vector<16xi32>
      %xor3A_2973 = arith.xori %get3A_167, %get3A_137 : vector<16xi32>
      %sub3A_2974 = arith.constant 0 : i32
      %sub3A_2975 = vector.broadcast %sub3A_2974 : i32 to vector<16xi32>
      %sub3A_2976 = arith.subi %sub3A_2975, %xor3A_2973 : vector<16xi32>
      %and3A_2977 = arith.andi %and3A_2972, %sub3A_2976 : vector<16xi32>
      %xor3A_2978 = arith.xori %get3A_167, %get3A_142 : vector<16xi32>
      %sub3A_2979 = arith.constant 0 : i32
      %sub3A_2980 = vector.broadcast %sub3A_2979 : i32 to vector<16xi32>
      %sub3A_2981 = arith.subi %sub3A_2980, %xor3A_2978 : vector<16xi32>
      %and3A_2982 = arith.andi %and3A_2977, %sub3A_2981 : vector<16xi32>
      %xor3A_2983 = arith.xori %get3A_167, %get3A_147 : vector<16xi32>
      %sub3A_2984 = arith.constant 0 : i32
      %sub3A_2985 = vector.broadcast %sub3A_2984 : i32 to vector<16xi32>
      %sub3A_2986 = arith.subi %sub3A_2985, %xor3A_2983 : vector<16xi32>
      %and3A_2987 = arith.andi %and3A_2982, %sub3A_2986 : vector<16xi32>
      %xor3A_2988 = arith.xori %get3A_167, %get3A_152 : vector<16xi32>
      %sub3A_2989 = arith.constant 0 : i32
      %sub3A_2990 = vector.broadcast %sub3A_2989 : i32 to vector<16xi32>
      %sub3A_2991 = arith.subi %sub3A_2990, %xor3A_2988 : vector<16xi32>
      %and3A_2992 = arith.andi %and3A_2987, %sub3A_2991 : vector<16xi32>
      %xor3A_2993 = arith.xori %get3A_167, %get3A_157 : vector<16xi32>
      %sub3A_2994 = arith.constant 0 : i32
      %sub3A_2995 = vector.broadcast %sub3A_2994 : i32 to vector<16xi32>
      %sub3A_2996 = arith.subi %sub3A_2995, %xor3A_2993 : vector<16xi32>
      %and3A_2997 = arith.andi %and3A_2992, %sub3A_2996 : vector<16xi32>
      %xor3A_2998 = arith.xori %get3A_167, %get3A_162 : vector<16xi32>
      %sub3A_2999 = arith.constant 0 : i32
      %sub3A_3000 = vector.broadcast %sub3A_2999 : i32 to vector<16xi32>
      %sub3A_3001 = arith.subi %sub3A_3000, %xor3A_2998 : vector<16xi32>
      %and3A_3002 = arith.andi %and3A_2997, %sub3A_3001 : vector<16xi32>
      %lt3A_3003 = arith.constant 0 : i32
      %lt3A_3004 = vector.broadcast %lt3A_3003 : i32 to vector<16xi32>
      %lt3A_3005 = arith.cmpi slt, %and3A_3002, %lt3A_3004 : vector<16xi32>
      %jit3A_3006 = arith.constant 1.000000e+00 : f32
      %jit3A_3007 = arith.constant 0.000000e+00 : f32
      %broadcast_in_dim3A_3008 = vector.broadcast %jit3A_3006 : f32 to vector<16xf32>
      %broadcast_in_dim3A_3009 = vector.broadcast %jit3A_3007 : f32 to vector<16xf32>
      %select_n3A_3010 = arith.select %lt3A_3005, %broadcast_in_dim3A_3008, %broadcast_in_dim3A_3009 : vector<16xi1>, vector<16xf32>
      %swap3A_3011 = arith.constant 30 : i32
      %swap3A_3012 = arith.index_cast %swap3A_3011 : i32 to index
      %swap3A_3013 = arith.index_cast %mul3A_13 : i32 to index
      %swap3A_3014 = tpu.vector_load %arg5[%swap3A_3012, %swap3A_3013] {strides = array<i32>} : memref<32x256xf32, #tpu.memory_space<vmem>>, vector<1x16xf32>,
      %swap3A_3015 = vector.shape_cast %swap3A_3014 : vector<1x16xf32> to vector<16xf32>
      %swap3A_3016 = vector.shape_cast %select_n3A_3010 : vector<16xf32> to vector<1x16xf32>
      tpu.vector_store %arg5[%swap3A_3012, %swap3A_3013], %swap3A_3016 {strides = array<i32>} : memref<32x256xf32, #tpu.memory_space<vmem>>, vector<1x16xf32>,
      %sub3A_3017 = arith.constant 0 : i32
      %sub3A_3018 = vector.broadcast %sub3A_3017 : i32 to vector<16xi32>
      %sub3A_3019 = arith.subi %sub3A_3018, %get3A_172 : vector<16xi32>
      %xor3A_3020 = arith.xori %get3A_172, %get3A_17 : vector<16xi32>
      %sub3A_3021 = arith.constant 0 : i32
      %sub3A_3022 = vector.broadcast %sub3A_3021 : i32 to vector<16xi32>
      %sub3A_3023 = arith.subi %sub3A_3022, %xor3A_3020 : vector<16xi32>
      %and3A_3024 = arith.andi %sub3A_3019, %sub3A_3023 : vector<16xi32>
      %xor3A_3025 = arith.xori %get3A_172, %get3A_22 : vector<16xi32>
      %sub3A_3026 = arith.constant 0 : i32
      %sub3A_3027 = vector.broadcast %sub3A_3026 : i32 to vector<16xi32>
      %sub3A_3028 = arith.subi %sub3A_3027, %xor3A_3025 : vector<16xi32>
      %and3A_3029 = arith.andi %and3A_3024, %sub3A_3028 : vector<16xi32>
      %xor3A_3030 = arith.xori %get3A_172, %get3A_27 : vector<16xi32>
      %sub3A_3031 = arith.constant 0 : i32
      %sub3A_3032 = vector.broadcast %sub3A_3031 : i32 to vector<16xi32>
      %sub3A_3033 = arith.subi %sub3A_3032, %xor3A_3030 : vector<16xi32>
      %and3A_3034 = arith.andi %and3A_3029, %sub3A_3033 : vector<16xi32>
      %xor3A_3035 = arith.xori %get3A_172, %get3A_32 : vector<16xi32>
      %sub3A_3036 = arith.constant 0 : i32
      %sub3A_3037 = vector.broadcast %sub3A_3036 : i32 to vector<16xi32>
      %sub3A_3038 = arith.subi %sub3A_3037, %xor3A_3035 : vector<16xi32>
      %and3A_3039 = arith.andi %and3A_3034, %sub3A_3038 : vector<16xi32>
      %xor3A_3040 = arith.xori %get3A_172, %get3A_37 : vector<16xi32>
      %sub3A_3041 = arith.constant 0 : i32
      %sub3A_3042 = vector.broadcast %sub3A_3041 : i32 to vector<16xi32>
      %sub3A_3043 = arith.subi %sub3A_3042, %xor3A_3040 : vector<16xi32>
      %and3A_3044 = arith.andi %and3A_3039, %sub3A_3043 : vector<16xi32>
      %xor3A_3045 = arith.xori %get3A_172, %get3A_42 : vector<16xi32>
      %sub3A_3046 = arith.constant 0 : i32
      %sub3A_3047 = vector.broadcast %sub3A_3046 : i32 to vector<16xi32>
      %sub3A_3048 = arith.subi %sub3A_3047, %xor3A_3045 : vector<16xi32>
      %and3A_3049 = arith.andi %and3A_3044, %sub3A_3048 : vector<16xi32>
      %xor3A_3050 = arith.xori %get3A_172, %get3A_47 : vector<16xi32>
      %sub3A_3051 = arith.constant 0 : i32
      %sub3A_3052 = vector.broadcast %sub3A_3051 : i32 to vector<16xi32>
      %sub3A_3053 = arith.subi %sub3A_3052, %xor3A_3050 : vector<16xi32>
      %and3A_3054 = arith.andi %and3A_3049, %sub3A_3053 : vector<16xi32>
      %xor3A_3055 = arith.xori %get3A_172, %get3A_52 : vector<16xi32>
      %sub3A_3056 = arith.constant 0 : i32
      %sub3A_3057 = vector.broadcast %sub3A_3056 : i32 to vector<16xi32>
      %sub3A_3058 = arith.subi %sub3A_3057, %xor3A_3055 : vector<16xi32>
      %and3A_3059 = arith.andi %and3A_3054, %sub3A_3058 : vector<16xi32>
      %xor3A_3060 = arith.xori %get3A_172, %get3A_57 : vector<16xi32>
      %sub3A_3061 = arith.constant 0 : i32
      %sub3A_3062 = vector.broadcast %sub3A_3061 : i32 to vector<16xi32>
      %sub3A_3063 = arith.subi %sub3A_3062, %xor3A_3060 : vector<16xi32>
      %and3A_3064 = arith.andi %and3A_3059, %sub3A_3063 : vector<16xi32>
      %xor3A_3065 = arith.xori %get3A_172, %get3A_62 : vector<16xi32>
      %sub3A_3066 = arith.constant 0 : i32
      %sub3A_3067 = vector.broadcast %sub3A_3066 : i32 to vector<16xi32>
      %sub3A_3068 = arith.subi %sub3A_3067, %xor3A_3065 : vector<16xi32>
      %and3A_3069 = arith.andi %and3A_3064, %sub3A_3068 : vector<16xi32>
      %xor3A_3070 = arith.xori %get3A_172, %get3A_67 : vector<16xi32>
      %sub3A_3071 = arith.constant 0 : i32
      %sub3A_3072 = vector.broadcast %sub3A_3071 : i32 to vector<16xi32>
      %sub3A_3073 = arith.subi %sub3A_3072, %xor3A_3070 : vector<16xi32>
      %and3A_3074 = arith.andi %and3A_3069, %sub3A_3073 : vector<16xi32>
      %xor3A_3075 = arith.xori %get3A_172, %get3A_72 : vector<16xi32>
      %sub3A_3076 = arith.constant 0 : i32
      %sub3A_3077 = vector.broadcast %sub3A_3076 : i32 to vector<16xi32>
      %sub3A_3078 = arith.subi %sub3A_3077, %xor3A_3075 : vector<16xi32>
      %and3A_3079 = arith.andi %and3A_3074, %sub3A_3078 : vector<16xi32>
      %xor3A_3080 = arith.xori %get3A_172, %get3A_77 : vector<16xi32>
      %sub3A_3081 = arith.constant 0 : i32
      %sub3A_3082 = vector.broadcast %sub3A_3081 : i32 to vector<16xi32>
      %sub3A_3083 = arith.subi %sub3A_3082, %xor3A_3080 : vector<16xi32>
      %and3A_3084 = arith.andi %and3A_3079, %sub3A_3083 : vector<16xi32>
      %xor3A_3085 = arith.xori %get3A_172, %get3A_82 : vector<16xi32>
      %sub3A_3086 = arith.constant 0 : i32
      %sub3A_3087 = vector.broadcast %sub3A_3086 : i32 to vector<16xi32>
      %sub3A_3088 = arith.subi %sub3A_3087, %xor3A_3085 : vector<16xi32>
      %and3A_3089 = arith.andi %and3A_3084, %sub3A_3088 : vector<16xi32>
      %xor3A_3090 = arith.xori %get3A_172, %get3A_87 : vector<16xi32>
      %sub3A_3091 = arith.constant 0 : i32
      %sub3A_3092 = vector.broadcast %sub3A_3091 : i32 to vector<16xi32>
      %sub3A_3093 = arith.subi %sub3A_3092, %xor3A_3090 : vector<16xi32>
      %and3A_3094 = arith.andi %and3A_3089, %sub3A_3093 : vector<16xi32>
      %xor3A_3095 = arith.xori %get3A_172, %get3A_92 : vector<16xi32>
      %sub3A_3096 = arith.constant 0 : i32
      %sub3A_3097 = vector.broadcast %sub3A_3096 : i32 to vector<16xi32>
      %sub3A_3098 = arith.subi %sub3A_3097, %xor3A_3095 : vector<16xi32>
      %and3A_3099 = arith.andi %and3A_3094, %sub3A_3098 : vector<16xi32>
      %xor3A_3100 = arith.xori %get3A_172, %get3A_97 : vector<16xi32>
      %sub3A_3101 = arith.constant 0 : i32
      %sub3A_3102 = vector.broadcast %sub3A_3101 : i32 to vector<16xi32>
      %sub3A_3103 = arith.subi %sub3A_3102, %xor3A_3100 : vector<16xi32>
      %and3A_3104 = arith.andi %and3A_3099, %sub3A_3103 : vector<16xi32>
      %xor3A_3105 = arith.xori %get3A_172, %get3A_102 : vector<16xi32>
      %sub3A_3106 = arith.constant 0 : i32
      %sub3A_3107 = vector.broadcast %sub3A_3106 : i32 to vector<16xi32>
      %sub3A_3108 = arith.subi %sub3A_3107, %xor3A_3105 : vector<16xi32>
      %and3A_3109 = arith.andi %and3A_3104, %sub3A_3108 : vector<16xi32>
      %xor3A_3110 = arith.xori %get3A_172, %get3A_107 : vector<16xi32>
      %sub3A_3111 = arith.constant 0 : i32
      %sub3A_3112 = vector.broadcast %sub3A_3111 : i32 to vector<16xi32>
      %sub3A_3113 = arith.subi %sub3A_3112, %xor3A_3110 : vector<16xi32>
      %and3A_3114 = arith.andi %and3A_3109, %sub3A_3113 : vector<16xi32>
      %xor3A_3115 = arith.xori %get3A_172, %get3A_112 : vector<16xi32>
      %sub3A_3116 = arith.constant 0 : i32
      %sub3A_3117 = vector.broadcast %sub3A_3116 : i32 to vector<16xi32>
      %sub3A_3118 = arith.subi %sub3A_3117, %xor3A_3115 : vector<16xi32>
      %and3A_3119 = arith.andi %and3A_3114, %sub3A_3118 : vector<16xi32>
      %xor3A_3120 = arith.xori %get3A_172, %get3A_117 : vector<16xi32>
      %sub3A_3121 = arith.constant 0 : i32
      %sub3A_3122 = vector.broadcast %sub3A_3121 : i32 to vector<16xi32>
      %sub3A_3123 = arith.subi %sub3A_3122, %xor3A_3120 : vector<16xi32>
      %and3A_3124 = arith.andi %and3A_3119, %sub3A_3123 : vector<16xi32>
      %xor3A_3125 = arith.xori %get3A_172, %get3A_122 : vector<16xi32>
      %sub3A_3126 = arith.constant 0 : i32
      %sub3A_3127 = vector.broadcast %sub3A_3126 : i32 to vector<16xi32>
      %sub3A_3128 = arith.subi %sub3A_3127, %xor3A_3125 : vector<16xi32>
      %and3A_3129 = arith.andi %and3A_3124, %sub3A_3128 : vector<16xi32>
      %xor3A_3130 = arith.xori %get3A_172, %get3A_127 : vector<16xi32>
      %sub3A_3131 = arith.constant 0 : i32
      %sub3A_3132 = vector.broadcast %sub3A_3131 : i32 to vector<16xi32>
      %sub3A_3133 = arith.subi %sub3A_3132, %xor3A_3130 : vector<16xi32>
      %and3A_3134 = arith.andi %and3A_3129, %sub3A_3133 : vector<16xi32>
      %xor3A_3135 = arith.xori %get3A_172, %get3A_132 : vector<16xi32>
      %sub3A_3136 = arith.constant 0 : i32
      %sub3A_3137 = vector.broadcast %sub3A_3136 : i32 to vector<16xi32>
      %sub3A_3138 = arith.subi %sub3A_3137, %xor3A_3135 : vector<16xi32>
      %and3A_3139 = arith.andi %and3A_3134, %sub3A_3138 : vector<16xi32>
      %xor3A_3140 = arith.xori %get3A_172, %get3A_137 : vector<16xi32>
      %sub3A_3141 = arith.constant 0 : i32
      %sub3A_3142 = vector.broadcast %sub3A_3141 : i32 to vector<16xi32>
      %sub3A_3143 = arith.subi %sub3A_3142, %xor3A_3140 : vector<16xi32>
      %and3A_3144 = arith.andi %and3A_3139, %sub3A_3143 : vector<16xi32>
      %xor3A_3145 = arith.xori %get3A_172, %get3A_142 : vector<16xi32>
      %sub3A_3146 = arith.constant 0 : i32
      %sub3A_3147 = vector.broadcast %sub3A_3146 : i32 to vector<16xi32>
      %sub3A_3148 = arith.subi %sub3A_3147, %xor3A_3145 : vector<16xi32>
      %and3A_3149 = arith.andi %and3A_3144, %sub3A_3148 : vector<16xi32>
      %xor3A_3150 = arith.xori %get3A_172, %get3A_147 : vector<16xi32>
      %sub3A_3151 = arith.constant 0 : i32
      %sub3A_3152 = vector.broadcast %sub3A_3151 : i32 to vector<16xi32>
      %sub3A_3153 = arith.subi %sub3A_3152, %xor3A_3150 : vector<16xi32>
      %and3A_3154 = arith.andi %and3A_3149, %sub3A_3153 : vector<16xi32>
      %xor3A_3155 = arith.xori %get3A_172, %get3A_152 : vector<16xi32>
      %sub3A_3156 = arith.constant 0 : i32
      %sub3A_3157 = vector.broadcast %sub3A_3156 : i32 to vector<16xi32>
      %sub3A_3158 = arith.subi %sub3A_3157, %xor3A_3155 : vector<16xi32>
      %and3A_3159 = arith.andi %and3A_3154, %sub3A_3158 : vector<16xi32>
      %xor3A_3160 = arith.xori %get3A_172, %get3A_157 : vector<16xi32>
      %sub3A_3161 = arith.constant 0 : i32
      %sub3A_3162 = vector.broadcast %sub3A_3161 : i32 to vector<16xi32>
      %sub3A_3163 = arith.subi %sub3A_3162, %xor3A_3160 : vector<16xi32>
      %and3A_3164 = arith.andi %and3A_3159, %sub3A_3163 : vector<16xi32>
      %xor3A_3165 = arith.xori %get3A_172, %get3A_162 : vector<16xi32>
      %sub3A_3166 = arith.constant 0 : i32
      %sub3A_3167 = vector.broadcast %sub3A_3166 : i32 to vector<16xi32>
      %sub3A_3168 = arith.subi %sub3A_3167, %xor3A_3165 : vector<16xi32>
      %and3A_3169 = arith.andi %and3A_3164, %sub3A_3168 : vector<16xi32>
      %xor3A_3170 = arith.xori %get3A_172, %get3A_167 : vector<16xi32>
      %sub3A_3171 = arith.constant 0 : i32
      %sub3A_3172 = vector.broadcast %sub3A_3171 : i32 to vector<16xi32>
      %sub3A_3173 = arith.subi %sub3A_3172, %xor3A_3170 : vector<16xi32>
      %and3A_3174 = arith.andi %and3A_3169, %sub3A_3173 : vector<16xi32>
      %lt3A_3175 = arith.constant 0 : i32
      %lt3A_3176 = vector.broadcast %lt3A_3175 : i32 to vector<16xi32>
      %lt3A_3177 = arith.cmpi slt, %and3A_3174, %lt3A_3176 : vector<16xi32>
      %jit3A_3178 = arith.constant 1.000000e+00 : f32
      %jit3A_3179 = arith.constant 0.000000e+00 : f32
      %broadcast_in_dim3A_3180 = vector.broadcast %jit3A_3178 : f32 to vector<16xf32>
      %broadcast_in_dim3A_3181 = vector.broadcast %jit3A_3179 : f32 to vector<16xf32>
      %select_n3A_3182 = arith.select %lt3A_3177, %broadcast_in_dim3A_3180, %broadcast_in_dim3A_3181 : vector<16xi1>, vector<16xf32>
      %swap3A_3183 = arith.constant 31 : i32
      %swap3A_3184 = arith.index_cast %swap3A_3183 : i32 to index
      %swap3A_3185 = arith.index_cast %mul3A_13 : i32 to index
      %swap3A_3186 = tpu.vector_load %arg5[%swap3A_3184, %swap3A_3185] {strides = array<i32>} : memref<32x256xf32, #tpu.memory_space<vmem>>, vector<1x16xf32>,
      %swap3A_3187 = vector.shape_cast %swap3A_3186 : vector<1x16xf32> to vector<16xf32>
      %swap3A_3188 = vector.shape_cast %select_n3A_3182 : vector<16xf32> to vector<1x16xf32>
      tpu.vector_store %arg5[%swap3A_3184, %swap3A_3185], %swap3A_3188 {strides = array<i32>} : memref<32x256xf32, #tpu.memory_space<vmem>>, vector<1x16xf32>,
    }
    %scan3A_6 = arith.constant 16 : i32
    "tpu.region"() ({
      %run_scoped3A = tpu.sem_alloc : memref<!tpu.dma_semaphore, #tpu.memory_space<semaphore_mem>>
      %dma_start3A = arith.constant 0 : i32
      %dma_start3A_7 = tpu.memref_slice %arg3[%dma_start3A, %mul3A_2] : memref<32x8192xf32, #tpu.memory_space<hbm>> -> memref<32x256xf32, #tpu.memory_space<hbm>>
      %dma_start3A_8 = arith.constant 0 : i32
      %dma_start3A_9 = tpu.memref_slice %arg3[%dma_start3A_8, %mul3A_2] : memref<32x8192xf32, #tpu.memory_space<hbm>> -> memref<32x256xf32, #tpu.memory_space<hbm>>
      tpu.enqueue_dma source(%arg5 : memref<32x256xf32, #tpu.memory_space<vmem>>) target(%dma_start3A_9 : memref<32x256xf32, #tpu.memory_space<hbm>>) target_semaphore(%run_scoped3A : memref<!tpu.dma_semaphore, #tpu.memory_space<semaphore_mem>>)
      %dma_wait3A = arith.constant 0 : i32
      %dma_wait3A_10 = tpu.memref_slice %arg3[%dma_wait3A, %mul3A_2] : memref<32x8192xf32, #tpu.memory_space<hbm>> -> memref<32x256xf32, #tpu.memory_space<hbm>>
      %dma_wait3A_11 = arith.constant 0 : i32
      %dma_wait3A_12 = tpu.memref_slice %arg3[%dma_wait3A_11, %mul3A_2] : memref<32x8192xf32, #tpu.memory_space<hbm>> -> memref<32x256xf32, #tpu.memory_space<hbm>>
      tpu.wait_dma2 semaphore(%run_scoped3A : memref<!tpu.dma_semaphore, #tpu.memory_space<semaphore_mem>>) src(%arg5 : memref<32x256xf32, #tpu.memory_space<vmem>>) dst(%dma_wait3A_12 : memref<32x256xf32, #tpu.memory_space<hbm>>)
      tpu.yield
    }) : () -> ()
    return
  }
}

module attributes {stable_mosaic.version = 14 : i64} {
  func.func @_tc_mlp_body(%arg0: memref<32x8192xf32, #tpu.memory_space<vmem>>, %arg1: memref<32x8192xf32, #tpu.memory_space<vmem>>, %arg2: memref<32x32xf32, #tpu.memory_space<vmem>>, %arg3: memref<32x32xf32, #tpu.memory_space<vmem>>, %arg4: memref<8x32xf32, #tpu.memory_space<vmem>>, %arg5: memref<32x1xf32, #tpu.memory_space<vmem>>, %arg6: memref<8x1xf32, #tpu.memory_space<vmem>>, %arg7: memref<8x8192xf32, #tpu.memory_space<vmem>>) attributes {dimension_semantics = [], scalar_prefetch = 0 : i64, scratch_operands = 0 : i64, tpu.core_type = #tpu.core_type<tc>} {
    %get3A = arith.constant 0 : index
    %get3A_0 = arith.constant 0 : index
    %get3A_1 = vector.load %arg2[%get3A, %get3A_0] : memref<32x32xf32, #tpu.memory_space<vmem>>, vector<32x32xf32>
    %get3A_2 = arith.constant 0 : index
    %get3A_3 = arith.constant 0 : index
    %get3A_4 = vector.load %arg0[%get3A_2, %get3A_3] : memref<32x8192xf32, #tpu.memory_space<vmem>>, vector<32x8192xf32>
    %dot_general3A = arith.constant dense<0.000000e+00> : vector<32x8192xf32>
    %dot_general3A_5 = tpu.matmul %get3A_1, %get3A_4, %dot_general3A {dimension_numbers = #tpu.dot_dimension_numbers<[1], [0], [0], [1], [0, 0, 1, 1], [], []>, transpose_lhs_hint = false} : vector<32x32xf32>, vector<32x8192xf32>, vector<32x8192xf32> -> vector<32x8192xf32>
    %get3A_6 = arith.constant 0 : index
    %get3A_7 = arith.constant 0 : index
    %get3A_8 = vector.load %arg3[%get3A_6, %get3A_7] : memref<32x32xf32, #tpu.memory_space<vmem>>, vector<32x32xf32>
    %get3A_9 = arith.constant 0 : index
    %get3A_10 = arith.constant 0 : index
    %get3A_11 = vector.load %arg1[%get3A_9, %get3A_10] : memref<32x8192xf32, #tpu.memory_space<vmem>>, vector<32x8192xf32>
    %dot_general3A_12 = arith.constant dense<0.000000e+00> : vector<32x8192xf32>
    %dot_general3A_13 = tpu.matmul %get3A_8, %get3A_11, %dot_general3A_12 {dimension_numbers = #tpu.dot_dimension_numbers<[1], [0], [0], [1], [0, 0, 1, 1], [], []>, transpose_lhs_hint = false} : vector<32x32xf32>, vector<32x8192xf32>, vector<32x8192xf32> -> vector<32x8192xf32>
    %add3A = arith.addf %dot_general3A_5, %dot_general3A_13 : vector<32x8192xf32>
    %get3A_14 = arith.constant 0 : index
    %get3A_15 = arith.constant 0 : index
    %get3A_16 = vector.load %arg5[%get3A_14, %get3A_15] : memref<32x1xf32, #tpu.memory_space<vmem>>, vector<32x1xf32>
    %add3A_17 = vector.broadcast %get3A_16 : vector<32x1xf32> to vector<32x8192xf32>
    %add3A_18 = arith.addf %add3A, %add3A_17 : vector<32x8192xf32>
    %tanh3A = math.tanh %add3A_18 : vector<32x8192xf32>
    %get3A_19 = arith.constant 0 : index
    %get3A_20 = arith.constant 0 : index
    %get3A_21 = vector.load %arg4[%get3A_19, %get3A_20] : memref<8x32xf32, #tpu.memory_space<vmem>>, vector<8x32xf32>
    %dot_general3A_22 = arith.constant dense<0.000000e+00> : vector<8x8192xf32>
    %dot_general3A_23 = tpu.matmul %get3A_21, %tanh3A, %dot_general3A_22 {dimension_numbers = #tpu.dot_dimension_numbers<[1], [0], [0], [1], [0, 0, 1, 1], [], []>, transpose_lhs_hint = false} : vector<8x32xf32>, vector<32x8192xf32>, vector<8x8192xf32> -> vector<8x8192xf32>
    %get3A_24 = arith.constant 0 : index
    %get3A_25 = arith.constant 0 : index
    %get3A_26 = vector.load %arg6[%get3A_24, %get3A_25] : memref<8x1xf32, #tpu.memory_space<vmem>>, vector<8x1xf32>
    %add3A_27 = vector.broadcast %get3A_26 : vector<8x1xf32> to vector<8x8192xf32>
    %add3A_28 = arith.addf %dot_general3A_23, %add3A_27 : vector<8x8192xf32>
    %reduce_max3A = arith.constant dense<0xFF800000> : vector<8192xf32>
    %reduce_max3A_29 = vector.multi_reduction <maximumf>, %add3A_28, %reduce_max3A [0] : vector<8x8192xf32> to vector<8192xf32>
    %broadcast_in_dim3A = vector.shape_cast %reduce_max3A_29 : vector<8192xf32> to vector<1x8192xf32>
    %sub3A = vector.broadcast %broadcast_in_dim3A : vector<1x8192xf32> to vector<8x8192xf32>
    %sub3A_30 = arith.subf %add3A_28, %sub3A : vector<8x8192xf32>
    %exp3A = math.exp %sub3A_30 : vector<8x8192xf32>
    %reduce_sum3A = arith.constant dense<0.000000e+00> : vector<8192xf32>
    %reduce_sum3A_31 = vector.multi_reduction <add>, %exp3A, %reduce_sum3A [0] : vector<8x8192xf32> to vector<8192xf32>
    %broadcast_in_dim3A_32 = vector.shape_cast %reduce_sum3A_31 : vector<8192xf32> to vector<1x8192xf32>
    %div3A = vector.broadcast %broadcast_in_dim3A_32 : vector<1x8192xf32> to vector<8x8192xf32>
    %div3A_33 = arith.divf %exp3A, %div3A : vector<8x8192xf32>
    %swap3A = arith.constant 0 : index
    %swap3A_34 = arith.constant 0 : index
    %swap3A_35 = vector.load %arg7[%swap3A, %swap3A_34] : memref<8x8192xf32, #tpu.memory_space<vmem>>, vector<8x8192xf32>
    tpu.vector_store %arg7[%swap3A, %swap3A_34], %div3A_33 {strides = array<i32>} : memref<8x8192xf32, #tpu.memory_space<vmem>>, vector<8x8192xf32>,
    return
  }
}

</mosaic_0001>

<sc_bundles>
// kernel: kernel.4.cloned.1.call-start
scs
__scs_entry_jumppad:
0x0: {  	(pc) =	sbr.rel $0x88, $3  }
0x1: {  	(tag) =	ssettag $0x0;
	lr =	simm.s32 $0x1  }
0x2: {  	[smem:$0x3F9B] =	sst lr;
	_ =	strace $0xD0000000  }
0x3: {  	_ = 	snop  }
0x4: {  	_ = 	snop  }
0x5: {  	_ = 	snop  }
0x6: {  	_ = 	snop  }
0x7: {  	_ = 	snop  }
__scs_overlays_trampoline_lowered:
0x8: {  	[smem:$0x3FAA] =	sst s0  }
0x9: {  	[smem:$0x3FAB] =	sst s1  }
0xa: {  	[smem:$0x3FAC] =	sst s2  }
0xb: {  	[smem:$0x3FAD] =	sst s3  }
0xc: {  	[smem:$0x3FAE] =	sst s4  }
0xd: {  	[smem:$0x3FAF] =	sst s5  }
0xe: {  	[smem:$0x3FB0] =	sst s6  }
0xf: {  	[smem:$0x3FB1] =	sst s7  }
0x10: {  	[smem:$0x3FB2] =	sst s8  }
0x11: {  	[smem:$0x3FB3] =	sst s9;
	s0 =	simm.s32 @!p0 $0x0  }
0x12: {  	s1 =	sld [smem:$0x3F99];
	s0 =	simm.s32 @p0 $0x1  }
0x13: {  	[smem:$0x3FB4] =	sst s0;
	s0 =	simm.s32 @!p1 $0x0  }
0x14: {  	s2 =	sld [smem:$0x3F98];
	s0 =	simm.s32 @p1 $0x1  }
0x15: {  	[smem:$0x3FB5] =	sst s0;
	s0 =	simm.s32 @!p2 $0x0  }
0x16: {  	s3 =	sld [smem:$0x3FDB];
	s0 =	simm.s32 @p2 $0x1  }
0x17: {  	s4 =	simm.s32 $0x1BF5;
	[smem:$0x3FB7] =	sst s0  }
0x18: {  	s0 =	sld [smem:$0x3F9A];
	_ =	swait.ge [sflag:s4], $0x0  }
0x19: {  	s7 =	sld [smem:$0x3F9B]  }
0x1a: {  	s8 =	sadd.s32 $0xFFFFE003, lr  }
0x1b: {  	s9 =	sadd.s32 $0xFFFFFEF7, lr;
	s5 =	simm.s32 $0xFFFFFFFF;
	p2 =	slt.u32 s8, $0xFFFFF086  }
0x1c: {  	p1 =	slt.u32 s9, $0xF7A;
	s5 =	simm.s32 @!p2 $0x0  }
0x1d: {  	s5 =	simm.s32 @p1 $0x1;
	p0 =	seq.s32 s7, s2  }
0x1e: {  	s7 =	smul.u32 @!p0 $0xF7A, s2;
	p2 =	seq.s32 @!p0 s5, $0x0  }
0x1f: {  	s9 =	smul.u32 $0xF7A, s1;
	s8 =	simm.s32 @!p0 $0x1BF5;
	p2 =	por !p2, p0  }
0x20: {  	[sflag:s8] =	ssyncset.s32 @!p0 $0xFFFFF086;
	s6 =	sadd.s32 @!p0 s3, s7;
	s7 =	simm.s32 @!p0 $0x108  }
0x21: {  	s3 =	sadd.s32 s3, s9;
	s6 =	sadd.s32 @!p0 $0x88, s6;
	s7 =	simm.s32 @p2 $0x1082  }
0x22: {  	[simem:s7], [sflag:s8] =	dma.local @!p0 [hbm:s6], $0xF7A  }
0x23: {  	s9 =	sor.u32 $0xD0000000, s2;
	s6 =	simm.s32 $0x108;
	_ =	swait.ge @!p0 [sflag:s8], $0x0  }
0x24: {  	s3 =	sadd.s32 $0x88, s3;
	s6 =	simm.s32 @!p1 $0x1082;
	[sflag:s4] =	ssyncset.s32 $0xFFFFF086  }
0x25: {  	[simem:s6], [sflag:s4] =	dma.local [hbm:s3], $0xF7A  }
0x26: {  	[smem:$0x3F9B] =	sst s1;
	(tag) =	ssettag s2;
	_ =	strace s9  }
0x27: {  	s1 =	sld [smem:$0x3FAB]  }
0x28: {  	s2 =	sld [smem:$0x3FAC]  }
0x29: {  	s4 =	sld [smem:$0x3FAE]  }
0x2a: {  	p0 =	seq.s32 s5, $0x0;
	s5 =	sld [smem:$0x3FAF]  }
0x2b: {  	s6 =	sld [smem:$0x3FB0]  }
0x2c: {  	s7 =	sld [smem:$0x3FB1]  }
0x2d: {  	s3 =	simm.s32 $0x108;
	s8 =	sld [smem:$0x3FB2]  }
0x2e: {  	s3 =	simm.s32 @!p0 $0x1082;
	s9 =	sld [smem:$0x3FB3]  }
0x2f: {  	lr =	sadd.s32 s0, s3;
	s0 =	sld [smem:$0x3FAA]  }
0x30: {  	s3 =	sld [smem:$0x3FAD]  }
0x31: {  	[smem:$0x3FB6] =	sst s10  }
0x32: {  	s10 =	sld [smem:$0x3FB4];
	_ =	sdelay $0x3  }
0x33: {  	p0 =	seq.s32 s10, $0x1;
	s10 =	sld [smem:$0x3FB6];
	_ =	sdelay $0x3  }
0x34: {  	[smem:$0x3FB6] =	sst s10  }
0x35: {  	s10 =	sld [smem:$0x3FB5];
	_ =	sdelay $0x3  }
0x36: {  	p1 =	seq.s32 s10, $0x1;
	s10 =	sld [smem:$0x3FB6];
	_ =	sdelay $0x3  }
0x37: {  	[smem:$0x3FB6] =	sst s10  }
0x38: {  	s10 =	sld [smem:$0x3FB7]  }
0x39: {  	_ = 	snop;
	(pc) =	sbr.ind lr, $3  }
0x3a: {  	_ = 	snop  }
0x3b: {  	_ = 	snop  }
0x3c: {  	p2 =	seq.s32 s10, $0x1;
	s10 =	sld [smem:$0x3FB6]  }
0x3d: {  	_ =	shalt  }
0x3e: {  	_ =	shalt  }
0x3f: {  	_ =	shalt  }
0x40: {  	_ =	shalt  }
0x41: {  	_ =	shalt  }
0x42: {  	_ =	shalt  }
0x43: {  	_ =	shalt  }
0x44: {  	_ =	shalt  }
0x45: {  	_ =	shalt  }
0x46: {  	_ =	shalt  }
0x47: {  	_ =	shalt  }
0x48: {  	_ =	shalt  }
0x49: {  	_ =	shalt  }
0x4a: {  	_ =	shalt  }
0x4b: {  	_ =	shalt  }
0x4c: {  	_ =	shalt  }
0x4d: {  	_ =	shalt  }
0x4e: {  	_ =	shalt  }
0x4f: {  	_ =	shalt  }
0x50: {  	_ =	shalt  }
0x51: {  	_ =	shalt  }
0x52: {  	_ =	shalt  }
0x53: {  	_ =	shalt  }
0x54: {  	_ =	shalt  }
0x55: {  	_ =	shalt  }
0x56: {  	_ =	shalt  }
0x57: {  	_ =	shalt  }
0x58: {  	_ =	shalt  }
0x59: {  	_ =	shalt  }
0x5a: {  	_ =	shalt  }
0x5b: {  	_ =	shalt  }
0x5c: {  	_ =	shalt  }
0x5d: {  	_ =	shalt  }
0x5e: {  	_ =	shalt  }
0x5f: {  	_ =	shalt  }
0x60: {  	_ =	shalt  }
0x61: {  	_ =	shalt  }
0x62: {  	_ =	shalt  }
0x63: {  	_ =	shalt  }
0x64: {  	_ =	shalt  }
0x65: {  	_ =	shalt  }
0x66: {  	_ =	shalt  }
0x67: {  	_ =	shalt  }
0x68: {  	_ =	shalt  }
0x69: {  	_ =	shalt  }
0x6a: {  	_ =	shalt  }
0x6b: {  	_ =	shalt  }
0x6c: {  	_ =	shalt  }
0x6d: {  	_ =	shalt  }
0x6e: {  	_ =	shalt  }
0x6f: {  	_ =	shalt  }
0x70: {  	_ =	shalt  }
0x71: {  	_ =	shalt  }
0x72: {  	_ =	shalt  }
0x73: {  	_ =	shalt  }
0x74: {  	_ =	shalt  }
0x75: {  	_ =	shalt  }
0x76: {  	_ =	shalt  }
0x77: {  	_ =	shalt  }
0x78: {  	_ =	shalt  }
0x79: {  	_ =	shalt  }
0x7a: {  	_ =	shalt  }
0x7b: {  	_ =	shalt  }
0x7c: {  	_ =	shalt  }
0x7d: {  	_ =	shalt  }
0x7e: {  	_ =	shalt  }
0x7f: {  	_ =	shalt  }
0x80: {  	_ =	shalt  }
0x81: {  	_ =	shalt  }
0x82: {  	_ =	shalt  }
0x83: {  	_ =	shalt  }
0x84: {  	_ =	shalt  }
0x85: {  	_ =	shalt  }
0x86: {  	_ =	shalt  }
0x87: {  	_ =	shalt  }
.Lfunc_end0:
.L_simem_size_0:
called_computation_lowered:
.L_overlay_start_0:
0x88: {  	s2 =	sld [smem:$0x3FD9]  }
0x89: {  	s3 =	sld [smem:$0x3FFE];
	_ =	sdelay $0x1  }
0x8a: {  	s1 =	srdreg.scid  }
0x8b: {  	s0 =	sand.u32 $0x1, s1  }
0x8c: {  	s16 =	sshll.u32 s0, $0xA;
	s2 =	sadd.s32 s3, s2  }
0x8d: {  	s2 =	sadd.s32 s2, s16  }
0x8e: {  	[smem:$0x3FC2] =	sst s2  }
0x8f: {  	_ = 	snop  }
0x90: {  	(tm) =	ssettm $0x1  }
0x91: {  	s17 =	sld [smem:$0x3FFB];
	_ =	sdelay $0x3  }
0x92: {  	_ =	strace s17  }
0x93: {  	s2 =	sld [smem:$0x3FFC];
	_ =	sdelay $0x3  }
0x94: {  	_ =	strace s2  }
0x95: {  	s2 =	sld [smem:$0x3FFD];
	_ =	sdelay $0x3  }
0x96: {  	_ =	strace s2  }
0x97: {  	_ =	strace $0x8FFFFFFF  }
0x98: {  	s18 =	sld [smem:$0x3FDB];
	_ =	sdelay $0x1  }
0x99: {  	s19 =	simm.s32 $_scs_section_size  }
0x9a: {  	s4 =	simm.s32 $_size__tile_overlayer_lowered;
	s5 =	simm.s32 $_tile_overlayer_lowered  }
0x9b: {  	s22 =	simm.s32 $0x1BFF;
	s21 =	sshll.u32 s5, $0x1;
	s2 =	sadd.s32 s19, s18  }
0x9c: {  	s6 =	simm.s32 $0x0;
	s20 =	sshll.u32 s4, $0x1;
	s4 =	sadd.s32 s21, s2  }
0x9d: {  	[timem:s6], [sflag:s22] =	dma.local [hbm:s4], s20  }
0x9e: {  	_ =	swait.ge [sflag:s22], s20  }
0x9f: {  	s3 =	ssub.s32 $0x0, s20;
	[sflag:s22] =	ssyncset.done $0x0  }
0xa0: {  	[sflag:s22] =	ssyncadd.s32 s3;
	_ =	sdelay $0x1  }
0xa1: {  	s23 =	simm.s32 $0x1B8B  }
0xa2: {  	_ =	swait.ge [sflag:s23], $0x1  }
0xa3: {  	[sflag:s23] =	ssyncset.done $0x0  }
0xa4: {  	s25 =	simm.s32 $0x1B8E;
	s24 =	sld [smem:$0x3FFE];
	[sflag:s23] =	ssyncadd.s32 $0xFFFFFFFF  }
0xa5: {  	s26 =	simm.s32 $execute0_lowered;
	[smem:$0x3FD2] =	sst s25  }
0xa6: {  	s4 =	sshll.u32 s26, $0x1;
	_ =	strace $0x80000046;
	[dreg:$0x1] =	wrdreg $0xFFFFFFFF  }
0xa7: {  	s28 =	simm.s32 $_size_execute0_lowered;
	s2 =	sadd.s32 s2, s4;
	[dreg:$0x0] =	wrdreg $0x0  }
0xa8: {  	s4 =	sshll.u32 s28, $0x1;
	[dreg:$0x2] =	wrdreg s2  }
0xa9: {  	[dreg:$0x3] =	wrdreg s4  }
0xaa: {  	[dreg:$0x4] =	wrdreg $0xC0  }
0xab: {  	_ =	task [dreg:s6], $0x5FFFF  }
0xac: {  	[dreg:$0x1] =	wrdreg $0xFFFFFFFF  }
0xad: {  	[dreg:$0x0] =	wrdreg $0x60  }
0xae: {  	[dreg:$0x2] =	wrdreg s24  }
0xaf: {  	[dreg:$0x3] =	wrdreg $0x9  }
0xb0: {  	_ =	task.clear_ibuf [dreg:s6], $0x4FFFF;
	_ =	strace $0x90000046  }
0xb1: {  	s29 =	simm.s32 $0x9;
	_ =	strace $0x80000048  }
0xb2: {  	_ =	swait.ge [sflag:s29], $0x1  }
0xb3: {  	[sflag:s29] =	ssyncadd.s32 $0xFFFFFFFF  }
0xb4: {  	_ =	strace $0x90000048  }
0xb5: {  	_ =	sfence  }
0xb6: {  	s30 =	sld [smem:$0x0];
	_ =	sdelay $0x2  }
0xb7: {  	s31 =	sshll.u32 s1, $0xD;
	s1 =	sshrl.u32 s1, $0x2  }
0xb8: {  	s3 =	sand.u32 $0x4000, s31;
	s1 =	sadd.s32 s1, s30  }
0xb9: {  	s0 =	sor.u32 s3, s0;
	s1 =	sshll.u32 s1, $0x11  }
0xba: {  	s0 =	sor.u32 s1, s0  }
0xbb: {  	s0 =	sadd.s32 $0x8F2B, s0  }
0xbc: {  	[sflag:s0] =	ssyncadd.remote.s32 $0x1  }
0xbd: {  	_ =	sfence.sel $0xFFFF  }
0xbe: {  	[dreg:$0x0] =	wrdreg $0xFFFFFFFF;
	(pc) =	sbr.abs _section_cstart, $3  }
0xbf: {  	[dreg:$0x1] =	wrdreg $0xFFFFFFFF  }
0xc0: {  	_ =	task.clear_ibuf [dreg:s6], $0x2FFFF;
	_ =	strace $0x9FFFFFFF  }
0xc1: {  	(tm) =	ssettm $0x7FFFFFFF  }
tec
execute0_lowered:
.L_overlay_start_1:
0x0: {  	(tag) =	ssettag $0x1  }
0x1: {  	s3 =	rddreg [dreg:$0x0];
	s2 =	srdreg.scid  }
0x2: {  	s0 =	rddreg [dreg:$0x1];
	s1 =	stileid.u32;
	s7 =	simm.s32 $0x10000  }
0x3: {  	s8 =	simm.s32 $0x1;
	s9 =	simm.s32 $0x2000;
	s10 =	simm.s32 $0x0  }
0x4: {  	s4 =	sand.u32 $0x1, s2;
	s2 =	simm.s32 $0x0;
	s5 =	sshll.u32 s1, $0x9  }
0x5: {  	s6 =	sshll.u32 s4, $0x8;
	[smem:$0x7FF] =	sst s2;
	s4 =	ssub.s32 $0x2, s4  }
0x6: {  	s5 =	sor.u32 s6, s5;
	_ =	strace $0x80000047;
	s30 =	sshrl.u32 s4, $0x1  }
0x7: {  	s6 =	simm.s32 $0x800;
	s5 =	sadd.s32 s5, s3;
	s31 =	ssub.s32 s4, s30  }
0x8: {  	v8 =	vimm.f32 $0.0e+00;
	s3 =	sadd.s32 $0x1000, s5;
	s4 =	sadd.s32 $0x9000, s5;
	s5 =	smax.u32 s31, $0x1  }
.LBB2_1:
0x9: {  	[tilespmem:s2], [sflag:$0x1] =	stream.strided.gather [hbm4b:s3+s6], $0x2000, s7, s6, $0x38;
	[tilespmem:$0x4000] =	vst v63  }
0xa: {  	_ =	swait.ge [sflag:s8], $0x2000  }
0xb: {  	[sflag:s8] =	ssyncset.done $0x0  }
0xc: {  	s11 =	simm.s32 $0x0;
	s12 =	simm.s32 $0x0;
	[sflag:s8] =	ssyncadd.s32 $0xFFFFE000  }
.LBB2_2:
0xd: {  	s13 =	sand.u32 $0x70, s12;
	s15 =	sand.u32 $0x400, s11  }
0xe: {  	s14 =	sand.u32 $0xFFFFFC00, s11;
	s13 =	sor.u32 s13, s15  }
0xf: {  	s21 =	sadd.s32 s14, s12;
	v7 =	vld [tilespmem:s13+$0x0]  }
0x10: {  	s31 =	sor.u32 $0x80, s21;
	v3 =	vld [tilespmem:s13+$0x100]  }
0x11: {  	s14 =	sor.u32 $0x180, s21;
	v6 =	vld [tilespmem:s31+$0x0]  }
0x12: {  	v2 =	vld [tilespmem:s14+$0x0];
	_ =	sdelay $0x1  }
0x13: {  	v0 =	vimm.f32 $0.0e+00  }
0x14: {  	v4 =	vadd.s32 $0xFFFFFFFF, v7;
	v49 =	vxor.u32 v7, v3;
	v50 =	vsub.s32 $0x0, v3  }
0x15: {  	v1 =	vxor.u32 v7, v6;
	v5 =	vsub.s32 $0x0, v6;
	vm0 =	vgt.s32 v4, $0xFFFFFFFF  }
0x16: {  	v4 =	vsub.s32 $0x0, v49;
	v9 =	vxor.u32 v6, v3;
	v10 =	vsub.s32 $0x0, v2  }
0x17: {  	v1 =	vsub.s32 $0x0, v1;
	v4 =	vand.u32 v50, v4;
	v51 =	vsub.s32 $0x0, v9  }
0x18: {  	v9 =	vxor.u32 v7, v2;
	v48 =	vand.u32 v5, v1;
	v1 =	vsel vm0, $0x3F800000, v8;
	v8 =	vld [tilespmem:s13+$0x200]  }
0x19: {  	v11 =	vxor.u32 v6, v2;
	v9 =	vsub.s32 $0x0, v9;
	v4 =	vand.u32 v51, v4  }
0x1a: {  	s16 =	sor.u32 $0x280, s21;
	v9 =	vand.u32 v10, v9;
	v10 =	vsub.s32 $0x0, v11;
	v11 =	vxor.u32 v3, v2  }
0x1b: {  	vm9 =	vlt.s32 v48, $0x0;
	v10 =	vand.u32 v10, v9;
	v11 =	vsub.s32 $0x0, v11;
	v9 =	vld [tilespmem:s16+$0x0]  }
0x1c: {  	vm10 =	vlt.s32 v4, $0x0;
	v5 =	vsel vm9, $0x3F800000, v0;
	v10 =	vand.u32 v11, v10  }
0x1d: {  	v4 =	vsel vm10, $0x3F800000, v0;
	vm11 =	vlt.s32 v10, $0x0;
	v10 =	vxor.u32 v7, v8  }
0x1e: {  	v11 =	vsub.s32 $0x0, v8;
	v12 =	vxor.u32 v6, v8;
	v10 =	vsub.s32 $0x0, v10  }
0x1f: {  	v52 =	vxor.u32 v3, v8;
	v53 =	vxor.u32 v2, v8;
	v10 =	vand.u32 v11, v10  }
0x20: {  	v11 =	vsub.s32 $0x0, v12;
	v54 =	vxor.u32 v7, v9;
	v13 =	vsub.s32 $0x0, v9  }
0x21: {  	v15 =	vxor.u32 v6, v9;
	v56 =	vxor.u32 v3, v9;
	v58 =	vxor.u32 v2, v9  }
0x22: {  	v60 =	vxor.u32 v8, v9;
	v10 =	vand.u32 v11, v10;
	v11 =	vsub.s32 $0x0, v52  }
0x23: {  	v12 =	vld [tilespmem:s13+$0x300];
	v14 =	vsub.s32 $0x0, v54;
	v55 =	vsub.s32 $0x0, v15;
	v57 =	vsub.s32 $0x0, v56  }
0x24: {  	v10 =	vand.u32 v11, v10;
	v11 =	vsub.s32 $0x0, v53;
	v13 =	vand.u32 v13, v14  }
0x25: {  	v59 =	vsub.s32 $0x0, v58;
	v13 =	vand.u32 v55, v13;
	v11 =	vand.u32 v11, v10  }
0x26: {  	v61 =	vsub.s32 $0x0, v60;
	v13 =	vand.u32 v57, v13;
	vm12 =	vlt.s32 v11, $0x0  }
0x27: {  	v10 =	vsel vm11, $0x3F800000, v0;
	v13 =	vand.u32 v59, v13;
	v11 =	vsel vm12, $0x3F800000, v0  }
0x28: {  	s19 =	sor.u32 s12, s11;
	v62 =	vxor.u32 v7, v12;
	v63 =	vsub.s32 $0x0, v12;
	v16 =	vxor.u32 v6, v12  }
0x29: {  	s17 =	sor.u32 $0x380, s19;
	v21 =	vxor.u32 v3, v12;
	v13 =	vand.u32 v61, v13;
	v14 =	vsub.s32 $0x0, v62  }
0x2a: {  	v20 =	vsub.s32 $0x0, v16;
	vm13 =	vlt.s32 v13, $0x0;
	v13 =	vld [tilespmem:s17+$0x0];
	v14 =	vand.u32 v63, v14  }
0x2b: {  	v23 =	vxor.u32 v2, v12;
	v22 =	vsub.s32 $0x0, v21;
	v14 =	vand.u32 v20, v14  }
0x2c: {  	v25 =	vxor.u32 v8, v12;
	v24 =	vsub.s32 $0x0, v23;
	v14 =	vand.u32 v22, v14  }
0x2d: {  	v27 =	vxor.u32 v9, v12;
	v26 =	vsub.s32 $0x0, v25;
	v14 =	vand.u32 v24, v14  }
0x2e: {  	v28 =	vsub.s32 $0x0, v27;
	v15 =	vsel vm13, $0x3F800000, v0;
	v14 =	vand.u32 v26, v14  }
0x2f: {  	v29 =	vxor.u32 v7, v13;
	v17 =	vsub.s32 $0x0, v13;
	v18 =	vxor.u32 v6, v13  }
0x30: {  	v31 =	vxor.u32 v3, v13;
	v19 =	vxor.u32 v2, v13;
	v16 =	vsub.s32 $0x0, v29  }
0x31: {  	v33 =	vxor.u32 v8, v13;
	v30 =	vsub.s32 $0x0, v18;
	v16 =	vand.u32 v17, v16  }
0x32: {  	v35 =	vxor.u32 v9, v13;
	v18 =	vsub.s32 $0x0, v31;
	v17 =	vand.u32 v30, v16;
	v16 =	vld [tilespmem:s13+$0x800]  }
0x33: {  	v37 =	vxor.u32 v12, v13;
	v32 =	vsub.s32 $0x0, v19;
	v17 =	vand.u32 v18, v17  }
0x34: {  	v14 =	vand.u32 v28, v14;
	v34 =	vsub.s32 $0x0, v33;
	v17 =	vand.u32 v32, v17  }
0x35: {  	v36 =	vsub.s32 $0x0, v35;
	vm14 =	vlt.s32 v14, $0x0;
	v17 =	vand.u32 v34, v17  }
0x36: {  	v38 =	vsub.s32 $0x0, v37;
	v14 =	vsel vm14, $0x3F800000, v0;
	v17 =	vand.u32 v36, v17  }
0x37: {  	v17 =	vand.u32 v38, v17;
	v39 =	vxor.u32 v7, v16;
	v40 =	vsub.s32 $0x0, v16  }
0x38: {  	v41 =	vxor.u32 v6, v16;
	v20 =	vxor.u32 v3, v16;
	v43 =	vxor.u32 v2, v16  }
0x39: {  	s18 =	sor.u32 $0x880, s21;
	v45 =	vxor.u32 v8, v16;
	vm15 =	vlt.s32 v17, $0x0;
	v17 =	vsub.s32 $0x0, v39  }
0x3a: {  	v47 =	vxor.u32 v9, v16;
	v19 =	vsub.s32 $0x0, v41;
	v18 =	vand.u32 v40, v17;
	v17 =	vld [tilespmem:s18+$0x0]  }
0x3b: {  	v49 =	vxor.u32 v12, v16;
	v42 =	vsub.s32 $0x0, v20;
	v18 =	vand.u32 v19, v18  }
0x3c: {  	v51 =	vxor.u32 v13, v16;
	v44 =	vsub.s32 $0x0, v43;
	v18 =	vand.u32 v42, v18  }
0x3d: {  	v46 =	vsub.s32 $0x0, v45;
	v48 =	vsub.s32 $0x0, v47;
	v18 =	vand.u32 v44, v18  }
0x3e: {  	v50 =	vsub.s32 $0x0, v49;
	v20 =	vsub.s32 $0x0, v51;
	v18 =	vand.u32 v46, v18  }
0x3f: {  	v18 =	vand.u32 v48, v18;
	v52 =	vxor.u32 v7, v17;
	v21 =	vsub.s32 $0x0, v17  }
0x40: {  	v22 =	vxor.u32 v6, v17;
	v54 =	vxor.u32 v3, v17;
	v56 =	vxor.u32 v2, v17  }
0x41: {  	v58 =	vxor.u32 v8, v17;
	v23 =	vxor.u32 v9, v17;
	v19 =	vsub.s32 $0x0, v52  }
0x42: {  	v60 =	vxor.u32 v12, v17;
	v53 =	vsub.s32 $0x0, v22;
	v19 =	vand.u32 v21, v19  }
0x43: {  	v62 =	vxor.u32 v13, v17;
	v55 =	vsub.s32 $0x0, v54;
	v19 =	vand.u32 v53, v19  }
0x44: {  	v24 =	vxor.u32 v16, v17;
	v57 =	vsub.s32 $0x0, v56;
	v19 =	vand.u32 v55, v19  }
0x45: {  	v18 =	vand.u32 v50, v18;
	v22 =	vsub.s32 $0x0, v58;
	v21 =	vand.u32 v57, v19;
	v19 =	vld [tilespmem:s13+$0x900]  }
0x46: {  	v59 =	vsub.s32 $0x0, v23;
	v61 =	vsub.s32 $0x0, v60;
	v21 =	vand.u32 v22, v21  }
0x47: {  	v63 =	vsub.s32 $0x0, v62;
	v18 =	vand.u32 v20, v18;
	v21 =	vand.u32 v59, v21  }
0x48: {  	v25 =	vsub.s32 $0x0, v24;
	vm4 =	vlt.s32 v18, $0x0;
	v21 =	vand.u32 v61, v21  }
0x49: {  	v20 =	vsel vm15, $0x3F800000, v0;
	v18 =	vsel vm4, $0x3F800000, v0;
	v21 =	vand.u32 v63, v21  }
0x4a: {  	v21 =	vand.u32 v25, v21;
	v26 =	vxor.u32 v7, v19;
	v27 =	vsub.s32 $0x0, v19  }
0x4b: {  	v28 =	vxor.u32 v6, v19;
	v30 =	vxor.u32 v3, v19;
	v32 =	vxor.u32 v2, v19  }
0x4c: {  	v24 =	vxor.u32 v8, v19;
	vm5 =	vlt.s32 v21, $0x0;
	v21 =	vsub.s32 $0x0, v26  }
0x4d: {  	v34 =	vxor.u32 v9, v19;
	v29 =	vsub.s32 $0x0, v28;
	v21 =	vand.u32 v27, v21  }
0x4e: {  	s20 =	sor.u32 $0x980, s21;
	v36 =	vxor.u32 v12, v19;
	v31 =	vsub.s32 $0x0, v30;
	v21 =	vand.u32 v29, v21  }
0x4f: {  	v38 =	vxor.u32 v13, v19;
	v23 =	vsub.s32 $0x0, v32;
	v22 =	vand.u32 v31, v21;
	v21 =	vld [tilespmem:s20+$0x0]  }
0x50: {  	v40 =	vxor.u32 v16, v19;
	v33 =	vsub.s32 $0x0, v24;
	v22 =	vand.u32 v23, v22  }
0x51: {  	v42 =	vxor.u32 v17, v19;
	v35 =	vsub.s32 $0x0, v34;
	v22 =	vand.u32 v33, v22  }
0x52: {  	v37 =	vsub.s32 $0x0, v36;
	v39 =	vsub.s32 $0x0, v38;
	v22 =	vand.u32 v35, v22  }
0x53: {  	v41 =	vsub.s32 $0x0, v40;
	v24 =	vsub.s32 $0x0, v42;
	v22 =	vand.u32 v37, v22  }
0x54: {  	v22 =	vand.u32 v39, v22;
	v43 =	vxor.u32 v7, v21;
	v25 =	vsub.s32 $0x0, v21  }
0x55: {  	v26 =	vxor.u32 v6, v21;
	v45 =	vxor.u32 v3, v21;
	v47 =	vxor.u32 v2, v21  }
0x56: {  	v49 =	vxor.u32 v8, v21;
	v23 =	vand.u32 v41, v22;
	v22 =	vsub.s32 $0x0, v43  }
0x57: {  	v51 =	vxor.u32 v9, v21;
	v44 =	vsub.s32 $0x0, v26;
	v22 =	vand.u32 v25, v22  }
0x58: {  	v53 =	vxor.u32 v12, v21;
	v46 =	vsub.s32 $0x0, v45;
	v22 =	vand.u32 v44, v22  }
0x59: {  	v27 =	vxor.u32 v13, v21;
	v48 =	vsub.s32 $0x0, v47;
	v22 =	vand.u32 v46, v22  }
0x5a: {  	v55 =	vxor.u32 v16, v21;
	v50 =	vsub.s32 $0x0, v49;
	v22 =	vand.u32 v48, v22  }
0x5b: {  	v57 =	vxor.u32 v17, v21;
	v52 =	vsub.s32 $0x0, v51;
	v22 =	vand.u32 v50, v22  }
0x5c: {  	v59 =	vxor.u32 v19, v21;
	v26 =	vsub.s32 $0x0, v53;
	v25 =	vand.u32 v52, v22;
	v22 =	vld [tilespmem:s13+$0xA00]  }
0x5d: {  	v54 =	vsub.s32 $0x0, v27;
	v56 =	vsub.s32 $0x0, v55;
	v25 =	vand.u32 v26, v25  }
0x5e: {  	v58 =	vsub.s32 $0x0, v57;
	v23 =	vand.u32 v24, v23;
	v25 =	vand.u32 v54, v25  }
0x5f: {  	v60 =	vsub.s32 $0x0, v59;
	vm6 =	vlt.s32 v23, $0x0;
	v25 =	vand.u32 v56, v25  }
0x60: {  	v24 =	vsel vm5, $0x3F800000, v0;
	v23 =	vsel vm6, $0x3F800000, v0;
	v25 =	vand.u32 v58, v25  }
0x61: {  	v25 =	vand.u32 v60, v25;
	v61 =	vxor.u32 v7, v22;
	v62 =	vsub.s32 $0x0, v22  }
0x62: {  	v63 =	vxor.u32 v6, v22;
	v31 =	vxor.u32 v3, v22;
	v33 =	vxor.u32 v2, v22  }
0x63: {  	v35 =	vxor.u32 v8, v22;
	vm7 =	vlt.s32 v25, $0x0;
	v25 =	vsub.s32 $0x0, v61  }
0x64: {  	v37 =	vxor.u32 v9, v22;
	v30 =	vsub.s32 $0x0, v63;
	v25 =	vand.u32 v62, v25  }
0x65: {  	v28 =	vxor.u32 v12, v22;
	v32 =	vsub.s32 $0x0, v31;
	v25 =	vand.u32 v30, v25  }
0x66: {  	v39 =	vxor.u32 v13, v22;
	v34 =	vsub.s32 $0x0, v33;
	v25 =	vand.u32 v32, v25  }
0x67: {  	s22 =	sor.u32 $0xA80, s21;
	v41 =	vxor.u32 v16, v22;
	v36 =	vsub.s32 $0x0, v35;
	v25 =	vand.u32 v34, v25  }
0x68: {  	v43 =	vxor.u32 v17, v22;
	v27 =	vsub.s32 $0x0, v37;
	v26 =	vand.u32 v36, v25;
	v25 =	vld [tilespmem:s22+$0x0]  }
0x69: {  	v45 =	vxor.u32 v19, v22;
	v38 =	vsub.s32 $0x0, v28;
	v26 =	vand.u32 v27, v26  }
0x6a: {  	v47 =	vxor.u32 v21, v22;
	v40 =	vsub.s32 $0x0, v39;
	v26 =	vand.u32 v38, v26  }
0x6b: {  	v42 =	vsub.s32 $0x0, v41;
	v44 =	vsub.s32 $0x0, v43;
	v26 =	vand.u32 v40, v26  }
0x6c: {  	v46 =	vsub.s32 $0x0, v45;
	v28 =	vsub.s32 $0x0, v47;
	v26 =	vand.u32 v42, v26  }
0x6d: {  	v26 =	vand.u32 v44, v26;
	v48 =	vxor.u32 v7, v25;
	v29 =	vsub.s32 $0x0, v25  }
0x6e: {  	v30 =	vxor.u32 v6, v25;
	v50 =	vxor.u32 v3, v25;
	v52 =	vxor.u32 v2, v25  }
0x6f: {  	v54 =	vxor.u32 v8, v25;
	v27 =	vand.u32 v46, v26;
	v26 =	vsub.s32 $0x0, v48  }
0x70: {  	v56 =	vxor.u32 v9, v25;
	v49 =	vsub.s32 $0x0, v30;
	v26 =	vand.u32 v29, v26  }
0x71: {  	v58 =	vxor.u32 v12, v25;
	v51 =	vsub.s32 $0x0, v50;
	v26 =	vand.u32 v49, v26  }
0x72: {  	v60 =	vxor.u32 v13, v25;
	v53 =	vsub.s32 $0x0, v52;
	v26 =	vand.u32 v51, v26  }
0x73: {  	v62 =	vxor.u32 v16, v25;
	v55 =	vsub.s32 $0x0, v54;
	v26 =	vand.u32 v53, v26  }
0x74: {  	v31 =	vxor.u32 v17, v25;
	v57 =	vsub.s32 $0x0, v56;
	v26 =	vand.u32 v55, v26  }
0x75: {  	v33 =	vxor.u32 v19, v25;
	v59 =	vsub.s32 $0x0, v58;
	v26 =	vand.u32 v57, v26  }
0x76: {  	v35 =	vxor.u32 v21, v25;
	v61 =	vsub.s32 $0x0, v60;
	v26 =	vand.u32 v59, v26  }
0x77: {  	v37 =	vxor.u32 v22, v25;
	v30 =	vsub.s32 $0x0, v62;
	v29 =	vand.u32 v61, v26;
	v26 =	vld [tilespmem:s13+$0xB00]  }
0x78: {  	v63 =	vsub.s32 $0x0, v31;
	v34 =	vsub.s32 $0x0, v33;
	v29 =	vand.u32 v30, v29  }
0x79: {  	v36 =	vsub.s32 $0x0, v35;
	v27 =	vand.u32 v28, v27;
	v29 =	vand.u32 v63, v29  }
0x7a: {  	v38 =	vsub.s32 $0x0, v37;
	vm8 =	vlt.s32 v27, $0x0;
	v29 =	vand.u32 v34, v29  }
0x7b: {  	v28 =	vsel vm7, $0x3F800000, v0;
	v27 =	vsel vm8, $0x3F800000, v0;
	v29 =	vand.u32 v36, v29  }
0x7c: {  	v29 =	vand.u32 v38, v29;
	v39 =	vxor.u32 v7, v26;
	v40 =	vsub.s32 $0x0, v26  }
0x7d: {  	v41 =	vxor.u32 v6, v26;
	v43 =	vxor.u32 v3, v26;
	v45 =	vxor.u32 v2, v26  }
0x7e: {  	v47 =	vxor.u32 v8, v26;
	vm9 =	vlt.s32 v29, $0x0;
	v29 =	vsub.s32 $0x0, v39  }
0x7f: {  	v49 =	vxor.u32 v9, v26;
	v42 =	vsub.s32 $0x0, v41;
	v29 =	vand.u32 v40, v29  }
0x80: {  	v51 =	vxor.u32 v12, v26;
	v44 =	vsub.s32 $0x0, v43;
	v29 =	vand.u32 v42, v29  }
0x81: {  	v53 =	vxor.u32 v13, v26;
	v46 =	vsub.s32 $0x0, v45;
	v29 =	vand.u32 v44, v29  }
0x82: {  	v32 =	vxor.u32 v16, v26;
	v48 =	vsub.s32 $0x0, v47;
	v29 =	vand.u32 v46, v29  }
0x83: {  	v55 =	vxor.u32 v17, v26;
	v50 =	vsub.s32 $0x0, v49;
	v29 =	vand.u32 v48, v29  }
0x84: {  	s23 =	sor.u32 $0xB80, s19;
	v57 =	vxor.u32 v19, v26;
	v52 =	vsub.s32 $0x0, v51;
	v29 =	vand.u32 v50, v29  }
0x85: {  	v59 =	vxor.u32 v21, v26;
	v31 =	vsub.s32 $0x0, v53;
	v30 =	vand.u32 v52, v29;
	v29 =	vld [tilespmem:s23+$0x0]  }
0x86: {  	v61 =	vxor.u32 v22, v26;
	v54 =	vsub.s32 $0x0, v32;
	v30 =	vand.u32 v31, v30  }
0x87: {  	v63 =	vxor.u32 v25, v26;
	v56 =	vsub.s32 $0x0, v55;
	v30 =	vand.u32 v54, v30  }
0x88: {  	v58 =	vsub.s32 $0x0, v57;
	v60 =	vsub.s32 $0x0, v59;
	v30 =	vand.u32 v56, v30  }
0x89: {  	v62 =	vsub.s32 $0x0, v61;
	v32 =	vsub.s32 $0x0, v63;
	v30 =	vand.u32 v58, v30  }
0x8a: {  	v30 =	vand.u32 v60, v30;
	v36 =	vxor.u32 v7, v29;
	v33 =	vsub.s32 $0x0, v29  }
0x8b: {  	v34 =	vxor.u32 v6, v29;
	v38 =	vxor.u32 v3, v29;
	v40 =	vxor.u32 v2, v29  }
0x8c: {  	v42 =	vxor.u32 v8, v29;
	v31 =	vand.u32 v62, v30;
	v30 =	vsub.s32 $0x0, v36  }
0x8d: {  	v44 =	vxor.u32 v9, v29;
	v37 =	vsub.s32 $0x0, v34;
	v30 =	vand.u32 v33, v30  }
0x8e: {  	v46 =	vxor.u32 v12, v29;
	v39 =	vsub.s32 $0x0, v38;
	v30 =	vand.u32 v37, v30  }
0x8f: {  	v48 =	vxor.u32 v13, v29;
	v41 =	vsub.s32 $0x0, v40;
	v30 =	vand.u32 v39, v30  }
0x90: {  	v50 =	vxor.u32 v16, v29;
	v43 =	vsub.s32 $0x0, v42;
	v30 =	vand.u32 v41, v30  }
0x91: {  	v52 =	vxor.u32 v17, v29;
	v45 =	vsub.s32 $0x0, v44;
	v30 =	vand.u32 v43, v30  }
0x92: {  	v54 =	vxor.u32 v19, v29;
	v47 =	vsub.s32 $0x0, v46;
	v30 =	vand.u32 v45, v30  }
0x93: {  	v35 =	vxor.u32 v21, v29;
	v49 =	vsub.s32 $0x0, v48;
	v30 =	vand.u32 v47, v30  }
0x94: {  	v56 =	vxor.u32 v22, v29;
	v51 =	vsub.s32 $0x0, v50;
	v30 =	vand.u32 v49, v30  }
0x95: {  	v58 =	vxor.u32 v25, v29;
	v53 =	vsub.s32 $0x0, v52;
	v30 =	vand.u32 v51, v30  }
0x96: {  	v60 =	vxor.u32 v26, v29;
	v34 =	vsub.s32 $0x0, v54;
	v33 =	vand.u32 v53, v30;
	v30 =	vld [tilespmem:s13+$0x1000]  }
0x97: {  	v55 =	vsub.s32 $0x0, v35;
	v57 =	vsub.s32 $0x0, v56;
	v33 =	vand.u32 v34, v33  }
0x98: {  	v59 =	vsub.s32 $0x0, v58;
	v31 =	vand.u32 v32, v31;
	v33 =	vand.u32 v55, v33  }
0x99: {  	v61 =	vsub.s32 $0x0, v60;
	vm10 =	vlt.s32 v31, $0x0;
	v33 =	vand.u32 v57, v33  }
0x9a: {  	v32 =	vsel vm9, $0x3F800000, v0;
	v31 =	vsel vm10, $0x3F800000, v0;
	v33 =	vand.u32 v59, v33  }
0x9b: {  	v33 =	vand.u32 v61, v33;
	v62 =	vxor.u32 v7, v30;
	v63 =	vsub.s32 $0x0, v30  }
0x9c: {  	v36 =	vxor.u32 v6, v30;
	v38 =	vxor.u32 v3, v30;
	v40 =	vxor.u32 v2, v30  }
0x9d: {  	v42 =	vxor.u32 v8, v30;
	vm11 =	vlt.s32 v33, $0x0;
	v33 =	vsub.s32 $0x0, v62  }
0x9e: {  	v44 =	vxor.u32 v9, v30;
	v37 =	vsub.s32 $0x0, v36;
	v33 =	vand.u32 v63, v33  }
0x9f: {  	v46 =	vxor.u32 v12, v30;
	v39 =	vsub.s32 $0x0, v38;
	v33 =	vand.u32 v37, v33  }
0xa0: {  	v48 =	vxor.u32 v13, v30;
	v41 =	vsub.s32 $0x0, v40;
	v33 =	vand.u32 v39, v33  }
0xa1: {  	v50 =	vxor.u32 v16, v30;
	v43 =	vsub.s32 $0x0, v42;
	v33 =	vand.u32 v41, v33  }
0xa2: {  	v52 =	vxor.u32 v17, v30;
	v45 =	vsub.s32 $0x0, v44;
	v33 =	vand.u32 v43, v33  }
0xa3: {  	v54 =	vxor.u32 v21, v30;
	v47 =	vsub.s32 $0x0, v46;
	v33 =	vand.u32 v45, v33  }
0xa4: {  	v56 =	vxor.u32 v22, v30;
	v49 =	vsub.s32 $0x0, v48;
	v33 =	vand.u32 v47, v33  }
0xa5: {  	s24 =	sor.u32 $0x1080, s21;
	v58 =	vxor.u32 v25, v30;
	v51 =	vsub.s32 $0x0, v50;
	v33 =	vand.u32 v49, v33  }
0xa6: {  	v35 =	vsub.s32 $0x0, v52;
	v36 =	vxor.u32 v19, v30;
	v34 =	vand.u32 v51, v33;
	v33 =	vld [tilespmem:s24+$0x0]  }
0xa7: {  	v60 =	vxor.u32 v26, v30;
	v53 =	vsub.s32 $0x0, v36;
	v34 =	vand.u32 v35, v34  }
0xa8: {  	v55 =	vsub.s32 $0x0, v54;
	v57 =	vsub.s32 $0x0, v56;
	v34 =	vand.u32 v53, v34  }
0xa9: {  	v59 =	vsub.s32 $0x0, v58;
	v62 =	vxor.u32 v29, v30;
	v34 =	vand.u32 v55, v34  }
0xaa: {  	v61 =	vsub.s32 $0x0, v60;
	v36 =	vsub.s32 $0x0, v62;
	v34 =	vand.u32 v57, v34  }
0xab: {  	v34 =	vand.u32 v59, v34;
	v63 =	vxor.u32 v7, v33;
	v37 =	vsub.s32 $0x0, v33  }
0xac: {  	v38 =	vxor.u32 v6, v33;
	v41 =	vxor.u32 v3, v33;
	v43 =	vxor.u32 v2, v33  }
0xad: {  	v45 =	vxor.u32 v8, v33;
	v35 =	vand.u32 v61, v34;
	v34 =	vsub.s32 $0x0, v63  }
0xae: {  	v47 =	vxor.u32 v9, v33;
	v40 =	vsub.s32 $0x0, v38;
	v34 =	vand.u32 v37, v34  }
0xaf: {  	v49 =	vxor.u32 v12, v33;
	v42 =	vsub.s32 $0x0, v41;
	v34 =	vand.u32 v40, v34  }
0xb0: {  	v51 =	vxor.u32 v13, v33;
	v44 =	vsub.s32 $0x0, v43;
	v34 =	vand.u32 v42, v34  }
0xb1: {  	v53 =	vxor.u32 v16, v33;
	v46 =	vsub.s32 $0x0, v45;
	v34 =	vand.u32 v44, v34  }
0xb2: {  	v55 =	vxor.u32 v17, v33;
	v48 =	vsub.s32 $0x0, v47;
	v34 =	vand.u32 v46, v34  }
0xb3: {  	v57 =	vxor.u32 v19, v33;
	v50 =	vsub.s32 $0x0, v49;
	v34 =	vand.u32 v48, v34  }
0xb4: {  	v59 =	vxor.u32 v21, v33;
	v52 =	vsub.s32 $0x0, v51;
	v34 =	vand.u32 v50, v34  }
0xb5: {  	v39 =	vxor.u32 v25, v33;
	v54 =	vsub.s32 $0x0, v53;
	v34 =	vand.u32 v52, v34  }
0xb6: {  	v56 =	vsub.s32 $0x0, v55;
	v58 =	vsub.s32 $0x0, v57;
	v34 =	vand.u32 v54, v34  }
0xb7: {  	v60 =	vsub.s32 $0x0, v59;
	v61 =	vxor.u32 v22, v33;
	v34 =	vand.u32 v56, v34  }
0xb8: {  	v62 =	vsub.s32 $0x0, v39;
	v63 =	vxor.u32 v26, v33;
	v34 =	vand.u32 v58, v34  }
0xb9: {  	v43 =	vxor.u32 v29, v33;
	v38 =	vsub.s32 $0x0, v61;
	v37 =	vand.u32 v60, v34;
	v34 =	vld [tilespmem:s13+$0x1100]  }
0xba: {  	v45 =	vxor.u32 v30, v33;
	v35 =	vand.u32 v36, v35;
	v37 =	vand.u32 v38, v37  }
0xbb: {  	v36 =	vsel vm11, $0x3F800000, v0;
	v42 =	vsub.s32 $0x0, v63;
	v37 =	vand.u32 v62, v37  }
0xbc: {  	vm12 =	vlt.s32 v35, $0x0;
	v44 =	vsub.s32 $0x0, v43;
	v37 =	vand.u32 v42, v37  }
0xbd: {  	v35 =	vsel vm12, $0x3F800000, v0;
	v46 =	vsub.s32 $0x0, v45;
	v37 =	vand.u32 v44, v37  }
0xbe: {  	v37 =	vand.u32 v46, v37;
	v47 =	vxor.u32 v7, v34;
	v48 =	vsub.s32 $0x0, v34  }
0xbf: {  	v49 =	vxor.u32 v6, v34;
	v51 =	vxor.u32 v3, v34;
	v53 =	vxor.u32 v2, v34  }
0xc0: {  	v55 =	vxor.u32 v8, v34;
	vm13 =	vlt.s32 v37, $0x0;
	v37 =	vsub.s32 $0x0, v47  }
0xc1: {  	v57 =	vxor.u32 v9, v34;
	v50 =	vsub.s32 $0x0, v49;
	v37 =	vand.u32 v48, v37  }
0xc2: {  	v59 =	vxor.u32 v12, v34;
	v52 =	vsub.s32 $0x0, v51;
	v37 =	vand.u32 v50, v37  }
0xc3: {  	v61 =	vxor.u32 v13, v34;
	v54 =	vsub.s32 $0x0, v53;
	v37 =	vand.u32 v52, v37  }
0xc4: {  	v63 =	vxor.u32 v16, v34;
	v56 =	vsub.s32 $0x0, v55;
	v37 =	vand.u32 v54, v37  }
0xc5: {  	v43 =	vxor.u32 v17, v34;
	v58 =	vsub.s32 $0x0, v57;
	v37 =	vand.u32 v56, v37  }
0xc6: {  	v45 =	vxor.u32 v19, v34;
	v60 =	vsub.s32 $0x0, v59;
	v37 =	vand.u32 v58, v37  }
0xc7: {  	v40 =	vxor.u32 v22, v34;
	v62 =	vsub.s32 $0x0, v61;
	v37 =	vand.u32 v60, v37  }
0xc8: {  	v42 =	vsub.s32 $0x0, v63;
	v44 =	vsub.s32 $0x0, v43;
	v37 =	vand.u32 v62, v37  }
0xc9: {  	v46 =	vsub.s32 $0x0, v45;
	v47 =	vxor.u32 v21, v34;
	v37 =	vand.u32 v42, v37  }
0xca: {  	s25 =	sor.u32 $0x1180, s21;
	v49 =	vxor.u32 v25, v34;
	v51 =	vxor.u32 v26, v34;
	v37 =	vand.u32 v44, v37  }
0xcb: {  	v53 =	vxor.u32 v29, v34;
	v39 =	vsub.s32 $0x0, v47;
	v38 =	vand.u32 v46, v37;
	v37 =	vld [tilespmem:s25+$0x0]  }
0xcc: {  	v55 =	vxor.u32 v30, v34;
	v48 =	vsub.s32 $0x0, v40;
	v38 =	vand.u32 v39, v38  }
0xcd: {  	v57 =	vxor.u32 v33, v34;
	v50 =	vsub.s32 $0x0, v49;
	v38 =	vand.u32 v48, v38  }
0xce: {  	v40 =	vsub.s32 $0x0, v57;
	v52 =	vsub.s32 $0x0, v51;
	v38 =	vand.u32 v50, v38  }
0xcf: {  	v54 =	vsub.s32 $0x0, v53;
	v56 =	vsub.s32 $0x0, v55;
	v38 =	vand.u32 v52, v38  }
0xd0: {  	v38 =	vand.u32 v54, v38;
	v58 =	vxor.u32 v7, v37;
	v41 =	vsub.s32 $0x0, v37  }
0xd1: {  	v42 =	vxor.u32 v6, v37;
	v60 =	vxor.u32 v3, v37;
	v62 =	vxor.u32 v2, v37  }
0xd2: {  	v45 =	vxor.u32 v8, v37;
	v39 =	vand.u32 v56, v38;
	v38 =	vsub.s32 $0x0, v58  }
0xd3: {  	v47 =	vxor.u32 v9, v37;
	v59 =	vsub.s32 $0x0, v42;
	v38 =	vand.u32 v41, v38  }
0xd4: {  	v49 =	vxor.u32 v12, v37;
	v61 =	vsub.s32 $0x0, v60;
	v38 =	vand.u32 v59, v38  }
0xd5: {  	v51 =	vxor.u32 v13, v37;
	v63 =	vsub.s32 $0x0, v62;
	v38 =	vand.u32 v61, v38  }
0xd6: {  	v53 =	vxor.u32 v16, v37;
	v46 =	vsub.s32 $0x0, v45;
	v38 =	vand.u32 v63, v38  }
0xd7: {  	v55 =	vxor.u32 v17, v37;
	v48 =	vsub.s32 $0x0, v47;
	v38 =	vand.u32 v46, v38  }
0xd8: {  	v57 =	vxor.u32 v19, v37;
	v50 =	vsub.s32 $0x0, v49;
	v38 =	vand.u32 v48, v38  }
0xd9: {  	v43 =	vxor.u32 v29, v37;
	v52 =	vsub.s32 $0x0, v51;
	v38 =	vand.u32 v50, v38  }
0xda: {  	v54 =	vsub.s32 $0x0, v53;
	v56 =	vsub.s32 $0x0, v55;
	v38 =	vand.u32 v52, v38  }
0xdb: {  	v58 =	vsub.s32 $0x0, v57;
	v47 =	vsub.s32 $0x0, v43;
	v38 =	vand.u32 v54, v38  }
0xdc: {  	v39 =	vand.u32 v40, v39;
	v59 =	vxor.u32 v21, v37;
	v38 =	vand.u32 v56, v38  }
0xdd: {  	v60 =	vsub.s32 $0x0, v59;
	v61 =	vxor.u32 v22, v37;
	v38 =	vand.u32 v58, v38  }
0xde: {  	v62 =	vsub.s32 $0x0, v61;
	v63 =	vxor.u32 v25, v37;
	v38 =	vand.u32 v60, v38  }
0xdf: {  	v45 =	vsub.s32 $0x0, v63;
	v46 =	vxor.u32 v26, v37;
	v38 =	vand.u32 v62, v38  }
0xe0: {  	v40 =	vsel vm13, $0x3F800000, v0;
	v42 =	vsub.s32 $0x0, v46;
	v41 =	vand.u32 v45, v38;
	v38 =	vld [tilespmem:s13+$0x1200]  }
0xe1: {  	vm14 =	vlt.s32 v39, $0x0;
	v48 =	vxor.u32 v30, v37;
	v41 =	vand.u32 v42, v41  }
0xe2: {  	v49 =	vsub.s32 $0x0, v48;
	v50 =	vxor.u32 v33, v37;
	v41 =	vand.u32 v47, v41  }
0xe3: {  	v51 =	vsub.s32 $0x0, v50;
	v52 =	vxor.u32 v34, v37;
	v41 =	vand.u32 v49, v41  }
0xe4: {  	v39 =	vsel vm14, $0x3F800000, v0;
	v53 =	vsub.s32 $0x0, v52;
	v41 =	vand.u32 v51, v41  }
0xe5: {  	v41 =	vand.u32 v53, v41;
	v54 =	vxor.u32 v7, v38;
	v55 =	vsub.s32 $0x0, v38  }
0xe6: {  	v56 =	vxor.u32 v6, v38;
	v58 =	vxor.u32 v3, v38;
	v60 =	vxor.u32 v2, v38  }
0xe7: {  	v62 =	vxor.u32 v8, v38;
	vm15 =	vlt.s32 v41, $0x0;
	v41 =	vsub.s32 $0x0, v54  }
0xe8: {  	v45 =	vxor.u32 v9, v38;
	v57 =	vsub.s32 $0x0, v56;
	v41 =	vand.u32 v55, v41  }
0xe9: {  	v47 =	vxor.u32 v12, v38;
	v59 =	vsub.s32 $0x0, v58;
	v41 =	vand.u32 v57, v41  }
0xea: {  	v49 =	vxor.u32 v13, v38;
	v61 =	vsub.s32 $0x0, v60;
	v41 =	vand.u32 v59, v41  }
0xeb: {  	v51 =	vxor.u32 v16, v38;
	v63 =	vsub.s32 $0x0, v62;
	v41 =	vand.u32 v61, v41  }
0xec: {  	v53 =	vxor.u32 v17, v38;
	v46 =	vsub.s32 $0x0, v45;
	v41 =	vand.u32 v63, v41  }
0xed: {  	v44 =	vxor.u32 v26, v38;
	v48 =	vsub.s32 $0x0, v47;
	v41 =	vand.u32 v46, v41  }
0xee: {  	v50 =	vsub.s32 $0x0, v49;
	v52 =	vsub.s32 $0x0, v51;
	v41 =	vand.u32 v48, v41  }
0xef: {  	v54 =	vsub.s32 $0x0, v53;
	v62 =	vsub.s32 $0x0, v44;
	v41 =	vand.u32 v50, v41  }
0xf0: {  	v49 =	vxor.u32 v30, v38;
	v55 =	vxor.u32 v19, v38;
	v41 =	vand.u32 v52, v41  }
0xf1: {  	v56 =	vsub.s32 $0x0, v55;
	v57 =	vxor.u32 v21, v38;
	v41 =	vand.u32 v54, v41  }
0xf2: {  	v58 =	vsub.s32 $0x0, v57;
	v59 =	vxor.u32 v22, v38;
	v41 =	vand.u32 v56, v41  }
0xf3: {  	s26 =	sor.u32 $0x1280, s21;
	v60 =	vsub.s32 $0x0, v59;
	v61 =	vxor.u32 v25, v38;
	v41 =	vand.u32 v58, v41  }
0xf4: {  	v51 =	vxor.u32 v33, v38;
	v43 =	vsub.s32 $0x0, v61;
	v42 =	vand.u32 v60, v41;
	v41 =	vld [tilespmem:s26+$0x0]  }
0xf5: {  	v53 =	vxor.u32 v34, v38;
	v63 =	vxor.u32 v29, v38;
	v42 =	vand.u32 v43, v42  }
0xf6: {  	v55 =	vxor.u32 v37, v38;
	v48 =	vsub.s32 $0x0, v63;
	v42 =	vand.u32 v62, v42  }
0xf7: {  	v44 =	vsub.s32 $0x0, v55;
	v50 =	vsub.s32 $0x0, v49;
	v42 =	vand.u32 v48, v42  }
0xf8: {  	v52 =	vsub.s32 $0x0, v51;
	v54 =	vsub.s32 $0x0, v53;
	v42 =	vand.u32 v50, v42  }
0xf9: {  	v42 =	vand.u32 v52, v42;
	v56 =	vxor.u32 v7, v41;
	v45 =	vsub.s32 $0x0, v41  }
0xfa: {  	v46 =	vxor.u32 v6, v41;
	v58 =	vxor.u32 v3, v41;
	v60 =	vxor.u32 v2, v41  }
0xfb: {  	v62 =	vxor.u32 v8, v41;
	v43 =	vand.u32 v54, v42;
	v42 =	vsub.s32 $0x0, v56  }
0xfc: {  	v48 =	vxor.u32 v9, v41;
	v57 =	vsub.s32 $0x0, v46;
	v42 =	vand.u32 v45, v42  }
0xfd: {  	v50 =	vxor.u32 v12, v41;
	v59 =	vsub.s32 $0x0, v58;
	v42 =	vand.u32 v57, v42  }
0xfe: {  	v52 =	vxor.u32 v13, v41;
	v61 =	vsub.s32 $0x0, v60;
	v42 =	vand.u32 v59, v42  }
0xff: {  	v47 =	vxor.u32 v33, v41;
	v63 =	vsub.s32 $0x0, v62;
	v42 =	vand.u32 v61, v42  }
0x100: {  	v49 =	vsub.s32 $0x0, v48;
	v51 =	vsub.s32 $0x0, v50;
	v42 =	vand.u32 v63, v42  }
0x101: {  	v53 =	vsub.s32 $0x0, v52;
	v54 =	vxor.u32 v16, v41;
	v42 =	vand.u32 v49, v42  }
0x102: {  	v56 =	vxor.u32 v17, v41;
	v58 =	vxor.u32 v19, v41;
	v42 =	vand.u32 v51, v42  }
0x103: {  	v60 =	vxor.u32 v21, v41;
	v55 =	vsub.s32 $0x0, v54;
	v42 =	vand.u32 v53, v42  }
0x104: {  	v62 =	vxor.u32 v22, v41;
	v57 =	vsub.s32 $0x0, v56;
	v42 =	vand.u32 v55, v42  }
0x105: {  	v48 =	vxor.u32 v25, v41;
	v59 =	vsub.s32 $0x0, v58;
	v42 =	vand.u32 v57, v42  }
0x106: {  	v50 =	vxor.u32 v26, v41;
	v61 =	vsub.s32 $0x0, v60;
	v42 =	vand.u32 v59, v42  }
0x107: {  	v52 =	vxor.u32 v29, v41;
	v63 =	vsub.s32 $0x0, v62;
	v42 =	vand.u32 v61, v42  }
0x108: {  	v54 =	vxor.u32 v30, v41;
	v49 =	vsub.s32 $0x0, v48;
	v42 =	vand.u32 v63, v42  }
0x109: {  	v43 =	vand.u32 v44, v43;
	v51 =	vsub.s32 $0x0, v50;
	v42 =	vand.u32 v49, v42  }
0x10a: {  	v44 =	vsel vm15, $0x3F800000, v0;
	v53 =	vsub.s32 $0x0, v52;
	v42 =	vand.u32 v51, v42  }
0x10b: {  	v46 =	vsub.s32 $0x0, v54;
	v56 =	vxor.u32 v34, v41;
	v45 =	vand.u32 v53, v42;
	v42 =	vld [tilespmem:s13+$0x1300]  }
0x10c: {  	vm4 =	vlt.s32 v43, $0x0;
	v55 =	vsub.s32 $0x0, v47;
	v45 =	vand.u32 v46, v45  }
0x10d: {  	v58 =	vxor.u32 v37, v41;
	v57 =	vsub.s32 $0x0, v56;
	v45 =	vand.u32 v55, v45  }
0x10e: {  	v60 =	vxor.u32 v38, v41;
	v59 =	vsub.s32 $0x0, v58;
	v45 =	vand.u32 v57, v45  }
0x10f: {  	v43 =	vsel vm4, $0x3F800000, v0;
	v61 =	vsub.s32 $0x0, v60;
	v45 =	vand.u32 v59, v45  }
0x110: {  	v45 =	vand.u32 v61, v45;
	v62 =	vxor.u32 v7, v42;
	v63 =	vsub.s32 $0x0, v42  }
0x111: {  	v48 =	vxor.u32 v6, v42;
	v50 =	vxor.u32 v3, v42;
	v52 =	vxor.u32 v2, v42  }
0x112: {  	v54 =	vxor.u32 v8, v42;
	vm5 =	vlt.s32 v45, $0x0;
	v45 =	vsub.s32 $0x0, v62  }
0x113: {  	v56 =	vxor.u32 v9, v42;
	v49 =	vsub.s32 $0x0, v48;
	v45 =	vand.u32 v63, v45  }
0x114: {  	v58 =	vxor.u32 v12, v42;
	v51 =	vsub.s32 $0x0, v50;
	v45 =	vand.u32 v49, v45  }
0x115: {  	v60 =	vxor.u32 v13, v42;
	v53 =	vsub.s32 $0x0, v52;
	v45 =	vand.u32 v51, v45  }
0x116: {  	v55 =	vsub.s32 $0x0, v54;
	v57 =	vsub.s32 $0x0, v56;
	v45 =	vand.u32 v53, v45  }
0x117: {  	v59 =	vsub.s32 $0x0, v58;
	v61 =	vsub.s32 $0x0, v60;
	v45 =	vand.u32 v55, v45  }
0x118: {  	v62 =	vxor.u32 v16, v42;
	v48 =	vxor.u32 v17, v42;
	v45 =	vand.u32 v57, v45  }
0x119: {  	v50 =	vxor.u32 v19, v42;
	v52 =	vxor.u32 v21, v42;
	v45 =	vand.u32 v59, v45  }
0x11a: {  	v54 =	vxor.u32 v22, v42;
	v63 =	vsub.s32 $0x0, v62;
	v45 =	vand.u32 v61, v45  }
0x11b: {  	v56 =	vxor.u32 v25, v42;
	v49 =	vsub.s32 $0x0, v48;
	v45 =	vand.u32 v63, v45  }
0x11c: {  	v58 =	vxor.u32 v26, v42;
	v51 =	vsub.s32 $0x0, v50;
	v45 =	vand.u32 v49, v45  }
0x11d: {  	v60 =	vxor.u32 v29, v42;
	v53 =	vsub.s32 $0x0, v52;
	v45 =	vand.u32 v51, v45  }
0x11e: {  	v47 =	vsub.s32 $0x0, v60;
	v55 =	vsub.s32 $0x0, v54;
	v45 =	vand.u32 v53, v45  }
0x11f: {  	v62 =	vxor.u32 v33, v42;
	v57 =	vsub.s32 $0x0, v56;
	v45 =	vand.u32 v55, v45  }
0x120: {  	s28 =	sor.u32 $0x1380, s19;
	v48 =	vxor.u32 v30, v42;
	v59 =	vsub.s32 $0x0, v58;
	v45 =	vand.u32 v57, v45  }
0x121: {  	v52 =	vxor.u32 v34, v42;
	v54 =	vxor.u32 v37, v42;
	v46 =	vand.u32 v59, v45;
	v45 =	vld [tilespmem:s28+$0x0]  }
0x122: {  	v56 =	vxor.u32 v38, v42;
	v61 =	vsub.s32 $0x0, v48;
	v46 =	vand.u32 v47, v46  }
0x123: {  	v58 =	vxor.u32 v41, v42;
	v63 =	vsub.s32 $0x0, v62;
	v46 =	vand.u32 v61, v46  }
0x124: {  	v48 =	vsub.s32 $0x0, v58;
	v53 =	vsub.s32 $0x0, v52;
	v46 =	vand.u32 v63, v46  }
0x125: {  	v55 =	vsub.s32 $0x0, v54;
	v57 =	vsub.s32 $0x0, v56;
	v46 =	vand.u32 v53, v46  }
0x126: {  	v46 =	vand.u32 v55, v46;
	v59 =	vxor.u32 v7, v45;
	v49 =	vsub.s32 $0x0, v45  }
0x127: {  	v50 =	vxor.u32 v6, v45;
	v61 =	vxor.u32 v3, v45;
	v63 =	vxor.u32 v2, v45  }
0x128: {  	v53 =	vxor.u32 v8, v45;
	v47 =	vand.u32 v57, v46;
	v46 =	vsub.s32 $0x0, v59  }
0x129: {  	v55 =	vxor.u32 v9, v45;
	v60 =	vsub.s32 $0x0, v50;
	v46 =	vand.u32 v49, v46  }
0x12a: {  	v51 =	vxor.u32 v37, v45;
	v62 =	vsub.s32 $0x0, v61;
	v46 =	vand.u32 v60, v46  }
0x12b: {  	v52 =	vsub.s32 $0x0, v63;
	v54 =	vsub.s32 $0x0, v53;
	v46 =	vand.u32 v62, v46  }
0x12c: {  	v56 =	vsub.s32 $0x0, v55;
	v57 =	vxor.u32 v12, v45;
	v46 =	vand.u32 v52, v46  }
0x12d: {  	v59 =	vxor.u32 v13, v45;
	v61 =	vxor.u32 v16, v45;
	v46 =	vand.u32 v54, v46  }
0x12e: {  	v63 =	vxor.u32 v17, v45;
	v58 =	vsub.s32 $0x0, v57;
	v46 =	vand.u32 v56, v46  }
0x12f: {  	v53 =	vxor.u32 v19, v45;
	v60 =	vsub.s32 $0x0, v59;
	v46 =	vand.u32 v58, v46  }
0x130: {  	v55 =	vxor.u32 v21, v45;
	v62 =	vsub.s32 $0x0, v61;
	v46 =	vand.u32 v60, v46  }
0x131: {  	v57 =	vxor.u32 v22, v45;
	v52 =	vsub.s32 $0x0, v63;
	v46 =	vand.u32 v62, v46  }
0x132: {  	v47 =	vand.u32 v48, v47;
	v54 =	vsub.s32 $0x0, v53;
	v46 =	vand.u32 v52, v46  }
0x133: {  	v48 =	vsel vm5, $0x3F800000, v0;
	v56 =	vsub.s32 $0x0, v55;
	v46 =	vand.u32 v54, v46  }
0x134: {  	v59 =	vxor.u32 v25, v45;
	v58 =	vsub.s32 $0x0, v57;
	v46 =	vand.u32 v56, v46  }
0x135: {  	v61 =	vxor.u32 v26, v45;
	v60 =	vsub.s32 $0x0, v59;
	v46 =	vand.u32 v58, v46  }
0x136: {  	v63 =	vxor.u32 v29, v45;
	v62 =	vsub.s32 $0x0, v61;
	v46 =	vand.u32 v60, v46  }
0x137: {  	v53 =	vxor.u32 v30, v45;
	v52 =	vsub.s32 $0x0, v63;
	v46 =	vand.u32 v62, v46  }
0x138: {  	v55 =	vxor.u32 v33, v45;
	v54 =	vsub.s32 $0x0, v53;
	v46 =	vand.u32 v52, v46  }
0x139: {  	v57 =	vxor.u32 v34, v45;
	v56 =	vsub.s32 $0x0, v55;
	v46 =	vand.u32 v54, v46  }
0x13a: {  	vm6 =	vlt.s32 v47, $0x0;
	v50 =	vsub.s32 $0x0, v57;
	v49 =	vand.u32 v56, v46;
	v46 =	vld [tilespmem:s13+$0x1800]  }
0x13b: {  	v59 =	vxor.u32 v38, v45;
	v58 =	vsub.s32 $0x0, v51;
	v49 =	vand.u32 v50, v49  }
0x13c: {  	v61 =	vxor.u32 v41, v45;
	v60 =	vsub.s32 $0x0, v59;
	v49 =	vand.u32 v58, v49  }
0x13d: {  	v63 =	vxor.u32 v42, v45;
	v62 =	vsub.s32 $0x0, v61;
	v49 =	vand.u32 v60, v49  }
0x13e: {  	v47 =	vsel vm6, $0x3F800000, v0;
	v52 =	vsub.s32 $0x0, v63;
	v49 =	vand.u32 v62, v49  }
0x13f: {  	v49 =	vand.u32 v52, v49;
	v53 =	vxor.u32 v7, v46;
	v54 =	vsub.s32 $0x0, v46  }
0x140: {  	v55 =	vxor.u32 v6, v46;
	v57 =	vxor.u32 v3, v46;
	v59 =	vxor.u32 v2, v46  }
0x141: {  	v61 =	vxor.u32 v8, v46;
	vm7 =	vlt.s32 v49, $0x0;
	v49 =	vsub.s32 $0x0, v53  }
0x142: {  	v63 =	vxor.u32 v9, v46;
	v56 =	vsub.s32 $0x0, v55;
	v49 =	vand.u32 v54, v49  }
0x143: {  	v52 =	vxor.u32 v34, v46;
	v58 =	vsub.s32 $0x0, v57;
	v49 =	vand.u32 v56, v49  }
0x144: {  	v60 =	vsub.s32 $0x0, v59;
	v62 =	vsub.s32 $0x0, v61;
	v49 =	vand.u32 v58, v49  }
0x145: {  	v55 =	vxor.u32 v12, v46;
	v57 =	vxor.u32 v13, v46;
	v49 =	vand.u32 v60, v49  }
0x146: {  	v59 =	vxor.u32 v16, v46;
	v54 =	vsub.s32 $0x0, v63;
	v49 =	vand.u32 v62, v49  }
0x147: {  	v61 =	vxor.u32 v17, v46;
	v56 =	vsub.s32 $0x0, v55;
	v49 =	vand.u32 v54, v49  }
0x148: {  	v63 =	vxor.u32 v19, v46;
	v58 =	vsub.s32 $0x0, v57;
	v49 =	vand.u32 v56, v49  }
0x149: {  	v55 =	vxor.u32 v21, v46;
	v60 =	vsub.s32 $0x0, v59;
	v49 =	vand.u32 v58, v49  }
0x14a: {  	v57 =	vxor.u32 v22, v46;
	v62 =	vsub.s32 $0x0, v61;
	v49 =	vand.u32 v60, v49  }
0x14b: {  	v59 =	vxor.u32 v25, v46;
	v54 =	vsub.s32 $0x0, v63;
	v49 =	vand.u32 v62, v49  }
0x14c: {  	v61 =	vxor.u32 v26, v46;
	v56 =	vsub.s32 $0x0, v55;
	v49 =	vand.u32 v54, v49  }
0x14d: {  	v63 =	vxor.u32 v29, v46;
	v58 =	vsub.s32 $0x0, v57;
	v49 =	vand.u32 v56, v49  }
0x14e: {  	v55 =	vxor.u32 v30, v46;
	v60 =	vsub.s32 $0x0, v59;
	v49 =	vand.u32 v58, v49  }
0x14f: {  	v57 =	vxor.u32 v33, v46;
	v62 =	vsub.s32 $0x0, v61;
	v49 =	vand.u32 v60, v49  }
0x150: {  	v51 =	vsub.s32 $0x0, v57;
	v54 =	vsub.s32 $0x0, v63;
	v49 =	vand.u32 v62, v49  }
0x151: {  	s29 =	sor.u32 $0x1880, s21;
	v59 =	vxor.u32 v37, v46;
	v56 =	vsub.s32 $0x0, v55;
	v49 =	vand.u32 v54, v49  }
0x152: {  	v57 =	vxor.u32 v42, v46;
	v61 =	vxor.u32 v38, v46;
	v50 =	vand.u32 v56, v49;
	v49 =	vld [tilespmem:s29+$0x0]  }
0x153: {  	v63 =	vxor.u32 v41, v46;
	v58 =	vsub.s32 $0x0, v52;
	v50 =	vand.u32 v51, v50  }
0x154: {  	v60 =	vsub.s32 $0x0, v59;
	v59 =	vxor.u32 v45, v46;
	v50 =	vand.u32 v58, v50  }
0x155: {  	v62 =	vsub.s32 $0x0, v61;
	v52 =	vsub.s32 $0x0, v59;
	v50 =	vand.u32 v60, v50  }
0x156: {  	v56 =	vsub.s32 $0x0, v63;
	v58 =	vsub.s32 $0x0, v57;
	v50 =	vand.u32 v62, v50  }
0x157: {  	v50 =	vand.u32 v56, v50;
	v60 =	vxor.u32 v7, v49;
	v53 =	vsub.s32 $0x0, v49  }
0x158: {  	v54 =	vxor.u32 v6, v49;
	v62 =	vxor.u32 v3, v49;
	v57 =	vxor.u32 v2, v49  }
0x159: {  	v59 =	vxor.u32 v8, v49;
	v51 =	vand.u32 v58, v50;
	v50 =	vsub.s32 $0x0, v60  }
0x15a: {  	v55 =	vxor.u32 v41, v49;
	v61 =	vsub.s32 $0x0, v54;
	v50 =	vand.u32 v53, v50  }
0x15b: {  	v63 =	vsub.s32 $0x0, v62;
	v58 =	vsub.s32 $0x0, v57;
	v50 =	vand.u32 v61, v50  }
0x15c: {  	v60 =	vsub.s32 $0x0, v59;
	v51 =	vand.u32 v52, v51;
	v50 =	vand.u32 v63, v50  }
0x15d: {  	v52 =	vsel vm7, $0x3F800000, v0;
	v61 =	vxor.u32 v9, v49;
	v50 =	vand.u32 v58, v50  }
0x15e: {  	v62 =	vsub.s32 $0x0, v61;
	v63 =	vxor.u32 v12, v49;
	v50 =	vand.u32 v60, v50  }
0x15f: {  	v57 =	vsub.s32 $0x0, v63;
	v58 =	vxor.u32 v13, v49;
	v50 =	vand.u32 v62, v50  }
0x160: {  	v59 =	vsub.s32 $0x0, v58;
	v60 =	vxor.u32 v16, v49;
	v50 =	vand.u32 v57, v50  }
0x161: {  	v61 =	vsub.s32 $0x0, v60;
	v62 =	vxor.u32 v17, v49;
	v50 =	vand.u32 v59, v50  }
0x162: {  	v63 =	vsub.s32 $0x0, v62;
	v57 =	vxor.u32 v19, v49;
	v50 =	vand.u32 v61, v50  }
0x163: {  	v58 =	vsub.s32 $0x0, v57;
	v59 =	vxor.u32 v21, v49;
	v50 =	vand.u32 v63, v50  }
0x164: {  	v60 =	vsub.s32 $0x0, v59;
	v61 =	vxor.u32 v22, v49;
	v50 =	vand.u32 v58, v50  }
0x165: {  	v62 =	vsub.s32 $0x0, v61;
	v63 =	vxor.u32 v25, v49;
	v50 =	vand.u32 v60, v50  }
0x166: {  	v57 =	vsub.s32 $0x0, v63;
	v58 =	vxor.u32 v26, v49;
	v50 =	vand.u32 v62, v50  }
0x167: {  	v59 =	vsub.s32 $0x0, v58;
	v60 =	vxor.u32 v29, v49;
	v50 =	vand.u32 v57, v50  }
0x168: {  	v61 =	vsub.s32 $0x0, v60;
	v62 =	vxor.u32 v30, v49;
	v50 =	vand.u32 v59, v50  }
0x169: {  	v63 =	vsub.s32 $0x0, v62;
	v57 =	vxor.u32 v33, v49;
	v50 =	vand.u32 v61, v50  }
0x16a: {  	v58 =	vsub.s32 $0x0, v57;
	v59 =	vxor.u32 v34, v49;
	v50 =	vand.u32 v63, v50  }
0x16b: {  	v60 =	vsub.s32 $0x0, v59;
	v61 =	vxor.u32 v37, v49;
	v50 =	vand.u32 v58, v50  }
0x16c: {  	v62 =	vsub.s32 $0x0, v61;
	v63 =	vxor.u32 v38, v49;
	v50 =	vand.u32 v60, v50  }
0x16d: {  	vm8 =	vlt.s32 v51, $0x0;
	v54 =	vsub.s32 $0x0, v63;
	v53 =	vand.u32 v62, v50;
	v50 =	vld [tilespmem:s13+$0x1900]  }
0x16e: {  	v57 =	vsub.s32 $0x0, v55;
	v58 =	vxor.u32 v42, v49;
	v53 =	vand.u32 v54, v53  }
0x16f: {  	v59 =	vsub.s32 $0x0, v58;
	v60 =	vxor.u32 v45, v49;
	v53 =	vand.u32 v57, v53  }
0x170: {  	v61 =	vsub.s32 $0x0, v60;
	v62 =	vxor.u32 v46, v49;
	v53 =	vand.u32 v59, v53  }
0x171: {  	v51 =	vsel vm8, $0x3F800000, v0;
	v63 =	vsub.s32 $0x0, v62;
	v53 =	vand.u32 v61, v53  }
0x172: {  	v53 =	vand.u32 v63, v53;
	v57 =	vxor.u32 v7, v50;
	v58 =	vsub.s32 $0x0, v50  }
0x173: {  	v59 =	vxor.u32 v6, v50;
	v61 =	vxor.u32 v3, v50;
	v63 =	vxor.u32 v2, v50  }
0x174: {  	v56 =	vxor.u32 v38, v50;
	vm9 =	vlt.s32 v53, $0x0;
	v53 =	vsub.s32 $0x0, v57  }
0x175: {  	v60 =	vsub.s32 $0x0, v59;
	v62 =	vsub.s32 $0x0, v61;
	v53 =	vand.u32 v58, v53  }
0x176: {  	v57 =	vsub.s32 $0x0, v63;
	v58 =	vxor.u32 v8, v50;
	v53 =	vand.u32 v60, v53  }
0x177: {  	v59 =	vsub.s32 $0x0, v58;
	v60 =	vxor.u32 v9, v50;
	v53 =	vand.u32 v62, v53  }
0x178: {  	v61 =	vsub.s32 $0x0, v60;
	v62 =	vxor.u32 v12, v50;
	v53 =	vand.u32 v57, v53  }
0x179: {  	v63 =	vsub.s32 $0x0, v62;
	v57 =	vxor.u32 v13, v50;
	v53 =	vand.u32 v59, v53  }
0x17a: {  	v58 =	vsub.s32 $0x0, v57;
	v59 =	vxor.u32 v16, v50;
	v53 =	vand.u32 v61, v53  }
0x17b: {  	v60 =	vsub.s32 $0x0, v59;
	v61 =	vxor.u32 v17, v50;
	v53 =	vand.u32 v63, v53  }
0x17c: {  	v62 =	vsub.s32 $0x0, v61;
	v63 =	vxor.u32 v19, v50;
	v53 =	vand.u32 v58, v53  }
0x17d: {  	v57 =	vsub.s32 $0x0, v63;
	v58 =	vxor.u32 v21, v50;
	v53 =	vand.u32 v60, v53  }
0x17e: {  	v59 =	vsub.s32 $0x0, v58;
	v60 =	vxor.u32 v22, v50;
	v53 =	vand.u32 v62, v53  }
0x17f: {  	v61 =	vsub.s32 $0x0, v60;
	v62 =	vxor.u32 v25, v50;
	v53 =	vand.u32 v57, v53  }
0x180: {  	v63 =	vsub.s32 $0x0, v62;
	v57 =	vxor.u32 v26, v50;
	v53 =	vand.u32 v59, v53  }
0x181: {  	v58 =	vsub.s32 $0x0, v57;
	v59 =	vxor.u32 v29, v50;
	v53 =	vand.u32 v61, v53  }
0x182: {  	v60 =	vsub.s32 $0x0, v59;
	v61 =	vxor.u32 v30, v50;
	v53 =	vand.u32 v63, v53  }
0x183: {  	v62 =	vsub.s32 $0x0, v61;
	v63 =	vxor.u32 v33, v50;
	v53 =	vand.u32 v58, v53  }
0x184: {  	v61 =	vsub.s32 $0x0, v56;
	v57 =	vsub.s32 $0x0, v63;
	v53 =	vand.u32 v60, v53  }
0x185: {  	v58 =	vxor.u32 v34, v50;
	v60 =	vxor.u32 v37, v50;
	v53 =	vand.u32 v62, v53  }
0x186: {  	s30 =	sor.u32 $0x1980, s21;
	v59 =	vsub.s32 $0x0, v58;
	v55 =	vsub.s32 $0x0, v60;
	v53 =	vand.u32 v57, v53  }
0x187: {  	v62 =	vxor.u32 v41, v50;
	v60 =	vxor.u32 v42, v50;
	v54 =	vand.u32 v59, v53;
	v53 =	vld [tilespmem:s30+$0x0]  }
0x188: {  	v63 =	vsub.s32 $0x0, v62;
	v62 =	vxor.u32 v45, v50;
	v54 =	vand.u32 v55, v54  }
0x189: {  	v54 =	vand.u32 v61, v54;
	v61 =	vsub.s32 $0x0, v60;
	v60 =	vxor.u32 v46, v50  }
0x18a: {  	v54 =	vand.u32 v63, v54;
	v63 =	vsub.s32 $0x0, v62;
	v62 =	vxor.u32 v49, v50  }
0x18b: {  	v54 =	vand.u32 v61, v54;
	v61 =	vsub.s32 $0x0, v60;
	v56 =	vsub.s32 $0x0, v62  }
0x18c: {  	v54 =	vand.u32 v63, v54;
	v63 =	vxor.u32 v7, v53;
	v57 =	vsub.s32 $0x0, v53  }
0x18d: {  	v58 =	vxor.u32 v6, v53;
	v59 =	vxor.u32 v45, v53;
	v55 =	vand.u32 v61, v54  }
0x18e: {  	v54 =	vsub.s32 $0x0, v63;
	v60 =	vsub.s32 $0x0, v58;
	v61 =	vxor.u32 v3, v53  }
0x18f: {  	v63 =	vxor.u32 v2, v53;
	v54 =	vand.u32 v57, v54;
	v62 =	vsub.s32 $0x0, v61  }
0x190: {  	v61 =	vxor.u32 v8, v53;
	v55 =	vand.u32 v56, v55;
	v54 =	vand.u32 v60, v54  }
0x191: {  	v56 =	vsel vm9, $0x3F800000, v0;
	v60 =	vsub.s32 $0x0, v63;
	v54 =	vand.u32 v62, v54  }
0x192: {  	v63 =	vxor.u32 v9, v53;
	v62 =	vsub.s32 $0x0, v61;
	v54 =	vand.u32 v60, v54  }
0x193: {  	v61 =	vxor.u32 v12, v53;
	v60 =	vsub.s32 $0x0, v63;
	v54 =	vand.u32 v62, v54  }
0x194: {  	v63 =	vxor.u32 v13, v53;
	v62 =	vsub.s32 $0x0, v61;
	v54 =	vand.u32 v60, v54  }
0x195: {  	v61 =	vxor.u32 v16, v53;
	v60 =	vsub.s32 $0x0, v63;
	v54 =	vand.u32 v62, v54  }
0x196: {  	v63 =	vxor.u32 v17, v53;
	v62 =	vsub.s32 $0x0, v61;
	v54 =	vand.u32 v60, v54  }
0x197: {  	v61 =	vxor.u32 v19, v53;
	v60 =	vsub.s32 $0x0, v63;
	v54 =	vand.u32 v62, v54  }
0x198: {  	v63 =	vxor.u32 v21, v53;
	v62 =	vsub.s32 $0x0, v61;
	v54 =	vand.u32 v60, v54  }
0x199: {  	v61 =	vxor.u32 v22, v53;
	v60 =	vsub.s32 $0x0, v63;
	v54 =	vand.u32 v62, v54  }
0x19a: {  	v63 =	vxor.u32 v25, v53;
	v62 =	vsub.s32 $0x0, v61;
	v54 =	vand.u32 v60, v54  }
0x19b: {  	v61 =	vxor.u32 v26, v53;
	v60 =	vsub.s32 $0x0, v63;
	v54 =	vand.u32 v62, v54  }
0x19c: {  	v63 =	vxor.u32 v29, v53;
	v62 =	vsub.s32 $0x0, v61;
	v54 =	vand.u32 v60, v54  }
0x19d: {  	v61 =	vxor.u32 v30, v53;
	v60 =	vsub.s32 $0x0, v63;
	v54 =	vand.u32 v62, v54  }
0x19e: {  	v63 =	vxor.u32 v33, v53;
	v62 =	vsub.s32 $0x0, v61;
	v54 =	vand.u32 v60, v54  }
0x19f: {  	v61 =	vxor.u32 v34, v53;
	v60 =	vsub.s32 $0x0, v63;
	v54 =	vand.u32 v62, v54  }
0x1a0: {  	v63 =	vxor.u32 v37, v53;
	v62 =	vsub.s32 $0x0, v61;
	v54 =	vand.u32 v60, v54  }
0x1a1: {  	v61 =	vxor.u32 v38, v53;
	v60 =	vsub.s32 $0x0, v63;
	v54 =	vand.u32 v62, v54  }
0x1a2: {  	v63 =	vxor.u32 v41, v53;
	v62 =	vsub.s32 $0x0, v61;
	v54 =	vand.u32 v60, v54  }
0x1a3: {  	v61 =	vxor.u32 v42, v53;
	v60 =	vsub.s32 $0x0, v63;
	v54 =	vand.u32 v62, v54  }
0x1a4: {  	vm10 =	vlt.s32 v55, $0x0;
	v58 =	vsub.s32 $0x0, v61;
	v57 =	vand.u32 v60, v54;
	v54 =	vld [tilespmem:s13+$0x1A00]  }
0x1a5: {  	v63 =	vxor.u32 v46, v53;
	v62 =	vsub.s32 $0x0, v59;
	v57 =	vand.u32 v58, v57  }
0x1a6: {  	v61 =	vxor.u32 v49, v53;
	v60 =	vsub.s32 $0x0, v63;
	v57 =	vand.u32 v62, v57  }
0x1a7: {  	v63 =	vxor.u32 v50, v53;
	v62 =	vsub.s32 $0x0, v61;
	v57 =	vand.u32 v60, v57  }
0x1a8: {  	v55 =	vsel vm10, $0x3F800000, v0;
	v60 =	vsub.s32 $0x0, v63;
	v57 =	vand.u32 v62, v57  }
0x1a9: {  	v57 =	vand.u32 v60, v57;
	v61 =	vxor.u32 v7, v54;
	v62 =	vsub.s32 $0x0, v54  }
0x1aa: {  	v63 =	vxor.u32 v6, v54;
	vm11 =	vlt.s32 v57, $0x0;
	v57 =	vsub.s32 $0x0, v61  }
0x1ab: {  	v60 =	vsub.s32 $0x0, v63;
	v61 =	vxor.u32 v3, v54;
	v57 =	vand.u32 v62, v57  }
0x1ac: {  	v63 =	vxor.u32 v2, v54;
	v62 =	vsub.s32 $0x0, v61;
	v57 =	vand.u32 v60, v57  }
0x1ad: {  	v61 =	vxor.u32 v8, v54;
	v60 =	vsub.s32 $0x0, v63;
	v57 =	vand.u32 v62, v57  }
0x1ae: {  	v63 =	vxor.u32 v9, v54;
	v62 =	vsub.s32 $0x0, v61;
	v57 =	vand.u32 v60, v57  }
0x1af: {  	v61 =	vxor.u32 v12, v54;
	v60 =	vsub.s32 $0x0, v63;
	v57 =	vand.u32 v62, v57  }
0x1b0: {  	v63 =	vxor.u32 v13, v54;
	v62 =	vsub.s32 $0x0, v61;
	v57 =	vand.u32 v60, v57  }
0x1b1: {  	v61 =	vxor.u32 v16, v54;
	v60 =	vsub.s32 $0x0, v63;
	v57 =	vand.u32 v62, v57  }
0x1b2: {  	v63 =	vxor.u32 v17, v54;
	v62 =	vsub.s32 $0x0, v61;
	v57 =	vand.u32 v60, v57  }
0x1b3: {  	v61 =	vxor.u32 v19, v54;
	v60 =	vsub.s32 $0x0, v63;
	v57 =	vand.u32 v62, v57  }
0x1b4: {  	v63 =	vxor.u32 v21, v54;
	v62 =	vsub.s32 $0x0, v61;
	v57 =	vand.u32 v60, v57  }
0x1b5: {  	v61 =	vxor.u32 v22, v54;
	v60 =	vsub.s32 $0x0, v63;
	v57 =	vand.u32 v62, v57  }
0x1b6: {  	v63 =	vxor.u32 v25, v54;
	v62 =	vsub.s32 $0x0, v61;
	v57 =	vand.u32 v60, v57  }
0x1b7: {  	v61 =	vxor.u32 v26, v54;
	v60 =	vsub.s32 $0x0, v63;
	v57 =	vand.u32 v62, v57  }
0x1b8: {  	v63 =	vxor.u32 v29, v54;
	v62 =	vsub.s32 $0x0, v61;
	v57 =	vand.u32 v60, v57  }
0x1b9: {  	v61 =	vxor.u32 v30, v54;
	v60 =	vsub.s32 $0x0, v63;
	v57 =	vand.u32 v62, v57  }
0x1ba: {  	v63 =	vxor.u32 v33, v54;
	v62 =	vsub.s32 $0x0, v61;
	v57 =	vand.u32 v60, v57  }
0x1bb: {  	v61 =	vxor.u32 v34, v54;
	v60 =	vsub.s32 $0x0, v63;
	v57 =	vand.u32 v62, v57  }
0x1bc: {  	v63 =	vxor.u32 v37, v54;
	v62 =	vsub.s32 $0x0, v61;
	v57 =	vand.u32 v60, v57  }
0x1bd: {  	v61 =	vxor.u32 v38, v54;
	v60 =	vsub.s32 $0x0, v63;
	v57 =	vand.u32 v62, v57  }
0x1be: {  	v63 =	vxor.u32 v41, v54;
	v62 =	vsub.s32 $0x0, v61;
	v57 =	vand.u32 v60, v57  }
0x1bf: {  	s21 =	sor.u32 $0x1A80, s21;
	v59 =	vsub.s32 $0x0, v63;
	v60 =	vxor.u32 v42, v54;
	v58 =	vand.u32 v62, v57  }
0x1c0: {  	v57 =	vld [tilespmem:s21+$0x0];
	v58 =	vand.u32 v59, v58;
	v59 =	vsub.s32 $0x0, v60;
	v60 =	vxor.u32 v45, v54  }
0x1c1: {  	v58 =	vand.u32 v59, v58;
	v59 =	vsub.s32 $0x0, v60;
	v60 =	vxor.u32 v46, v54  }
0x1c2: {  	v58 =	vand.u32 v59, v58;
	v59 =	vsub.s32 $0x0, v60;
	v60 =	vxor.u32 v49, v54  }
0x1c3: {  	v58 =	vand.u32 v59, v58;
	v59 =	vsub.s32 $0x0, v60;
	v60 =	vxor.u32 v50, v54  }
0x1c4: {  	v58 =	vand.u32 v59, v58;
	v59 =	vsub.s32 $0x0, v60;
	v60 =	vxor.u32 v53, v54  }
0x1c5: {  	v61 =	vsub.s32 $0x0, v57;
	v62 =	vxor.u32 v6, v57;
	v63 =	vxor.u32 v49, v57  }
0x1c6: {  	v59 =	vand.u32 v59, v58;
	v60 =	vsub.s32 $0x0, v60;
	v58 =	vxor.u32 v7, v57  }
0x1c7: {  	v58 =	vsub.s32 $0x0, v58;
	v59 =	vand.u32 v60, v59;
	v60 =	vsel vm11, $0x3F800000, v0  }
0x1c8: {  	v58 =	vand.u32 v61, v58;
	v61 =	vsub.s32 $0x0, v62;
	v62 =	vxor.u32 v3, v57  }
0x1c9: {  	v58 =	vand.u32 v61, v58;
	v61 =	vsub.s32 $0x0, v62;
	v62 =	vxor.u32 v2, v57  }
0x1ca: {  	v58 =	vand.u32 v61, v58;
	v61 =	vsub.s32 $0x0, v62;
	v62 =	vxor.u32 v8, v57  }
0x1cb: {  	v58 =	vand.u32 v61, v58;
	v61 =	vsub.s32 $0x0, v62;
	v62 =	vxor.u32 v9, v57  }
0x1cc: {  	v58 =	vand.u32 v61, v58;
	v61 =	vsub.s32 $0x0, v62;
	v62 =	vxor.u32 v12, v57  }
0x1cd: {  	v58 =	vand.u32 v61, v58;
	v61 =	vsub.s32 $0x0, v62;
	v62 =	vxor.u32 v13, v57  }
0x1ce: {  	v58 =	vand.u32 v61, v58;
	v61 =	vsub.s32 $0x0, v62;
	v62 =	vxor.u32 v16, v57  }
0x1cf: {  	v58 =	vand.u32 v61, v58;
	v61 =	vsub.s32 $0x0, v62;
	v62 =	vxor.u32 v17, v57  }
0x1d0: {  	v58 =	vand.u32 v61, v58;
	v61 =	vsub.s32 $0x0, v62;
	v62 =	vxor.u32 v19, v57  }
0x1d1: {  	v58 =	vand.u32 v61, v58;
	v61 =	vsub.s32 $0x0, v62;
	v62 =	vxor.u32 v21, v57  }
0x1d2: {  	v58 =	vand.u32 v61, v58;
	v61 =	vsub.s32 $0x0, v62;
	v62 =	vxor.u32 v22, v57  }
0x1d3: {  	v58 =	vand.u32 v61, v58;
	v61 =	vsub.s32 $0x0, v62;
	v62 =	vxor.u32 v25, v57  }
0x1d4: {  	v58 =	vand.u32 v61, v58;
	v61 =	vsub.s32 $0x0, v62;
	v62 =	vxor.u32 v26, v57  }
0x1d5: {  	v58 =	vand.u32 v61, v58;
	v61 =	vsub.s32 $0x0, v62;
	v62 =	vxor.u32 v29, v57  }
0x1d6: {  	v58 =	vand.u32 v61, v58;
	v61 =	vsub.s32 $0x0, v62;
	v62 =	vxor.u32 v30, v57  }
0x1d7: {  	v58 =	vand.u32 v61, v58;
	v61 =	vsub.s32 $0x0, v62;
	v62 =	vxor.u32 v33, v57  }
0x1d8: {  	v58 =	vand.u32 v61, v58;
	v61 =	vsub.s32 $0x0, v62;
	v62 =	vxor.u32 v34, v57  }
0x1d9: {  	v58 =	vand.u32 v61, v58;
	v61 =	vsub.s32 $0x0, v62;
	v62 =	vxor.u32 v37, v57  }
0x1da: {  	v58 =	vand.u32 v61, v58;
	v61 =	vsub.s32 $0x0, v62;
	v62 =	vxor.u32 v38, v57  }
0x1db: {  	v58 =	vand.u32 v61, v58;
	v61 =	vsub.s32 $0x0, v62;
	v62 =	vxor.u32 v41, v57  }
0x1dc: {  	v58 =	vand.u32 v61, v58;
	v61 =	vsub.s32 $0x0, v62;
	v62 =	vxor.u32 v42, v57  }
0x1dd: {  	v58 =	vand.u32 v61, v58;
	v61 =	vsub.s32 $0x0, v62;
	v62 =	vxor.u32 v45, v57  }
0x1de: {  	v58 =	vand.u32 v61, v58;
	v61 =	vsub.s32 $0x0, v62;
	v62 =	vxor.u32 v46, v57  }
0x1df: {  	vm12 =	vlt.s32 v59, $0x0;
	v61 =	vand.u32 v61, v58;
	v62 =	vsub.s32 $0x0, v62;
	v58 =	vld [tilespmem:s13+$0x1B00]  }
0x1e0: {  	v61 =	vand.u32 v62, v61;
	v62 =	vsub.s32 $0x0, v63;
	v63 =	vxor.u32 v50, v57  }
0x1e1: {  	v61 =	vand.u32 v62, v61;
	v62 =	vsub.s32 $0x0, v63;
	v63 =	vxor.u32 v53, v57  }
0x1e2: {  	v61 =	vand.u32 v62, v61;
	v62 =	vsub.s32 $0x0, v63;
	v63 =	vxor.u32 v54, v57  }
0x1e3: {  	v59 =	vsel vm12, $0x3F800000, v0;
	v61 =	vand.u32 v62, v61;
	v62 =	vsub.s32 $0x0, v63  }
0x1e4: {  	v61 =	vand.u32 v62, v61;
	v0 =	vxor.u32 v7, v58;
	v62 =	vsub.s32 $0x0, v58  }
0x1e5: {  	vm13 =	vlt.s32 v61, $0x0;
	v61 =	vsub.s32 $0x0, v0;
	v0 =	vxor.u32 v6, v58  }
0x1e6: {  	v61 =	vand.u32 v62, v61;
	v62 =	vsub.s32 $0x0, v0;
	v0 =	vxor.u32 v3, v58  }
0x1e7: {  	v61 =	vand.u32 v62, v61;
	v62 =	vsub.s32 $0x0, v0;
	v0 =	vxor.u32 v2, v58  }
0x1e8: {  	v61 =	vand.u32 v62, v61;
	v62 =	vsub.s32 $0x0, v0;
	v0 =	vxor.u32 v8, v58  }
0x1e9: {  	v61 =	vand.u32 v62, v61;
	v62 =	vsub.s32 $0x0, v0;
	v0 =	vxor.u32 v9, v58  }
0x1ea: {  	v61 =	vand.u32 v62, v61;
	v62 =	vsub.s32 $0x0, v0;
	v0 =	vxor.u32 v12, v58  }
0x1eb: {  	v61 =	vand.u32 v62, v61;
	v62 =	vsub.s32 $0x0, v0;
	v0 =	vxor.u32 v13, v58  }
0x1ec: {  	v61 =	vand.u32 v62, v61;
	v62 =	vsub.s32 $0x0, v0;
	v0 =	vxor.u32 v16, v58  }
0x1ed: {  	v61 =	vand.u32 v62, v61;
	v62 =	vsub.s32 $0x0, v0;
	v0 =	vxor.u32 v17, v58  }
0x1ee: {  	v61 =	vand.u32 v62, v61;
	v62 =	vsub.s32 $0x0, v0;
	v0 =	vxor.u32 v19, v58  }
0x1ef: {  	v61 =	vand.u32 v62, v61;
	v62 =	vsub.s32 $0x0, v0;
	v0 =	vxor.u32 v21, v58  }
0x1f0: {  	v61 =	vand.u32 v62, v61;
	v62 =	vsub.s32 $0x0, v0;
	v0 =	vxor.u32 v22, v58  }
0x1f1: {  	v61 =	vand.u32 v62, v61;
	v62 =	vsub.s32 $0x0, v0;
	v0 =	vxor.u32 v25, v58  }
0x1f2: {  	v61 =	vand.u32 v62, v61;
	v62 =	vsub.s32 $0x0, v0;
	v0 =	vxor.u32 v26, v58  }
0x1f3: {  	v61 =	vand.u32 v62, v61;
	v62 =	vsub.s32 $0x0, v0;
	v0 =	vxor.u32 v29, v58  }
0x1f4: {  	s19 =	sor.u32 $0x1B80, s19;
	v62 =	vand.u32 v62, v61;
	v63 =	vsub.s32 $0x0, v0;
	v0 =	vxor.u32 v30, v58  }
0x1f5: {  	v61 =	vld [tilespmem:s19+$0x0];
	v62 =	vand.u32 v63, v62;
	v0 =	vsub.s32 $0x0, v0;
	v63 =	vxor.u32 v33, v58  }
0x1f6: {  	v0 =	vand.u32 v0, v62;
	v62 =	vsub.s32 $0x0, v63;
	v63 =	vxor.u32 v34, v58  }
0x1f7: {  	v0 =	vand.u32 v62, v0;
	v62 =	vsub.s32 $0x0, v63;
	v63 =	vxor.u32 v37, v58  }
0x1f8: {  	v0 =	vand.u32 v62, v0;
	v62 =	vsub.s32 $0x0, v63  }
0x1f9: {  	[tilespmem:s13+$0x2000] =	vst v1;
	v63 =	vxor.u32 v38, v58;
	v0 =	vand.u32 v62, v0  }
0x1fa: {  	[tilespmem:s31+$0x2000] =	vst v5;
	v62 =	vsub.s32 $0x0, v63;
	v63 =	vxor.u32 v41, v58;
	v7 =	vxor.u32 v7, v61  }
0x1fb: {  	[tilespmem:s13+$0x2100] =	vst v4;
	v6 =	vxor.u32 v6, v61;
	v3 =	vxor.u32 v3, v61;
	v2 =	vxor.u32 v2, v61  }
0x1fc: {  	[tilespmem:s14+$0x2000] =	vst v10;
	v16 =	vxor.u32 v16, v61;
	v17 =	vxor.u32 v17, v61;
	v0 =	vand.u32 v62, v0  }
0x1fd: {  	[tilespmem:s13+$0x2200] =	vst v11;
	v62 =	vsub.s32 $0x0, v63;
	v63 =	vsub.s32 $0x0, v61;
	v7 =	vsub.s32 $0x0, v7  }
0x1fe: {  	[tilespmem:s16+$0x2000] =	vst v15;
	v6 =	vsub.s32 $0x0, v6;
	v3 =	vsub.s32 $0x0, v3;
	v2 =	vsub.s32 $0x0, v2  }
0x1ff: {  	[tilespmem:s13+$0x2300] =	vst v14;
	v0 =	vand.u32 v62, v0;
	v7 =	vand.u32 v63, v7;
	v62 =	vxor.u32 v45, v58  }
0x200: {  	[tilespmem:s17+$0x2000] =	vst v20;
	v20 =	vxor.u32 v25, v61;
	v25 =	vxor.u32 v29, v61;
	v29 =	vxor.u32 v30, v61  }
0x201: {  	v30 =	vxor.u32 v33, v61;
	v6 =	vand.u32 v6, v7;
	v7 =	vxor.u32 v42, v58  }
0x202: {  	[tilespmem:s13+$0x2800] =	vst v18;
	v7 =	vsub.s32 $0x0, v7;
	v3 =	vand.u32 v3, v6;
	v6 =	vxor.u32 v8, v61  }
0x203: {  	v8 =	vimm.f32 $0.0e+00;
	[tilespmem:s18+$0x2000] =	vst v24;
	v24 =	vxor.u32 v26, v61;
	v26 =	vsub.s32 $0x0, v25  }
0x204: {  	v0 =	vand.u32 v7, v0;
	v2 =	vand.u32 v2, v3;
	v3 =	vsub.s32 $0x0, v62  }
0x205: {  	v6 =	vsub.s32 $0x0, v6;
	v7 =	vxor.u32 v9, v61;
	v62 =	vxor.u32 v46, v58  }
0x206: {  	v0 =	vand.u32 v3, v0;
	v2 =	vand.u32 v6, v2;
	v63 =	vsub.s32 $0x0, v7  }
0x207: {  	v6 =	vxor.u32 v12, v61;
	v3 =	vsub.s32 $0x0, v62;
	v7 =	vxor.u32 v13, v61  }
0x208: {  	[tilespmem:s13+$0x2900] =	vst v23;
	v13 =	vxor.u32 v49, v58;
	v62 =	vsub.s32 $0x0, v17;
	v17 =	vxor.u32 v53, v58  }
0x209: {  	[tilespmem:s20+$0x2000] =	vst v28;
	v28 =	vxor.u32 v57, v58;
	v2 =	vand.u32 v63, v2;
	v6 =	vsub.s32 $0x0, v6  }
0x20a: {  	v0 =	vand.u32 v3, v0;
	v63 =	vsub.s32 $0x0, v7;
	v3 =	vsub.s32 $0x0, v16;
	[tilespmem:s13+$0x2A00] =	vst v27  }
0x20b: {  	v2 =	vand.u32 v6, v2;
	[tilespmem:s22+$0x2000] =	vst v32;
	v32 =	vxor.u32 v34, v61;
	v34 =	vxor.u32 v37, v61  }
0x20c: {  	v12 =	vand.u32 v63, v2;
	v2 =	vsub.s32 $0x0, v13;
	v63 =	vxor.u32 v50, v58  }
0x20d: {  	v13 =	vxor.u32 v21, v61;
	v1 =	vand.u32 v3, v12;
	v12 =	vxor.u32 v19, v61  }
0x20e: {  	v21 =	vsub.s32 $0x0, v20;
	v1 =	vand.u32 v62, v1;
	v3 =	vsub.s32 $0x0, v12  }
0x20f: {  	v16 =	vsub.s32 $0x0, v13;
	v19 =	vxor.u32 v22, v61;
	v1 =	vand.u32 v3, v1  }
0x210: {  	[tilespmem:s13+$0x2B00] =	vst v31;
	v31 =	vsub.s32 $0x0, v30;
	v3 =	vsub.s32 $0x0, v19;
	v1 =	vand.u32 v16, v1  }
0x211: {  	v33 =	vsub.s32 $0x0, v32;
	v0 =	vand.u32 v2, v0;
	v1 =	vand.u32 v3, v1  }
0x212: {  	v2 =	vsub.s32 $0x0, v63;
	v3 =	vsub.s32 $0x0, v24;
	v1 =	vand.u32 v21, v1  }
0x213: {  	v22 =	vxor.u32 v54, v58;
	[tilespmem:s23+$0x2000] =	vst v36;
	v36 =	vxor.u32 v38, v61;
	v1 =	vand.u32 v3, v1  }
0x214: {  	v38 =	vxor.u32 v41, v61;
	v3 =	vsub.s32 $0x0, v29;
	v1 =	vand.u32 v26, v1  }
0x215: {  	v58 =	vxor.u32 v58, v61;
	v0 =	vand.u32 v2, v0;
	v1 =	vand.u32 v3, v1  }
0x216: {  	v2 =	vsub.s32 $0x0, v17;
	[tilespmem:s13+$0x3000] =	vst v35;
	v35 =	vsub.s32 $0x0, v34;
	v1 =	vand.u32 v31, v1  }
0x217: {  	v37 =	vsub.s32 $0x0, v36;
	v0 =	vand.u32 v2, v0;
	v1 =	vand.u32 v33, v1  }
0x218: {  	v2 =	vsub.s32 $0x0, v22;
	[tilespmem:s24+$0x2000] =	vst v40;
	v40 =	vxor.u32 v42, v61;
	v1 =	vand.u32 v35, v1  }
0x219: {  	v42 =	vxor.u32 v45, v61;
	[tilespmem:s13+$0x3100] =	vst v39;
	v39 =	vsub.s32 $0x0, v38;
	v1 =	vand.u32 v37, v1  }
0x21a: {  	v0 =	vand.u32 v2, v0;
	v41 =	vsub.s32 $0x0, v40;
	[tilespmem:s25+$0x2000] =	vst v44;
	v1 =	vand.u32 v39, v1  }
0x21b: {  	v44 =	vxor.u32 v46, v61;
	[tilespmem:s13+$0x3200] =	vst v43;
	v43 =	vsub.s32 $0x0, v42;
	v1 =	vand.u32 v41, v1  }
0x21c: {  	v46 =	vxor.u32 v49, v61;
	v45 =	vsub.s32 $0x0, v44;
	[tilespmem:s26+$0x2000] =	vst v48;
	v1 =	vand.u32 v43, v1  }
0x21d: {  	v48 =	vxor.u32 v50, v61;
	[tilespmem:s13+$0x3300] =	vst v47;
	v47 =	vsub.s32 $0x0, v46;
	v1 =	vand.u32 v45, v1  }
0x21e: {  	v50 =	vxor.u32 v53, v61;
	v49 =	vsub.s32 $0x0, v48;
	[tilespmem:s28+$0x2000] =	vst v52;
	v1 =	vand.u32 v47, v1  }
0x21f: {  	v53 =	vxor.u32 v54, v61;
	v52 =	vsub.s32 $0x0, v50;
	[tilespmem:s13+$0x3800] =	vst v51;
	v1 =	vand.u32 v49, v1  }
0x220: {  	v54 =	vsub.s32 $0x0, v53;
	[tilespmem:s29+$0x2000] =	vst v56;
	v56 =	vxor.u32 v57, v61;
	v1 =	vand.u32 v52, v1  }
0x221: {  	p0 =	sne.s32 s12, $0xF0;
	v2 =	vsub.s32 $0x0, v28;
	[tilespmem:s13+$0x3900] =	vst v55;
	v57 =	vsub.s32 $0x0, v56;
	v1 =	vand.u32 v54, v1  }
.Ltmp0:
0x222: {  	v0 =	vand.u32 v2, v0;
	[tilespmem:s30+$0x2000] =	vst v60;
	v60 =	vsub.s32 $0x0, v58;
	v1 =	vand.u32 v57, v1;
	(pc) =	sbr.rel @p0 .LBB2_2-.Ltmp0, $4  }
0x223: {  	vm14 =	vlt.s32 v0, $0x0;
	v61 =	vsel vm13, $0x3F800000, v8;
	[tilespmem:s13+$0x3A00] =	vst v59;
	v62 =	vand.u32 v60, v1  }
0x224: {  	v63 =	vsel vm14, $0x3F800000, v8;
	[tilespmem:s21+$0x2000] =	vst v61;
	vm15 =	vlt.s32 v62, $0x0  }
0x225: {  	[tilespmem:s13+$0x3B00] =	vst v63;
	v0 =	vsel vm15, $0x3F800000, v8  }
0x226: {  	s11 =	sadd.s32 $0x80, s11;
	s12 =	sadd.s32 $0x10, s12;
	[tilespmem:s19+$0x2000] =	vst v0  }
0x227: {  	s10 =	sadd.s32 $0x1, s10  }
0x228: {  	p0 =	sne.s32 s10, s5  }
.Ltmp1:
0x229: {  	_ = 	snop;
	(pc) =	sbr.rel @p0 .LBB2_1-.Ltmp1, $4  }
0x22a: {  	[hbm4b:s4+s6] =	stream.strided.scatter [tilespmem:s9], [sflag:$0x1], $0x2000, s7, s6, $0x38;
	[tilespmem:$0x4000] =	vst v63  }
0x22b: {  	_ =	swait.ge [sflag:s8], $0x2000  }
0x22c: {  	[sflag:s8] =	ssyncset.done $0x0  }
0x22d: {  	[sflag:s8] =	ssyncadd.s32 $0xFFFFE000  }
0x22e: {  	_ =	sfence.sel $0x180000  }
0x22f: {  	[bflag:$0x0] =	sbarrier.arrive $0xFFFF  }
0x230: {  	p0 =	sne.s32 s1, $0x0;
	_ =	strace $0x90000047  }
0x231: {  	s0 =	sadd.s32 @!p0 $0x100000, s0;
	[bflag:$0x2] =	sbarrier.arrive $0xFFFF  }
0x232: {  	[sflag:s0] =	ssyncadd.tile.s32 @!p0 $0x1;
	_ =	shalt  }
.Lfunc_end2:
_tile_overlayer_lowered:
.L_overlay_start_2:
0x233: {  	(tag) =	ssettag $0x2  }
0x234: {  	s0 =	rddreg [dreg:$0x0];
	s2 =	stileid.u32  }
0x235: {  	s1 =	rddreg [dreg:$0x1];
	p0 =	sne.s32 s2, $0x0  }
0x236: {  	s3 =	rddreg [dreg:$0x2];
	[bflag:$0x3] =	sbarrier.arrive $0xFFFF;
	s2 =	simm.s32 @!p0 $0x1C01  }
0x237: {  	[timem:s3], [sflag:s2] =	dma.local @!p0 [hbm:s0], s1  }
0x238: {  	s0 =	simm.s32 @!p0 $0x1  }
0x239: {  	_ =	swait.ge @!p0 [sflag:s0], s1  }
0x23a: {  	s1 =	ssub.s32 @!p0 $0x0, s1;
	[sflag:s0] =	ssyncset.done @!p0 $0x0  }
0x23b: {  	[sflag:s0] =	ssyncadd.s32 @!p0 s1  }
0x23c: {  	[bflag:$0x3] =	sbarrier.arrive $0xFFFF  }
0x23d: {  	_ =	shalt  }

</sc_bundles>
